<compile_context>
chip_gen: v7x
topology: tpu7x:2x2x1
jax: 0.10.2.dev20260603
libtpu: 0.0.44.dev20260713+nightly
codegen_flags: <defaults>
</compile_context>

<pallas_src>
import jax
import jax.numpy as jnp
from jax import lax
from jax.experimental import pallas as pl
from jax.experimental.pallas import tpu as pltpu
from jax.experimental.pallas import tpu_sc as plsc

N = 10000
E = 320000
D = 128
NC = 2
NS = 16
NW = NC * NS
G = 16
CH = 128
NCH = E // CH
NP = 10240
RPT = NP // NS
ZCH = 128


def _mesh():
    return plsc.VectorSubcoreMesh(core_axis_name="c", subcore_axis_name="s",
                                  num_cores=NC, num_subcores=NS)


def _sc_cnt_body(dst_hbm, zcnt_hbm, ones_hbm, cnt_out, idx_d, idx_b, ones_v,
                 zcnt_v, sem_a, sem_b, cnt_sh):
    c = lax.axis_index("c")
    s = lax.axis_index("s")
    wid = s * NC + c

    pltpu.sync_copy(zcnt_hbm, zcnt_v)
    for j in range(RPT // ZCH):
        pltpu.sync_copy(zcnt_v, cnt_sh.at[pl.ds(s * RPT + j * ZCH, ZCH)])
    pltpu.sync_copy(ones_hbm, ones_v)
    plsc.subcore_barrier()

    n_i = (NCH - wid + NW - 1) // NW

    def itp(j, carry):
        base_a = (wid + NW * 2 * j) * CH
        base_b = (wid + NW * (2 * j + 1)) * CH
        da = pltpu.async_copy(dst_hbm.at[pl.ds(base_a, CH)], idx_d, sem_a)
        db = pltpu.async_copy(dst_hbm.at[pl.ds(base_b, CH)], idx_b, sem_b)
        da.wait()
        pltpu.sync_copy(ones_v, cnt_sh.at[idx_d], add=True)
        db.wait()
        pltpu.sync_copy(ones_v, cnt_sh.at[idx_b], add=True)
        return carry

    lax.fori_loop(0, n_i // 2, itp, 0)

    @pl.when(n_i % 2 == 1)
    def _tail():
        base = (wid + NW * (n_i - 1)) * CH
        pltpu.sync_copy(dst_hbm.at[pl.ds(base, CH)], idx_d)
        pltpu.sync_copy(ones_v, cnt_sh.at[idx_d], add=True)

    plsc.subcore_barrier()

    out_base = c * NP + s * RPT
    for j in range(RPT // ZCH):
        pltpu.sync_copy(cnt_sh.at[pl.ds(s * RPT + j * ZCH, ZCH)], zcnt_v)
        pltpu.sync_copy(zcnt_v, cnt_out.at[pl.ds(out_base + j * ZCH, ZCH)])


def _sc_counts(dst):
    zcnt = jnp.zeros((ZCH, D), jnp.float32)
    ones16 = jnp.ones((CH, D), jnp.float32)
    k = pl.kernel(
        _sc_cnt_body,
        out_type=jax.ShapeDtypeStruct((NC * NP, D), jnp.float32),
        mesh=_mesh(),
        scratch_types=[
            pltpu.VMEM((CH,), jnp.int32),
            pltpu.VMEM((CH,), jnp.int32),
            pltpu.VMEM((CH, D), jnp.float32),
            pltpu.VMEM((ZCH, D), jnp.float32),
            pltpu.SemaphoreType.DMA,
            pltpu.SemaphoreType.DMA,
            pltpu.VMEM_SHARED((NP, D), jnp.float32),
        ],
    )
    return k(dst, zcnt, ones16)


def _sc_agg_body(x_hbm, src_hbm, dst_hbm, zrows_hbm, acc_out, idx_s, idx_d,
                 idx_bs, idx_bd, rows, rows_b, sem_ia, sem_ja, sem_ib,
                 sem_jb, sem_ga, sem_gb, acc_sh):
    c = lax.axis_index("c")
    s = lax.axis_index("s")
    wid = s * NC + c

    pltpu.sync_copy(zrows_hbm, rows)
    for j in range(RPT // ZCH):
        pltpu.sync_copy(rows, acc_sh.at[pl.ds(s * RPT + j * ZCH, ZCH)])
    plsc.subcore_barrier()

    n_i = (NCH - wid + NW - 1) // NW

    def itp(j, carry):
        base_a = (wid + NW * 2 * j) * CH
        base_b = (wid + NW * (2 * j + 1)) * CH
        das = pltpu.async_copy(src_hbm.at[pl.ds(base_a, CH)], idx_s, sem_ia)
        dad = pltpu.async_copy(dst_hbm.at[pl.ds(base_a, CH)], idx_d, sem_ja)
        dbs = pltpu.async_copy(src_hbm.at[pl.ds(base_b, CH)], idx_bs, sem_ib)
        dbd = pltpu.async_copy(dst_hbm.at[pl.ds(base_b, CH)], idx_bd, sem_jb)
        das.wait()
        ga = pltpu.async_copy(x_hbm.at[idx_s], rows, sem_ga)
        dbs.wait()
        gb = pltpu.async_copy(x_hbm.at[idx_bs], rows_b, sem_gb)
        ga.wait()
        dad.wait()
        pltpu.sync_copy(rows, acc_sh.at[idx_d], add=True)
        gb.wait()
        dbd.wait()
        pltpu.sync_copy(rows_b, acc_sh.at[idx_bd], add=True)
        return carry

    lax.fori_loop(0, n_i // 2, itp, 0)

    @pl.when(n_i % 2 == 1)
    def _tail():
        base = (wid + NW * (n_i - 1)) * CH
        pltpu.sync_copy(src_hbm.at[pl.ds(base, CH)], idx_s)
        pltpu.sync_copy(dst_hbm.at[pl.ds(base, CH)], idx_d)
        pltpu.async_copy(x_hbm.at[idx_s], rows, sem_ga).wait()
        pltpu.sync_copy(rows, acc_sh.at[idx_d], add=True)

    plsc.subcore_barrier()

    out_base = c * NP + s * RPT
    for j in range(RPT // ZCH):
        pltpu.sync_copy(acc_sh.at[pl.ds(s * RPT + j * ZCH, ZCH)], rows)
        pltpu.sync_copy(rows, acc_out.at[pl.ds(out_base + j * ZCH, ZCH)])


def _sc_aggregate(x, src, dst):
    zrows = jnp.zeros((ZCH, D), jnp.float32)
    k = pl.kernel(
        _sc_agg_body,
        out_type=jax.ShapeDtypeStruct((NC * NP, D), jnp.float32),
        mesh=_mesh(),
        scratch_types=[
            pltpu.VMEM((CH,), jnp.int32),
            pltpu.VMEM((CH,), jnp.int32),
            pltpu.VMEM((CH,), jnp.int32),
            pltpu.VMEM((CH,), jnp.int32),
            pltpu.VMEM((ZCH, D), jnp.float32),
            pltpu.VMEM((CH, D), jnp.float32),
            pltpu.SemaphoreType.DMA,
            pltpu.SemaphoreType.DMA,
            pltpu.SemaphoreType.DMA,
            pltpu.SemaphoreType.DMA,
            pltpu.SemaphoreType.DMA,
            pltpu.SemaphoreType.DMA,
            pltpu.VMEM_SHARED((NP, D), jnp.float32),
        ],
    )
    return k(x, src, dst, zrows)


def _tc_combine_body(acca, accb, cnta, cntb, x_ref, wl, wr, b_ref, o_ref):
    cnt = cnta[:, 0:1] + cntb[:, 0:1]
    inv = 1.0 / jnp.maximum(cnt, 1.0)
    agg = (acca[...] + accb[...]) * inv
    h = jnp.dot(agg, wl[...], preferred_element_type=jnp.float32)
    h = h + jnp.dot(x_ref[...], wr[...], preferred_element_type=jnp.float32)
    o_ref[...] = jnp.maximum(h + b_ref[...], 0.0)


def _tc_combine(acc, cnt, x, W_l, W_r, b):
    BR = 1000
    grid = (N // BR,)
    row_spec = pl.BlockSpec((BR, D), lambda i: (i, 0))
    cnt_spec = pl.BlockSpec((BR, D), lambda i: (i, 0))
    full_spec = pl.BlockSpec((D, D), lambda i: (0, 0))
    return pl.pallas_call(
        _tc_combine_body,
        grid=grid,
        in_specs=[row_spec, row_spec, cnt_spec, cnt_spec, row_spec,
                  full_spec, full_spec, pl.BlockSpec((1, D), lambda i: (0, 0))],
        out_specs=row_spec,
        out_shape=jax.ShapeDtypeStruct((N, D), jnp.float32),
    )(acc[:N], acc[NP:NP + N], cnt[:N], cnt[NP:NP + N], x, W_l, W_r, b.reshape(1, D))


def kernel(x, edge_index, W_l1, b_l1, W_r1, W_l2, b_l2, W_r2):
    src = edge_index[0].astype(jnp.int32)
    dst = edge_index[1].astype(jnp.int32)
    cnt = _sc_counts(dst)
    acc1 = _sc_aggregate(x, src, dst)
    h = _tc_combine(acc1, cnt, x, W_l1, W_r1, b_l1)
    acc2 = _sc_aggregate(h, src, dst)
    return _tc_combine(acc2, cnt, h, W_l2, W_r2, b_l2)

# --- scband reference (transcript-rebuilt; emitter-appended) ---
"""Pipeline reference for scband-gcncustom-12077448036415 (READ-ONLY COPY).

The authoritative reference and input builder live on the scoring server;
editing this copy changes nothing except your own understanding.
"""

import jax, jax.numpy as jnp
import numpy as np

N_NODES = 10000
N_EDGES = 320000
D = 128


def setup_inputs(seed: int = 0) -> dict:
    key = jax.random.key(seed)
    ks = jax.random.split(key, 10)
    x = jax.random.normal(ks[0], (N_NODES, D), dtype=jnp.float32)
    edge_index = jax.random.randint(ks[1], (2, N_EDGES), 0, N_NODES, dtype=jnp.int64)
    s = 1.0 / np.sqrt(D)
    # SAGEConv layer 1 params: lin_l (neighbor, with bias) and lin_r (root, no bias)
    W_l1 = jax.random.uniform(ks[2], (D, D), dtype=jnp.float32, minval=-s, maxval=s)
    b_l1 = jax.random.uniform(ks[3], (D,), dtype=jnp.float32, minval=-s, maxval=s)
    W_r1 = jax.random.uniform(ks[4], (D, D), dtype=jnp.float32, minval=-s, maxval=s)
    # SAGEConv layer 2 params
    W_l2 = jax.random.uniform(ks[5], (D, D), dtype=jnp.float32, minval=-s, maxval=s)
    b_l2 = jax.random.uniform(ks[6], (D,), dtype=jnp.float32, minval=-s, maxval=s)
    W_r2 = jax.random.uniform(ks[7], (D, D), dtype=jnp.float32, minval=-s, maxval=s)
    return {"x": x, "edge_index": edge_index, "W_l1": W_l1, "b_l1": b_l1, "W_r1": W_r1,
            "W_l2": W_l2, "b_l2": b_l2, "W_r2": W_r2}


def _sage_conv(x, src, dst, W_l, b_l, W_r):
    # mean aggregation of neighbor messages x[src] into dst nodes
    msg = jnp.take(x, src, axis=0)
    agg = jax.ops.segment_sum(msg, dst, num_segments=N_NODES)
    cnt = jax.ops.segment_sum(jnp.ones((src.shape[0],), dtype=x.dtype), dst, num_segments=N_NODES)
    agg = agg / jnp.clip(cnt, 1.0, None)[:, None]
    return agg @ W_l + b_l + x @ W_r


def reference(x, edge_index, W_l1, b_l1, W_r1, W_l2, b_l2, W_r2):
    src = edge_index[0]
    dst = edge_index[1]
    h = _sage_conv(x, src, dst, W_l1, b_l1, W_r1)
    h = jax.nn.relu(h)
    # dropout is identity in inference
    h = _sage_conv(h, src, dst, W_l2, b_l2, W_r2)
    h = jax.nn.relu(h)
    return h

if __name__ == "__main__":
    import jax
    _d = setup_inputs()
    print(jax.jit(kernel)(*tuple(_d.values())))

</pallas_src>

<mosaic_0001>
#map = affine_map<(d0, d1) -> (0, 0)>
#map1 = affine_map<(d0, d1) -> (0)>
module attributes {stable_mosaic.version = 14 : i64} {
  func.func @_sc_agg_body(%arg0: i32, %arg1: i32, %arg2: memref<10000x128xf32, #tpu.memory_space<hbm>>, %arg3: memref<320000xi32, #tpu.memory_space<hbm>>, %arg4: memref<320000xi32, #tpu.memory_space<hbm>>, %arg5: memref<128x128xf32, #tpu.memory_space<hbm>>, %arg6: memref<20480x128xf32, #tpu.memory_space<hbm>>, %arg7: memref<128xi32, #tpu.memory_space<vmem>>, %arg8: memref<128xi32, #tpu.memory_space<vmem>>, %arg9: memref<128xi32, #tpu.memory_space<vmem>>, %arg10: memref<128xi32, #tpu.memory_space<vmem>>, %arg11: memref<128x128xf32, #tpu.memory_space<vmem>>, %arg12: memref<128x128xf32, #tpu.memory_space<vmem>>, %arg13: memref<!tpu.dma_semaphore, #tpu.memory_space<semaphore_mem>>, %arg14: memref<!tpu.dma_semaphore, #tpu.memory_space<semaphore_mem>>, %arg15: memref<!tpu.dma_semaphore, #tpu.memory_space<semaphore_mem>>, %arg16: memref<!tpu.dma_semaphore, #tpu.memory_space<semaphore_mem>>, %arg17: memref<!tpu.dma_semaphore, #tpu.memory_space<semaphore_mem>>, %arg18: memref<!tpu.dma_semaphore, #tpu.memory_space<semaphore_mem>>, %arg19: memref<10240x128xf32, #tpu.memory_space<vmem_shared>>) attributes {dimension_semantics = [#tpu.dimension_semantics<core_parallel>, #tpu.dimension_semantics<subcore_parallel>], iteration_bounds = array<i64: 2, 16>, scalar_prefetch = 0 : i64, scratch_operands = 13 : i64, tpu.core_type = #tpu.core_type<sc_vector_subcore>, window_params = [{transform_indices = #map}, {transform_indices = #map1}, {transform_indices = #map1}, {transform_indices = #map}, {transform_indices = #map}]} {
    %mul3A = arith.constant 2 : i32
    %mul3A_0 = arith.muli %arg1, %mul3A : i32
    %add3A = arith.addi %mul3A_0, %arg0 : i32
    "tpu.region"() ({
      %run_scoped3A = tpu.sem_alloc : memref<!tpu.dma_semaphore, #tpu.memory_space<semaphore_mem>>
      tpu.enqueue_dma source(%arg5 : memref<128x128xf32, #tpu.memory_space<hbm>>) target(%arg11 : memref<128x128xf32, #tpu.memory_space<vmem>>) target_semaphore(%run_scoped3A : memref<!tpu.dma_semaphore, #tpu.memory_space<semaphore_mem>>)
      tpu.wait_dma2 semaphore(%run_scoped3A : memref<!tpu.dma_semaphore, #tpu.memory_space<semaphore_mem>>) src(%arg5 : memref<128x128xf32, #tpu.memory_space<hbm>>) dst(%arg11 : memref<128x128xf32, #tpu.memory_space<vmem>>)
      tpu.yield
    }) : () -> ()
    %mul3A_1 = arith.constant 640 : i32
    %mul3A_2 = arith.muli %arg1, %mul3A_1 : i32
    %add3A_3 = arith.constant 0 : i32
    %add3A_4 = arith.addi %mul3A_2, %add3A_3 : i32
    "tpu.region"() ({
      %run_scoped3A = tpu.sem_alloc : memref<!tpu.dma_semaphore, #tpu.memory_space<semaphore_mem>>
      %dma_start3A = arith.constant 0 : i32
      %dma_start3A_129 = tpu.memref_slice %arg19[%add3A_4, %dma_start3A] : memref<10240x128xf32, #tpu.memory_space<vmem_shared>> -> memref<128x128xf32, #tpu.memory_space<vmem_shared>>
      %dma_start3A_130 = arith.constant 0 : i32
      %dma_start3A_131 = tpu.memref_slice %arg19[%add3A_4, %dma_start3A_130] : memref<10240x128xf32, #tpu.memory_space<vmem_shared>> -> memref<128x128xf32, #tpu.memory_space<vmem_shared>>
      tpu.enqueue_dma source(%arg11 : memref<128x128xf32, #tpu.memory_space<vmem>>) target(%dma_start3A_131 : memref<128x128xf32, #tpu.memory_space<vmem_shared>>) target_semaphore(%run_scoped3A : memref<!tpu.dma_semaphore, #tpu.memory_space<semaphore_mem>>)
      %dma_wait3A = arith.constant 0 : i32
      %dma_wait3A_132 = tpu.memref_slice %arg19[%add3A_4, %dma_wait3A] : memref<10240x128xf32, #tpu.memory_space<vmem_shared>> -> memref<128x128xf32, #tpu.memory_space<vmem_shared>>
      %dma_wait3A_133 = arith.constant 0 : i32
      %dma_wait3A_134 = tpu.memref_slice %arg19[%add3A_4, %dma_wait3A_133] : memref<10240x128xf32, #tpu.memory_space<vmem_shared>> -> memref<128x128xf32, #tpu.memory_space<vmem_shared>>
      tpu.wait_dma2 semaphore(%run_scoped3A : memref<!tpu.dma_semaphore, #tpu.memory_space<semaphore_mem>>) src(%arg11 : memref<128x128xf32, #tpu.memory_space<vmem>>) dst(%dma_wait3A_134 : memref<128x128xf32, #tpu.memory_space<vmem_shared>>)
      tpu.yield
    }) : () -> ()
    %mul3A_5 = arith.constant 640 : i32
    %mul3A_6 = arith.muli %arg1, %mul3A_5 : i32
    %add3A_7 = arith.constant 128 : i32
    %add3A_8 = arith.addi %mul3A_6, %add3A_7 : i32
    "tpu.region"() ({
      %run_scoped3A = tpu.sem_alloc : memref<!tpu.dma_semaphore, #tpu.memory_space<semaphore_mem>>
      %dma_start3A = arith.constant 0 : i32
      %dma_start3A_129 = tpu.memref_slice %arg19[%add3A_8, %dma_start3A] : memref<10240x128xf32, #tpu.memory_space<vmem_shared>> -> memref<128x128xf32, #tpu.memory_space<vmem_shared>>
      %dma_start3A_130 = arith.constant 0 : i32
      %dma_start3A_131 = tpu.memref_slice %arg19[%add3A_8, %dma_start3A_130] : memref<10240x128xf32, #tpu.memory_space<vmem_shared>> -> memref<128x128xf32, #tpu.memory_space<vmem_shared>>
      tpu.enqueue_dma source(%arg11 : memref<128x128xf32, #tpu.memory_space<vmem>>) target(%dma_start3A_131 : memref<128x128xf32, #tpu.memory_space<vmem_shared>>) target_semaphore(%run_scoped3A : memref<!tpu.dma_semaphore, #tpu.memory_space<semaphore_mem>>)
      %dma_wait3A = arith.constant 0 : i32
      %dma_wait3A_132 = tpu.memref_slice %arg19[%add3A_8, %dma_wait3A] : memref<10240x128xf32, #tpu.memory_space<vmem_shared>> -> memref<128x128xf32, #tpu.memory_space<vmem_shared>>
      %dma_wait3A_133 = arith.constant 0 : i32
      %dma_wait3A_134 = tpu.memref_slice %arg19[%add3A_8, %dma_wait3A_133] : memref<10240x128xf32, #tpu.memory_space<vmem_shared>> -> memref<128x128xf32, #tpu.memory_space<vmem_shared>>
      tpu.wait_dma2 semaphore(%run_scoped3A : memref<!tpu.dma_semaphore, #tpu.memory_space<semaphore_mem>>) src(%arg11 : memref<128x128xf32, #tpu.memory_space<vmem>>) dst(%dma_wait3A_134 : memref<128x128xf32, #tpu.memory_space<vmem_shared>>)
      tpu.yield
    }) : () -> ()
    %mul3A_9 = arith.constant 640 : i32
    %mul3A_10 = arith.muli %arg1, %mul3A_9 : i32
    %add3A_11 = arith.constant 256 : i32
    %add3A_12 = arith.addi %mul3A_10, %add3A_11 : i32
    "tpu.region"() ({
      %run_scoped3A = tpu.sem_alloc : memref<!tpu.dma_semaphore, #tpu.memory_space<semaphore_mem>>
      %dma_start3A = arith.constant 0 : i32
      %dma_start3A_129 = tpu.memref_slice %arg19[%add3A_12, %dma_start3A] : memref<10240x128xf32, #tpu.memory_space<vmem_shared>> -> memref<128x128xf32, #tpu.memory_space<vmem_shared>>
      %dma_start3A_130 = arith.constant 0 : i32
      %dma_start3A_131 = tpu.memref_slice %arg19[%add3A_12, %dma_start3A_130] : memref<10240x128xf32, #tpu.memory_space<vmem_shared>> -> memref<128x128xf32, #tpu.memory_space<vmem_shared>>
      tpu.enqueue_dma source(%arg11 : memref<128x128xf32, #tpu.memory_space<vmem>>) target(%dma_start3A_131 : memref<128x128xf32, #tpu.memory_space<vmem_shared>>) target_semaphore(%run_scoped3A : memref<!tpu.dma_semaphore, #tpu.memory_space<semaphore_mem>>)
      %dma_wait3A = arith.constant 0 : i32
      %dma_wait3A_132 = tpu.memref_slice %arg19[%add3A_12, %dma_wait3A] : memref<10240x128xf32, #tpu.memory_space<vmem_shared>> -> memref<128x128xf32, #tpu.memory_space<vmem_shared>>
      %dma_wait3A_133 = arith.constant 0 : i32
      %dma_wait3A_134 = tpu.memref_slice %arg19[%add3A_12, %dma_wait3A_133] : memref<10240x128xf32, #tpu.memory_space<vmem_shared>> -> memref<128x128xf32, #tpu.memory_space<vmem_shared>>
      tpu.wait_dma2 semaphore(%run_scoped3A : memref<!tpu.dma_semaphore, #tpu.memory_space<semaphore_mem>>) src(%arg11 : memref<128x128xf32, #tpu.memory_space<vmem>>) dst(%dma_wait3A_134 : memref<128x128xf32, #tpu.memory_space<vmem_shared>>)
      tpu.yield
    }) : () -> ()
    %mul3A_13 = arith.constant 640 : i32
    %mul3A_14 = arith.muli %arg1, %mul3A_13 : i32
    %add3A_15 = arith.constant 384 : i32
    %add3A_16 = arith.addi %mul3A_14, %add3A_15 : i32
    "tpu.region"() ({
      %run_scoped3A = tpu.sem_alloc : memref<!tpu.dma_semaphore, #tpu.memory_space<semaphore_mem>>
      %dma_start3A = arith.constant 0 : i32
      %dma_start3A_129 = tpu.memref_slice %arg19[%add3A_16, %dma_start3A] : memref<10240x128xf32, #tpu.memory_space<vmem_shared>> -> memref<128x128xf32, #tpu.memory_space<vmem_shared>>
      %dma_start3A_130 = arith.constant 0 : i32
      %dma_start3A_131 = tpu.memref_slice %arg19[%add3A_16, %dma_start3A_130] : memref<10240x128xf32, #tpu.memory_space<vmem_shared>> -> memref<128x128xf32, #tpu.memory_space<vmem_shared>>
      tpu.enqueue_dma source(%arg11 : memref<128x128xf32, #tpu.memory_space<vmem>>) target(%dma_start3A_131 : memref<128x128xf32, #tpu.memory_space<vmem_shared>>) target_semaphore(%run_scoped3A : memref<!tpu.dma_semaphore, #tpu.memory_space<semaphore_mem>>)
      %dma_wait3A = arith.constant 0 : i32
      %dma_wait3A_132 = tpu.memref_slice %arg19[%add3A_16, %dma_wait3A] : memref<10240x128xf32, #tpu.memory_space<vmem_shared>> -> memref<128x128xf32, #tpu.memory_space<vmem_shared>>
      %dma_wait3A_133 = arith.constant 0 : i32
      %dma_wait3A_134 = tpu.memref_slice %arg19[%add3A_16, %dma_wait3A_133] : memref<10240x128xf32, #tpu.memory_space<vmem_shared>> -> memref<128x128xf32, #tpu.memory_space<vmem_shared>>
      tpu.wait_dma2 semaphore(%run_scoped3A : memref<!tpu.dma_semaphore, #tpu.memory_space<semaphore_mem>>) src(%arg11 : memref<128x128xf32, #tpu.memory_space<vmem>>) dst(%dma_wait3A_134 : memref<128x128xf32, #tpu.memory_space<vmem_shared>>)
      tpu.yield
    }) : () -> ()
    %mul3A_17 = arith.constant 640 : i32
    %mul3A_18 = arith.muli %arg1, %mul3A_17 : i32
    %add3A_19 = arith.constant 512 : i32
    %add3A_20 = arith.addi %mul3A_18, %add3A_19 : i32
    "tpu.region"() ({
      %run_scoped3A = tpu.sem_alloc : memref<!tpu.dma_semaphore, #tpu.memory_space<semaphore_mem>>
      %dma_start3A = arith.constant 0 : i32
      %dma_start3A_129 = tpu.memref_slice %arg19[%add3A_20, %dma_start3A] : memref<10240x128xf32, #tpu.memory_space<vmem_shared>> -> memref<128x128xf32, #tpu.memory_space<vmem_shared>>
      %dma_start3A_130 = arith.constant 0 : i32
      %dma_start3A_131 = tpu.memref_slice %arg19[%add3A_20, %dma_start3A_130] : memref<10240x128xf32, #tpu.memory_space<vmem_shared>> -> memref<128x128xf32, #tpu.memory_space<vmem_shared>>
      tpu.enqueue_dma source(%arg11 : memref<128x128xf32, #tpu.memory_space<vmem>>) target(%dma_start3A_131 : memref<128x128xf32, #tpu.memory_space<vmem_shared>>) target_semaphore(%run_scoped3A : memref<!tpu.dma_semaphore, #tpu.memory_space<semaphore_mem>>)
      %dma_wait3A = arith.constant 0 : i32
      %dma_wait3A_132 = tpu.memref_slice %arg19[%add3A_20, %dma_wait3A] : memref<10240x128xf32, #tpu.memory_space<vmem_shared>> -> memref<128x128xf32, #tpu.memory_space<vmem_shared>>
      %dma_wait3A_133 = arith.constant 0 : i32
      %dma_wait3A_134 = tpu.memref_slice %arg19[%add3A_20, %dma_wait3A_133] : memref<10240x128xf32, #tpu.memory_space<vmem_shared>> -> memref<128x128xf32, #tpu.memory_space<vmem_shared>>
      tpu.wait_dma2 semaphore(%run_scoped3A : memref<!tpu.dma_semaphore, #tpu.memory_space<semaphore_mem>>) src(%arg11 : memref<128x128xf32, #tpu.memory_space<vmem>>) dst(%dma_wait3A_134 : memref<128x128xf32, #tpu.memory_space<vmem_shared>>)
      tpu.yield
    }) : () -> ()
    %barrier3A = arith.constant 0 : index
    tpu.barrier barrier_id(%barrier3A)
    %sub3A = arith.constant 2500 : i32
    %sub3A_21 = arith.subi %sub3A, %add3A : i32
    %add3A_22 = arith.constant 32 : i32
    %add3A_23 = arith.addi %sub3A_21, %add3A_22 : i32
    %sub3A_24 = arith.constant 1 : i32
    %sub3A_25 = arith.subi %add3A_23, %sub3A_24 : i32
    %jit3A = arith.constant 32 : i32
    %div3A = arith.divsi %sub3A_25, %jit3A : i32
    %sign3A = arith.constant 0 : i32
    %sign3A_26 = arith.cmpi sgt, %sub3A_25, %sign3A : i32
    %sign3A_27 = arith.extui %sign3A_26 : i1 to i32
    %sign3A_28 = arith.constant 0 : i32
    %sign3A_29 = arith.cmpi slt, %sub3A_25, %sign3A_28 : i32
    %sign3A_30 = arith.extui %sign3A_29 : i1 to i32
    %sign3A_31 = arith.subi %sign3A_27, %sign3A_30 : i32
    %sign3A_32 = arith.constant 0 : i32
    %sign3A_33 = arith.cmpi sgt, %jit3A, %sign3A_32 : i32
    %sign3A_34 = arith.extui %sign3A_33 : i1 to i32
    %sign3A_35 = arith.constant 0 : i32
    %sign3A_36 = arith.cmpi slt, %jit3A, %sign3A_35 : i32
    %sign3A_37 = arith.extui %sign3A_36 : i1 to i32
    %sign3A_38 = arith.subi %sign3A_34, %sign3A_37 : i32
    %ne3A = arith.cmpi ne, %sign3A_31, %sign3A_38 : i32
    %rem3A = arith.remsi %sub3A_25, %jit3A : i32
    %ne3A_39 = arith.constant 0 : i32
    %ne3A_40 = arith.cmpi ne, %rem3A, %ne3A_39 : i32
    %and3A = arith.andi %ne3A, %ne3A_40 : i1
    %sub3A_41 = arith.constant 1 : i32
    %sub3A_42 = arith.subi %div3A, %sub3A_41 : i32
    %select_n3A = arith.select %and3A, %sub3A_42, %div3A : i32
    %jit3A_43 = arith.constant 2 : i32
    %div3A_44 = arith.divsi %select_n3A, %jit3A_43 : i32
    %sign3A_45 = arith.constant 0 : i32
    %sign3A_46 = arith.cmpi sgt, %select_n3A, %sign3A_45 : i32
    %sign3A_47 = arith.extui %sign3A_46 : i1 to i32
    %sign3A_48 = arith.constant 0 : i32
    %sign3A_49 = arith.cmpi slt, %select_n3A, %sign3A_48 : i32
    %sign3A_50 = arith.extui %sign3A_49 : i1 to i32
    %sign3A_51 = arith.subi %sign3A_47, %sign3A_50 : i32
    %sign3A_52 = arith.constant 0 : i32
    %sign3A_53 = arith.cmpi sgt, %jit3A_43, %sign3A_52 : i32
    %sign3A_54 = arith.extui %sign3A_53 : i1 to i32
    %sign3A_55 = arith.constant 0 : i32
    %sign3A_56 = arith.cmpi slt, %jit3A_43, %sign3A_55 : i32
    %sign3A_57 = arith.extui %sign3A_56 : i1 to i32
    %sign3A_58 = arith.subi %sign3A_54, %sign3A_57 : i32
    %ne3A_59 = arith.cmpi ne, %sign3A_51, %sign3A_58 : i32
    %rem3A_60 = arith.remsi %select_n3A, %jit3A_43 : i32
    %ne3A_61 = arith.constant 0 : i32
    %ne3A_62 = arith.cmpi ne, %rem3A_60, %ne3A_61 : i32
    %and3A_63 = arith.andi %ne3A_59, %ne3A_62 : i1
    %sub3A_64 = arith.constant 1 : i32
    %sub3A_65 = arith.subi %div3A_44, %sub3A_64 : i32
    %select_n3A_66 = arith.select %and3A_63, %sub3A_65, %div3A_44 : i32
    %while3A = arith.constant 0 : i32
    %while3A_67 = arith.constant 0 : i32
    %while3A_68 = arith.subi %select_n3A_66, %while3A_67 : i32
    %while3A_69 = arith.addi %while3A_67, %while3A_68 : i32
    %while3A_70 = arith.constant 1 : i32
    %while3A_71 = arith.divsi %while3A_68, %while3A_70 : i32
    %while3A_72 = arith.muli %while3A_71, %while3A_70 : i32
    %while3A_73 = arith.addi %while3A_67, %while3A_72 : i32
    %while3A_74 = arith.constant 1 : i32
    scf.for %while3A_129 = %while3A_67 to %while3A_73 step %while3A_74  : i32 {
      %mul3A_130 = arith.constant 64 : i32
      %mul3A_131 = arith.muli %mul3A_130, %while3A_129 : i32
      %add3A_132 = arith.addi %add3A, %mul3A_131 : i32
      %mul3A_133 = arith.constant 128 : i32
      %mul3A_134 = arith.muli %add3A_132, %mul3A_133 : i32
      %mul3A_135 = arith.constant 2 : i32
      %mul3A_136 = arith.muli %mul3A_135, %while3A_129 : i32
      %add3A_137 = arith.constant 1 : i32
      %add3A_138 = arith.addi %mul3A_136, %add3A_137 : i32
      %mul3A_139 = arith.constant 32 : i32
      %mul3A_140 = arith.muli %mul3A_139, %add3A_138 : i32
      %add3A_141 = arith.addi %add3A, %mul3A_140 : i32
      %mul3A_142 = arith.constant 128 : i32
      %mul3A_143 = arith.muli %add3A_141, %mul3A_142 : i32
      %dma_start3A = tpu.memref_slice %arg3[%mul3A_134] : memref<320000xi32, #tpu.memory_space<hbm>> -> memref<128xi32, #tpu.memory_space<hbm>>
      %dma_start3A_144 = tpu.memref_slice %arg3[%mul3A_134] : memref<320000xi32, #tpu.memory_space<hbm>> -> memref<128xi32, #tpu.memory_space<hbm>>
      tpu.enqueue_dma source(%dma_start3A_144 : memref<128xi32, #tpu.memory_space<hbm>>) target(%arg7 : memref<128xi32, #tpu.memory_space<vmem>>) target_semaphore(%arg13 : memref<!tpu.dma_semaphore, #tpu.memory_space<semaphore_mem>>)
      %dma_start3A_145 = tpu.memref_slice %arg4[%mul3A_134] : memref<320000xi32, #tpu.memory_space<hbm>> -> memref<128xi32, #tpu.memory_space<hbm>>
      %dma_start3A_146 = tpu.memref_slice %arg4[%mul3A_134] : memref<320000xi32, #tpu.memory_space<hbm>> -> memref<128xi32, #tpu.memory_space<hbm>>
      tpu.enqueue_dma source(%dma_start3A_146 : memref<128xi32, #tpu.memory_space<hbm>>) target(%arg8 : memref<128xi32, #tpu.memory_space<vmem>>) target_semaphore(%arg14 : memref<!tpu.dma_semaphore, #tpu.memory_space<semaphore_mem>>)
      %dma_start3A_147 = tpu.memref_slice %arg3[%mul3A_143] : memref<320000xi32, #tpu.memory_space<hbm>> -> memref<128xi32, #tpu.memory_space<hbm>>
      %dma_start3A_148 = tpu.memref_slice %arg3[%mul3A_143] : memref<320000xi32, #tpu.memory_space<hbm>> -> memref<128xi32, #tpu.memory_space<hbm>>
      tpu.enqueue_dma source(%dma_start3A_148 : memref<128xi32, #tpu.memory_space<hbm>>) target(%arg9 : memref<128xi32, #tpu.memory_space<vmem>>) target_semaphore(%arg15 : memref<!tpu.dma_semaphore, #tpu.memory_space<semaphore_mem>>)
      %dma_start3A_149 = tpu.memref_slice %arg4[%mul3A_143] : memref<320000xi32, #tpu.memory_space<hbm>> -> memref<128xi32, #tpu.memory_space<hbm>>
      %dma_start3A_150 = tpu.memref_slice %arg4[%mul3A_143] : memref<320000xi32, #tpu.memory_space<hbm>> -> memref<128xi32, #tpu.memory_space<hbm>>
      tpu.enqueue_dma source(%dma_start3A_150 : memref<128xi32, #tpu.memory_space<hbm>>) target(%arg10 : memref<128xi32, #tpu.memory_space<vmem>>) target_semaphore(%arg16 : memref<!tpu.dma_semaphore, #tpu.memory_space<semaphore_mem>>)
      %dma_wait3A = tpu.memref_slice %arg3[%mul3A_134] : memref<320000xi32, #tpu.memory_space<hbm>> -> memref<128xi32, #tpu.memory_space<hbm>>
      %dma_wait3A_151 = tpu.memref_slice %arg3[%mul3A_134] : memref<320000xi32, #tpu.memory_space<hbm>> -> memref<128xi32, #tpu.memory_space<hbm>>
      tpu.wait_dma2 semaphore(%arg13 : memref<!tpu.dma_semaphore, #tpu.memory_space<semaphore_mem>>) src(%dma_wait3A_151 : memref<128xi32, #tpu.memory_space<hbm>>) dst(%arg7 : memref<128xi32, #tpu.memory_space<vmem>>)
      %dma_start3A_152 = arith.constant 0 : i32
      %dma_start3A_153 = arith.constant 0 : i32
      %dma_start3A_154 = tpu.memref_slice %arg2[%dma_start3A_152, %dma_start3A_153] : memref<10000x128xf32, #tpu.memory_space<hbm>> -> memref<10000x128xf32, #tpu.memory_space<hbm>>
      tpu.enqueue_indirect_dma source(%dma_start3A_154 : memref<10000x128xf32, #tpu.memory_space<hbm>>) target(%arg11 : memref<128x128xf32, #tpu.memory_space<vmem>>) offsets(%arg7 : memref<128xi32, #tpu.memory_space<vmem>>) semaphore(%arg17 : memref<!tpu.dma_semaphore, #tpu.memory_space<semaphore_mem>>)
      %dma_wait3A_155 = tpu.memref_slice %arg3[%mul3A_143] : memref<320000xi32, #tpu.memory_space<hbm>> -> memref<128xi32, #tpu.memory_space<hbm>>
      %dma_wait3A_156 = tpu.memref_slice %arg3[%mul3A_143] : memref<320000xi32, #tpu.memory_space<hbm>> -> memref<128xi32, #tpu.memory_space<hbm>>
      tpu.wait_dma2 semaphore(%arg15 : memref<!tpu.dma_semaphore, #tpu.memory_space<semaphore_mem>>) src(%dma_wait3A_156 : memref<128xi32, #tpu.memory_space<hbm>>) dst(%arg9 : memref<128xi32, #tpu.memory_space<vmem>>)
      %dma_start3A_157 = arith.constant 0 : i32
      %dma_start3A_158 = arith.constant 0 : i32
      %dma_start3A_159 = tpu.memref_slice %arg2[%dma_start3A_157, %dma_start3A_158] : memref<10000x128xf32, #tpu.memory_space<hbm>> -> memref<10000x128xf32, #tpu.memory_space<hbm>>
      tpu.enqueue_indirect_dma source(%dma_start3A_159 : memref<10000x128xf32, #tpu.memory_space<hbm>>) target(%arg12 : memref<128x128xf32, #tpu.memory_space<vmem>>) offsets(%arg9 : memref<128xi32, #tpu.memory_space<vmem>>) semaphore(%arg18 : memref<!tpu.dma_semaphore, #tpu.memory_space<semaphore_mem>>)
      %dma_wait3A_160 = arith.constant 0 : i32
      %dma_wait3A_161 = arith.constant 0 : i32
      %dma_wait3A_162 = tpu.memref_slice %arg2[%dma_wait3A_160, %dma_wait3A_161] : memref<10000x128xf32, #tpu.memory_space<hbm>> -> memref<10000x128xf32, #tpu.memory_space<hbm>>
      tpu.wait_indirect_dma semaphore(%arg17 : memref<!tpu.dma_semaphore, #tpu.memory_space<semaphore_mem>>) src(%dma_wait3A_162 : memref<10000x128xf32, #tpu.memory_space<hbm>>) dst(%arg11 : memref<128x128xf32, #tpu.memory_space<vmem>>)
      %dma_wait3A_163 = tpu.memref_slice %arg4[%mul3A_134] : memref<320000xi32, #tpu.memory_space<hbm>> -> memref<128xi32, #tpu.memory_space<hbm>>
      %dma_wait3A_164 = tpu.memref_slice %arg4[%mul3A_134] : memref<320000xi32, #tpu.memory_space<hbm>> -> memref<128xi32, #tpu.memory_space<hbm>>
      tpu.wait_dma2 semaphore(%arg14 : memref<!tpu.dma_semaphore, #tpu.memory_space<semaphore_mem>>) src(%dma_wait3A_164 : memref<128xi32, #tpu.memory_space<hbm>>) dst(%arg8 : memref<128xi32, #tpu.memory_space<vmem>>)
      "tpu.region"() ({
        %run_scoped3A = tpu.sem_alloc : memref<!tpu.dma_semaphore, #tpu.memory_space<semaphore_mem>>
        %dma_start3A_170 = arith.constant 0 : i32
        %dma_start3A_171 = arith.constant 0 : i32
        %dma_start3A_172 = tpu.memref_slice %arg19[%dma_start3A_170, %dma_start3A_171] : memref<10240x128xf32, #tpu.memory_space<vmem_shared>> -> memref<10240x128xf32, #tpu.memory_space<vmem_shared>>
        tpu.enqueue_indirect_dma source(%arg11 : memref<128x128xf32, #tpu.memory_space<vmem>>) target(%dma_start3A_172 : memref<10240x128xf32, #tpu.memory_space<vmem_shared>>) offsets(%arg8 : memref<128xi32, #tpu.memory_space<vmem>>) semaphore(%run_scoped3A : memref<!tpu.dma_semaphore, #tpu.memory_space<semaphore_mem>>) {add = true}
        %dma_wait3A_173 = arith.constant 0 : i32
        %dma_wait3A_174 = arith.constant 0 : i32
        %dma_wait3A_175 = tpu.memref_slice %arg19[%dma_wait3A_173, %dma_wait3A_174] : memref<10240x128xf32, #tpu.memory_space<vmem_shared>> -> memref<10240x128xf32, #tpu.memory_space<vmem_shared>>
        tpu.wait_indirect_dma semaphore(%run_scoped3A : memref<!tpu.dma_semaphore, #tpu.memory_space<semaphore_mem>>) src(%arg11 : memref<128x128xf32, #tpu.memory_space<vmem>>) dst(%dma_wait3A_175 : memref<10240x128xf32, #tpu.memory_space<vmem_shared>>)
        tpu.yield
      }) : () -> ()
      %dma_wait3A_165 = arith.constant 0 : i32
      %dma_wait3A_166 = arith.constant 0 : i32
      %dma_wait3A_167 = tpu.memref_slice %arg2[%dma_wait3A_165, %dma_wait3A_166] : memref<10000x128xf32, #tpu.memory_space<hbm>> -> memref<10000x128xf32, #tpu.memory_space<hbm>>
      tpu.wait_indirect_dma semaphore(%arg18 : memref<!tpu.dma_semaphore, #tpu.memory_space<semaphore_mem>>) src(%dma_wait3A_167 : memref<10000x128xf32, #tpu.memory_space<hbm>>) dst(%arg12 : memref<128x128xf32, #tpu.memory_space<vmem>>)
      %dma_wait3A_168 = tpu.memref_slice %arg4[%mul3A_143] : memref<320000xi32, #tpu.memory_space<hbm>> -> memref<128xi32, #tpu.memory_space<hbm>>
      %dma_wait3A_169 = tpu.memref_slice %arg4[%mul3A_143] : memref<320000xi32, #tpu.memory_space<hbm>> -> memref<128xi32, #tpu.memory_space<hbm>>
      tpu.wait_dma2 semaphore(%arg16 : memref<!tpu.dma_semaphore, #tpu.memory_space<semaphore_mem>>) src(%dma_wait3A_169 : memref<128xi32, #tpu.memory_space<hbm>>) dst(%arg10 : memref<128xi32, #tpu.memory_space<vmem>>)
      "tpu.region"() ({
        %run_scoped3A = tpu.sem_alloc : memref<!tpu.dma_semaphore, #tpu.memory_space<semaphore_mem>>
        %dma_start3A_170 = arith.constant 0 : i32
        %dma_start3A_171 = arith.constant 0 : i32
        %dma_start3A_172 = tpu.memref_slice %arg19[%dma_start3A_170, %dma_start3A_171] : memref<10240x128xf32, #tpu.memory_space<vmem_shared>> -> memref<10240x128xf32, #tpu.memory_space<vmem_shared>>
        tpu.enqueue_indirect_dma source(%arg12 : memref<128x128xf32, #tpu.memory_space<vmem>>) target(%dma_start3A_172 : memref<10240x128xf32, #tpu.memory_space<vmem_shared>>) offsets(%arg10 : memref<128xi32, #tpu.memory_space<vmem>>) semaphore(%run_scoped3A : memref<!tpu.dma_semaphore, #tpu.memory_space<semaphore_mem>>) {add = true}
        %dma_wait3A_173 = arith.constant 0 : i32
        %dma_wait3A_174 = arith.constant 0 : i32
        %dma_wait3A_175 = tpu.memref_slice %arg19[%dma_wait3A_173, %dma_wait3A_174] : memref<10240x128xf32, #tpu.memory_space<vmem_shared>> -> memref<10240x128xf32, #tpu.memory_space<vmem_shared>>
        tpu.wait_indirect_dma semaphore(%run_scoped3A : memref<!tpu.dma_semaphore, #tpu.memory_space<semaphore_mem>>) src(%arg12 : memref<128x128xf32, #tpu.memory_space<vmem>>) dst(%dma_wait3A_175 : memref<10240x128xf32, #tpu.memory_space<vmem_shared>>)
        tpu.yield
      }) : () -> ()
    }
    %while3A_75 = arith.constant 1 : i32
    scf.for %while3A_129 = %while3A_73 to %while3A_69 step %while3A_75  : i32 {
      %mul3A_130 = arith.constant 64 : i32
      %mul3A_131 = arith.muli %mul3A_130, %while3A_129 : i32
      %add3A_132 = arith.addi %add3A, %mul3A_131 : i32
      %mul3A_133 = arith.constant 128 : i32
      %mul3A_134 = arith.muli %add3A_132, %mul3A_133 : i32
      %mul3A_135 = arith.constant 2 : i32
      %mul3A_136 = arith.muli %mul3A_135, %while3A_129 : i32
      %add3A_137 = arith.constant 1 : i32
      %add3A_138 = arith.addi %mul3A_136, %add3A_137 : i32
      %mul3A_139 = arith.constant 32 : i32
      %mul3A_140 = arith.muli %mul3A_139, %add3A_138 : i32
      %add3A_141 = arith.addi %add3A, %mul3A_140 : i32
      %mul3A_142 = arith.constant 128 : i32
      %mul3A_143 = arith.muli %add3A_141, %mul3A_142 : i32
      %dma_start3A = tpu.memref_slice %arg3[%mul3A_134] : memref<320000xi32, #tpu.memory_space<hbm>> -> memref<128xi32, #tpu.memory_space<hbm>>
      %dma_start3A_144 = tpu.memref_slice %arg3[%mul3A_134] : memref<320000xi32, #tpu.memory_space<hbm>> -> memref<128xi32, #tpu.memory_space<hbm>>
      tpu.enqueue_dma source(%dma_start3A_144 : memref<128xi32, #tpu.memory_space<hbm>>) target(%arg7 : memref<128xi32, #tpu.memory_space<vmem>>) target_semaphore(%arg13 : memref<!tpu.dma_semaphore, #tpu.memory_space<semaphore_mem>>)
      %dma_start3A_145 = tpu.memref_slice %arg4[%mul3A_134] : memref<320000xi32, #tpu.memory_space<hbm>> -> memref<128xi32, #tpu.memory_space<hbm>>
      %dma_start3A_146 = tpu.memref_slice %arg4[%mul3A_134] : memref<320000xi32, #tpu.memory_space<hbm>> -> memref<128xi32, #tpu.memory_space<hbm>>
      tpu.enqueue_dma source(%dma_start3A_146 : memref<128xi32, #tpu.memory_space<hbm>>) target(%arg8 : memref<128xi32, #tpu.memory_space<vmem>>) target_semaphore(%arg14 : memref<!tpu.dma_semaphore, #tpu.memory_space<semaphore_mem>>)
      %dma_start3A_147 = tpu.memref_slice %arg3[%mul3A_143] : memref<320000xi32, #tpu.memory_space<hbm>> -> memref<128xi32, #tpu.memory_space<hbm>>
      %dma_start3A_148 = tpu.memref_slice %arg3[%mul3A_143] : memref<320000xi32, #tpu.memory_space<hbm>> -> memref<128xi32, #tpu.memory_space<hbm>>
      tpu.enqueue_dma source(%dma_start3A_148 : memref<128xi32, #tpu.memory_space<hbm>>) target(%arg9 : memref<128xi32, #tpu.memory_space<vmem>>) target_semaphore(%arg15 : memref<!tpu.dma_semaphore, #tpu.memory_space<semaphore_mem>>)
      %dma_start3A_149 = tpu.memref_slice %arg4[%mul3A_143] : memref<320000xi32, #tpu.memory_space<hbm>> -> memref<128xi32, #tpu.memory_space<hbm>>
      %dma_start3A_150 = tpu.memref_slice %arg4[%mul3A_143] : memref<320000xi32, #tpu.memory_space<hbm>> -> memref<128xi32, #tpu.memory_space<hbm>>
      tpu.enqueue_dma source(%dma_start3A_150 : memref<128xi32, #tpu.memory_space<hbm>>) target(%arg10 : memref<128xi32, #tpu.memory_space<vmem>>) target_semaphore(%arg16 : memref<!tpu.dma_semaphore, #tpu.memory_space<semaphore_mem>>)
      %dma_wait3A = tpu.memref_slice %arg3[%mul3A_134] : memref<320000xi32, #tpu.memory_space<hbm>> -> memref<128xi32, #tpu.memory_space<hbm>>
      %dma_wait3A_151 = tpu.memref_slice %arg3[%mul3A_134] : memref<320000xi32, #tpu.memory_space<hbm>> -> memref<128xi32, #tpu.memory_space<hbm>>
      tpu.wait_dma2 semaphore(%arg13 : memref<!tpu.dma_semaphore, #tpu.memory_space<semaphore_mem>>) src(%dma_wait3A_151 : memref<128xi32, #tpu.memory_space<hbm>>) dst(%arg7 : memref<128xi32, #tpu.memory_space<vmem>>)
      %dma_start3A_152 = arith.constant 0 : i32
      %dma_start3A_153 = arith.constant 0 : i32
      %dma_start3A_154 = tpu.memref_slice %arg2[%dma_start3A_152, %dma_start3A_153] : memref<10000x128xf32, #tpu.memory_space<hbm>> -> memref<10000x128xf32, #tpu.memory_space<hbm>>
      tpu.enqueue_indirect_dma source(%dma_start3A_154 : memref<10000x128xf32, #tpu.memory_space<hbm>>) target(%arg11 : memref<128x128xf32, #tpu.memory_space<vmem>>) offsets(%arg7 : memref<128xi32, #tpu.memory_space<vmem>>) semaphore(%arg17 : memref<!tpu.dma_semaphore, #tpu.memory_space<semaphore_mem>>)
      %dma_wait3A_155 = tpu.memref_slice %arg3[%mul3A_143] : memref<320000xi32, #tpu.memory_space<hbm>> -> memref<128xi32, #tpu.memory_space<hbm>>
      %dma_wait3A_156 = tpu.memref_slice %arg3[%mul3A_143] : memref<320000xi32, #tpu.memory_space<hbm>> -> memref<128xi32, #tpu.memory_space<hbm>>
      tpu.wait_dma2 semaphore(%arg15 : memref<!tpu.dma_semaphore, #tpu.memory_space<semaphore_mem>>) src(%dma_wait3A_156 : memref<128xi32, #tpu.memory_space<hbm>>) dst(%arg9 : memref<128xi32, #tpu.memory_space<vmem>>)
      %dma_start3A_157 = arith.constant 0 : i32
      %dma_start3A_158 = arith.constant 0 : i32
      %dma_start3A_159 = tpu.memref_slice %arg2[%dma_start3A_157, %dma_start3A_158] : memref<10000x128xf32, #tpu.memory_space<hbm>> -> memref<10000x128xf32, #tpu.memory_space<hbm>>
      tpu.enqueue_indirect_dma source(%dma_start3A_159 : memref<10000x128xf32, #tpu.memory_space<hbm>>) target(%arg12 : memref<128x128xf32, #tpu.memory_space<vmem>>) offsets(%arg9 : memref<128xi32, #tpu.memory_space<vmem>>) semaphore(%arg18 : memref<!tpu.dma_semaphore, #tpu.memory_space<semaphore_mem>>)
      %dma_wait3A_160 = arith.constant 0 : i32
      %dma_wait3A_161 = arith.constant 0 : i32
      %dma_wait3A_162 = tpu.memref_slice %arg2[%dma_wait3A_160, %dma_wait3A_161] : memref<10000x128xf32, #tpu.memory_space<hbm>> -> memref<10000x128xf32, #tpu.memory_space<hbm>>
      tpu.wait_indirect_dma semaphore(%arg17 : memref<!tpu.dma_semaphore, #tpu.memory_space<semaphore_mem>>) src(%dma_wait3A_162 : memref<10000x128xf32, #tpu.memory_space<hbm>>) dst(%arg11 : memref<128x128xf32, #tpu.memory_space<vmem>>)
      %dma_wait3A_163 = tpu.memref_slice %arg4[%mul3A_134] : memref<320000xi32, #tpu.memory_space<hbm>> -> memref<128xi32, #tpu.memory_space<hbm>>
      %dma_wait3A_164 = tpu.memref_slice %arg4[%mul3A_134] : memref<320000xi32, #tpu.memory_space<hbm>> -> memref<128xi32, #tpu.memory_space<hbm>>
      tpu.wait_dma2 semaphore(%arg14 : memref<!tpu.dma_semaphore, #tpu.memory_space<semaphore_mem>>) src(%dma_wait3A_164 : memref<128xi32, #tpu.memory_space<hbm>>) dst(%arg8 : memref<128xi32, #tpu.memory_space<vmem>>)
      "tpu.region"() ({
        %run_scoped3A = tpu.sem_alloc : memref<!tpu.dma_semaphore, #tpu.memory_space<semaphore_mem>>
        %dma_start3A_170 = arith.constant 0 : i32
        %dma_start3A_171 = arith.constant 0 : i32
        %dma_start3A_172 = tpu.memref_slice %arg19[%dma_start3A_170, %dma_start3A_171] : memref<10240x128xf32, #tpu.memory_space<vmem_shared>> -> memref<10240x128xf32, #tpu.memory_space<vmem_shared>>
        tpu.enqueue_indirect_dma source(%arg11 : memref<128x128xf32, #tpu.memory_space<vmem>>) target(%dma_start3A_172 : memref<10240x128xf32, #tpu.memory_space<vmem_shared>>) offsets(%arg8 : memref<128xi32, #tpu.memory_space<vmem>>) semaphore(%run_scoped3A : memref<!tpu.dma_semaphore, #tpu.memory_space<semaphore_mem>>) {add = true}
        %dma_wait3A_173 = arith.constant 0 : i32
        %dma_wait3A_174 = arith.constant 0 : i32
        %dma_wait3A_175 = tpu.memref_slice %arg19[%dma_wait3A_173, %dma_wait3A_174] : memref<10240x128xf32, #tpu.memory_space<vmem_shared>> -> memref<10240x128xf32, #tpu.memory_space<vmem_shared>>
        tpu.wait_indirect_dma semaphore(%run_scoped3A : memref<!tpu.dma_semaphore, #tpu.memory_space<semaphore_mem>>) src(%arg11 : memref<128x128xf32, #tpu.memory_space<vmem>>) dst(%dma_wait3A_175 : memref<10240x128xf32, #tpu.memory_space<vmem_shared>>)
        tpu.yield
      }) : () -> ()
      %dma_wait3A_165 = arith.constant 0 : i32
      %dma_wait3A_166 = arith.constant 0 : i32
      %dma_wait3A_167 = tpu.memref_slice %arg2[%dma_wait3A_165, %dma_wait3A_166] : memref<10000x128xf32, #tpu.memory_space<hbm>> -> memref<10000x128xf32, #tpu.memory_space<hbm>>
      tpu.wait_indirect_dma semaphore(%arg18 : memref<!tpu.dma_semaphore, #tpu.memory_space<semaphore_mem>>) src(%dma_wait3A_167 : memref<10000x128xf32, #tpu.memory_space<hbm>>) dst(%arg12 : memref<128x128xf32, #tpu.memory_space<vmem>>)
      %dma_wait3A_168 = tpu.memref_slice %arg4[%mul3A_143] : memref<320000xi32, #tpu.memory_space<hbm>> -> memref<128xi32, #tpu.memory_space<hbm>>
      %dma_wait3A_169 = tpu.memref_slice %arg4[%mul3A_143] : memref<320000xi32, #tpu.memory_space<hbm>> -> memref<128xi32, #tpu.memory_space<hbm>>
      tpu.wait_dma2 semaphore(%arg16 : memref<!tpu.dma_semaphore, #tpu.memory_space<semaphore_mem>>) src(%dma_wait3A_169 : memref<128xi32, #tpu.memory_space<hbm>>) dst(%arg10 : memref<128xi32, #tpu.memory_space<vmem>>)
      "tpu.region"() ({
        %run_scoped3A = tpu.sem_alloc : memref<!tpu.dma_semaphore, #tpu.memory_space<semaphore_mem>>
        %dma_start3A_170 = arith.constant 0 : i32
        %dma_start3A_171 = arith.constant 0 : i32
        %dma_start3A_172 = tpu.memref_slice %arg19[%dma_start3A_170, %dma_start3A_171] : memref<10240x128xf32, #tpu.memory_space<vmem_shared>> -> memref<10240x128xf32, #tpu.memory_space<vmem_shared>>
        tpu.enqueue_indirect_dma source(%arg12 : memref<128x128xf32, #tpu.memory_space<vmem>>) target(%dma_start3A_172 : memref<10240x128xf32, #tpu.memory_space<vmem_shared>>) offsets(%arg10 : memref<128xi32, #tpu.memory_space<vmem>>) semaphore(%run_scoped3A : memref<!tpu.dma_semaphore, #tpu.memory_space<semaphore_mem>>) {add = true}
        %dma_wait3A_173 = arith.constant 0 : i32
        %dma_wait3A_174 = arith.constant 0 : i32
        %dma_wait3A_175 = tpu.memref_slice %arg19[%dma_wait3A_173, %dma_wait3A_174] : memref<10240x128xf32, #tpu.memory_space<vmem_shared>> -> memref<10240x128xf32, #tpu.memory_space<vmem_shared>>
        tpu.wait_indirect_dma semaphore(%run_scoped3A : memref<!tpu.dma_semaphore, #tpu.memory_space<semaphore_mem>>) src(%arg12 : memref<128x128xf32, #tpu.memory_space<vmem>>) dst(%dma_wait3A_175 : memref<10240x128xf32, #tpu.memory_space<vmem_shared>>)
        tpu.yield
      }) : () -> ()
    }
    %jit3A_76 = arith.constant 2 : i32
    %eq3A = arith.constant 0 : i32
    %eq3A_77 = arith.cmpi eq, %jit3A_76, %eq3A : i32
    %jit3A_78 = arith.constant 1 : i32
    %select_n3A_79 = arith.select %eq3A_77, %jit3A_78, %jit3A_76 : i32
    %rem3A_80 = arith.remsi %select_n3A, %select_n3A_79 : i32
    %ne3A_81 = arith.constant 0 : i32
    %ne3A_82 = arith.cmpi ne, %rem3A_80, %ne3A_81 : i32
    %lt3A = arith.constant 0 : i32
    %lt3A_83 = arith.cmpi slt, %rem3A_80, %lt3A : i32
    %lt3A_84 = arith.constant 0 : i32
    %lt3A_85 = arith.cmpi slt, %select_n3A_79, %lt3A_84 : i32
    %ne3A_86 = arith.xori %lt3A_83, %lt3A_85 : i1
    %and3A_87 = arith.andi %ne3A_86, %ne3A_82 : i1
    %add3A_88 = arith.addi %rem3A_80, %select_n3A_79 : i32
    %select_n3A_89 = arith.select %and3A_87, %add3A_88, %rem3A_80 : i32
    %eq3A_90 = arith.constant 1 : i32
    %eq3A_91 = arith.cmpi eq, %select_n3A_89, %eq3A_90 : i32
    %convert_element_type3A = arith.extui %eq3A_91 : i1 to i32
    %cond3A = arith.constant 0 : i32
    %cond3A_92 = arith.cmpi ne, %convert_element_type3A, %cond3A : i32
    scf.if %cond3A_92 {
      %sub3A_129 = arith.constant 1 : i32
      %sub3A_130 = arith.subi %select_n3A, %sub3A_129 : i32
      %mul3A_131 = arith.constant 32 : i32
      %mul3A_132 = arith.muli %mul3A_131, %sub3A_130 : i32
      %add3A_133 = arith.addi %add3A, %mul3A_132 : i32
      %mul3A_134 = arith.constant 128 : i32
      %mul3A_135 = arith.muli %add3A_133, %mul3A_134 : i32
      "tpu.region"() ({
        %run_scoped3A = tpu.sem_alloc : memref<!tpu.dma_semaphore, #tpu.memory_space<semaphore_mem>>
        %dma_start3A_140 = tpu.memref_slice %arg3[%mul3A_135] : memref<320000xi32, #tpu.memory_space<hbm>> -> memref<128xi32, #tpu.memory_space<hbm>>
        %dma_start3A_141 = tpu.memref_slice %arg3[%mul3A_135] : memref<320000xi32, #tpu.memory_space<hbm>> -> memref<128xi32, #tpu.memory_space<hbm>>
        tpu.enqueue_dma source(%dma_start3A_141 : memref<128xi32, #tpu.memory_space<hbm>>) target(%arg7 : memref<128xi32, #tpu.memory_space<vmem>>) target_semaphore(%run_scoped3A : memref<!tpu.dma_semaphore, #tpu.memory_space<semaphore_mem>>)
        %dma_wait3A_142 = tpu.memref_slice %arg3[%mul3A_135] : memref<320000xi32, #tpu.memory_space<hbm>> -> memref<128xi32, #tpu.memory_space<hbm>>
        %dma_wait3A_143 = tpu.memref_slice %arg3[%mul3A_135] : memref<320000xi32, #tpu.memory_space<hbm>> -> memref<128xi32, #tpu.memory_space<hbm>>
        tpu.wait_dma2 semaphore(%run_scoped3A : memref<!tpu.dma_semaphore, #tpu.memory_space<semaphore_mem>>) src(%dma_wait3A_143 : memref<128xi32, #tpu.memory_space<hbm>>) dst(%arg7 : memref<128xi32, #tpu.memory_space<vmem>>)
        tpu.yield
      }) : () -> ()
      "tpu.region"() ({
        %run_scoped3A = tpu.sem_alloc : memref<!tpu.dma_semaphore, #tpu.memory_space<semaphore_mem>>
        %dma_start3A_140 = tpu.memref_slice %arg4[%mul3A_135] : memref<320000xi32, #tpu.memory_space<hbm>> -> memref<128xi32, #tpu.memory_space<hbm>>
        %dma_start3A_141 = tpu.memref_slice %arg4[%mul3A_135] : memref<320000xi32, #tpu.memory_space<hbm>> -> memref<128xi32, #tpu.memory_space<hbm>>
        tpu.enqueue_dma source(%dma_start3A_141 : memref<128xi32, #tpu.memory_space<hbm>>) target(%arg8 : memref<128xi32, #tpu.memory_space<vmem>>) target_semaphore(%run_scoped3A : memref<!tpu.dma_semaphore, #tpu.memory_space<semaphore_mem>>)
        %dma_wait3A_142 = tpu.memref_slice %arg4[%mul3A_135] : memref<320000xi32, #tpu.memory_space<hbm>> -> memref<128xi32, #tpu.memory_space<hbm>>
        %dma_wait3A_143 = tpu.memref_slice %arg4[%mul3A_135] : memref<320000xi32, #tpu.memory_space<hbm>> -> memref<128xi32, #tpu.memory_space<hbm>>
        tpu.wait_dma2 semaphore(%run_scoped3A : memref<!tpu.dma_semaphore, #tpu.memory_space<semaphore_mem>>) src(%dma_wait3A_143 : memref<128xi32, #tpu.memory_space<hbm>>) dst(%arg8 : memref<128xi32, #tpu.memory_space<vmem>>)
        tpu.yield
      }) : () -> ()
      %dma_start3A = arith.constant 0 : i32
      %dma_start3A_136 = arith.constant 0 : i32
      %dma_start3A_137 = tpu.memref_slice %arg2[%dma_start3A, %dma_start3A_136] : memref<10000x128xf32, #tpu.memory_space<hbm>> -> memref<10000x128xf32, #tpu.memory_space<hbm>>
      tpu.enqueue_indirect_dma source(%dma_start3A_137 : memref<10000x128xf32, #tpu.memory_space<hbm>>) target(%arg11 : memref<128x128xf32, #tpu.memory_space<vmem>>) offsets(%arg7 : memref<128xi32, #tpu.memory_space<vmem>>) semaphore(%arg17 : memref<!tpu.dma_semaphore, #tpu.memory_space<semaphore_mem>>)
      %dma_wait3A = arith.constant 0 : i32
      %dma_wait3A_138 = arith.constant 0 : i32
      %dma_wait3A_139 = tpu.memref_slice %arg2[%dma_wait3A, %dma_wait3A_138] : memref<10000x128xf32, #tpu.memory_space<hbm>> -> memref<10000x128xf32, #tpu.memory_space<hbm>>
      tpu.wait_indirect_dma semaphore(%arg17 : memref<!tpu.dma_semaphore, #tpu.memory_space<semaphore_mem>>) src(%dma_wait3A_139 : memref<10000x128xf32, #tpu.memory_space<hbm>>) dst(%arg11 : memref<128x128xf32, #tpu.memory_space<vmem>>)
      "tpu.region"() ({
        %run_scoped3A = tpu.sem_alloc : memref<!tpu.dma_semaphore, #tpu.memory_space<semaphore_mem>>
        %dma_start3A_140 = arith.constant 0 : i32
        %dma_start3A_141 = arith.constant 0 : i32
        %dma_start3A_142 = tpu.memref_slice %arg19[%dma_start3A_140, %dma_start3A_141] : memref<10240x128xf32, #tpu.memory_space<vmem_shared>> -> memref<10240x128xf32, #tpu.memory_space<vmem_shared>>
        tpu.enqueue_indirect_dma source(%arg11 : memref<128x128xf32, #tpu.memory_space<vmem>>) target(%dma_start3A_142 : memref<10240x128xf32, #tpu.memory_space<vmem_shared>>) offsets(%arg8 : memref<128xi32, #tpu.memory_space<vmem>>) semaphore(%run_scoped3A : memref<!tpu.dma_semaphore, #tpu.memory_space<semaphore_mem>>) {add = true}
        %dma_wait3A_143 = arith.constant 0 : i32
        %dma_wait3A_144 = arith.constant 0 : i32
        %dma_wait3A_145 = tpu.memref_slice %arg19[%dma_wait3A_143, %dma_wait3A_144] : memref<10240x128xf32, #tpu.memory_space<vmem_shared>> -> memref<10240x128xf32, #tpu.memory_space<vmem_shared>>
        tpu.wait_indirect_dma semaphore(%run_scoped3A : memref<!tpu.dma_semaphore, #tpu.memory_space<semaphore_mem>>) src(%arg11 : memref<128x128xf32, #tpu.memory_space<vmem>>) dst(%dma_wait3A_145 : memref<10240x128xf32, #tpu.memory_space<vmem_shared>>)
        tpu.yield
      }) : () -> ()
    } else {
    }
    %barrier3A_93 = arith.constant 0 : index
    tpu.barrier barrier_id(%barrier3A_93)
    %mul3A_94 = arith.constant 10240 : i32
    %mul3A_95 = arith.muli %arg0, %mul3A_94 : i32
    %mul3A_96 = arith.constant 640 : i32
    %mul3A_97 = arith.muli %arg1, %mul3A_96 : i32
    %add3A_98 = arith.addi %mul3A_95, %mul3A_97 : i32
    %mul3A_99 = arith.constant 640 : i32
    %mul3A_100 = arith.muli %arg1, %mul3A_99 : i32
    %add3A_101 = arith.constant 0 : i32
    %add3A_102 = arith.addi %mul3A_100, %add3A_101 : i32
    "tpu.region"() ({
      %run_scoped3A = tpu.sem_alloc : memref<!tpu.dma_semaphore, #tpu.memory_space<semaphore_mem>>
      %dma_start3A = arith.constant 0 : i32
      %dma_start3A_129 = tpu.memref_slice %arg19[%add3A_102, %dma_start3A] : memref<10240x128xf32, #tpu.memory_space<vmem_shared>> -> memref<128x128xf32, #tpu.memory_space<vmem_shared>>
      %dma_start3A_130 = arith.constant 0 : i32
      %dma_start3A_131 = tpu.memref_slice %arg19[%add3A_102, %dma_start3A_130] : memref<10240x128xf32, #tpu.memory_space<vmem_shared>> -> memref<128x128xf32, #tpu.memory_space<vmem_shared>>
      tpu.enqueue_dma source(%dma_start3A_131 : memref<128x128xf32, #tpu.memory_space<vmem_shared>>) target(%arg11 : memref<128x128xf32, #tpu.memory_space<vmem>>) target_semaphore(%run_scoped3A : memref<!tpu.dma_semaphore, #tpu.memory_space<semaphore_mem>>)
      %dma_wait3A = arith.constant 0 : i32
      %dma_wait3A_132 = tpu.memref_slice %arg19[%add3A_102, %dma_wait3A] : memref<10240x128xf32, #tpu.memory_space<vmem_shared>> -> memref<128x128xf32, #tpu.memory_space<vmem_shared>>
      %dma_wait3A_133 = arith.constant 0 : i32
      %dma_wait3A_134 = tpu.memref_slice %arg19[%add3A_102, %dma_wait3A_133] : memref<10240x128xf32, #tpu.memory_space<vmem_shared>> -> memref<128x128xf32, #tpu.memory_space<vmem_shared>>
      tpu.wait_dma2 semaphore(%run_scoped3A : memref<!tpu.dma_semaphore, #tpu.memory_space<semaphore_mem>>) src(%dma_wait3A_134 : memref<128x128xf32, #tpu.memory_space<vmem_shared>>) dst(%arg11 : memref<128x128xf32, #tpu.memory_space<vmem>>)
      tpu.yield
    }) : () -> ()
    %add3A_103 = arith.constant 0 : i32
    %add3A_104 = arith.addi %add3A_98, %add3A_103 : i32
    "tpu.region"() ({
      %run_scoped3A = tpu.sem_alloc : memref<!tpu.dma_semaphore, #tpu.memory_space<semaphore_mem>>
      %dma_start3A = arith.constant 0 : i32
      %dma_start3A_129 = tpu.memref_slice %arg6[%add3A_104, %dma_start3A] : memref<20480x128xf32, #tpu.memory_space<hbm>> -> memref<128x128xf32, #tpu.memory_space<hbm>>
      %dma_start3A_130 = arith.constant 0 : i32
      %dma_start3A_131 = tpu.memref_slice %arg6[%add3A_104, %dma_start3A_130] : memref<20480x128xf32, #tpu.memory_space<hbm>> -> memref<128x128xf32, #tpu.memory_space<hbm>>
      tpu.enqueue_dma source(%arg11 : memref<128x128xf32, #tpu.memory_space<vmem>>) target(%dma_start3A_131 : memref<128x128xf32, #tpu.memory_space<hbm>>) target_semaphore(%run_scoped3A : memref<!tpu.dma_semaphore, #tpu.memory_space<semaphore_mem>>)
      %dma_wait3A = arith.constant 0 : i32
      %dma_wait3A_132 = tpu.memref_slice %arg6[%add3A_104, %dma_wait3A] : memref<20480x128xf32, #tpu.memory_space<hbm>> -> memref<128x128xf32, #tpu.memory_space<hbm>>
      %dma_wait3A_133 = arith.constant 0 : i32
      %dma_wait3A_134 = tpu.memref_slice %arg6[%add3A_104, %dma_wait3A_133] : memref<20480x128xf32, #tpu.memory_space<hbm>> -> memref<128x128xf32, #tpu.memory_space<hbm>>
      tpu.wait_dma2 semaphore(%run_scoped3A : memref<!tpu.dma_semaphore, #tpu.memory_space<semaphore_mem>>) src(%arg11 : memref<128x128xf32, #tpu.memory_space<vmem>>) dst(%dma_wait3A_134 : memref<128x128xf32, #tpu.memory_space<hbm>>)
      tpu.yield
    }) : () -> ()
    %mul3A_105 = arith.constant 640 : i32
    %mul3A_106 = arith.muli %arg1, %mul3A_105 : i32
    %add3A_107 = arith.constant 128 : i32
    %add3A_108 = arith.addi %mul3A_106, %add3A_107 : i32
    "tpu.region"() ({
      %run_scoped3A = tpu.sem_alloc : memref<!tpu.dma_semaphore, #tpu.memory_space<semaphore_mem>>
      %dma_start3A = arith.constant 0 : i32
      %dma_start3A_129 = tpu.memref_slice %arg19[%add3A_108, %dma_start3A] : memref<10240x128xf32, #tpu.memory_space<vmem_shared>> -> memref<128x128xf32, #tpu.memory_space<vmem_shared>>
      %dma_start3A_130 = arith.constant 0 : i32
      %dma_start3A_131 = tpu.memref_slice %arg19[%add3A_108, %dma_start3A_130] : memref<10240x128xf32, #tpu.memory_space<vmem_shared>> -> memref<128x128xf32, #tpu.memory_space<vmem_shared>>
      tpu.enqueue_dma source(%dma_start3A_131 : memref<128x128xf32, #tpu.memory_space<vmem_shared>>) target(%arg11 : memref<128x128xf32, #tpu.memory_space<vmem>>) target_semaphore(%run_scoped3A : memref<!tpu.dma_semaphore, #tpu.memory_space<semaphore_mem>>)
      %dma_wait3A = arith.constant 0 : i32
      %dma_wait3A_132 = tpu.memref_slice %arg19[%add3A_108, %dma_wait3A] : memref<10240x128xf32, #tpu.memory_space<vmem_shared>> -> memref<128x128xf32, #tpu.memory_space<vmem_shared>>
      %dma_wait3A_133 = arith.constant 0 : i32
      %dma_wait3A_134 = tpu.memref_slice %arg19[%add3A_108, %dma_wait3A_133] : memref<10240x128xf32, #tpu.memory_space<vmem_shared>> -> memref<128x128xf32, #tpu.memory_space<vmem_shared>>
      tpu.wait_dma2 semaphore(%run_scoped3A : memref<!tpu.dma_semaphore, #tpu.memory_space<semaphore_mem>>) src(%dma_wait3A_134 : memref<128x128xf32, #tpu.memory_space<vmem_shared>>) dst(%arg11 : memref<128x128xf32, #tpu.memory_space<vmem>>)
      tpu.yield
    }) : () -> ()
    %add3A_109 = arith.constant 128 : i32
    %add3A_110 = arith.addi %add3A_98, %add3A_109 : i32
    "tpu.region"() ({
      %run_scoped3A = tpu.sem_alloc : memref<!tpu.dma_semaphore, #tpu.memory_space<semaphore_mem>>
      %dma_start3A = arith.constant 0 : i32
      %dma_start3A_129 = tpu.memref_slice %arg6[%add3A_110, %dma_start3A] : memref<20480x128xf32, #tpu.memory_space<hbm>> -> memref<128x128xf32, #tpu.memory_space<hbm>>
      %dma_start3A_130 = arith.constant 0 : i32
      %dma_start3A_131 = tpu.memref_slice %arg6[%add3A_110, %dma_start3A_130] : memref<20480x128xf32, #tpu.memory_space<hbm>> -> memref<128x128xf32, #tpu.memory_space<hbm>>
      tpu.enqueue_dma source(%arg11 : memref<128x128xf32, #tpu.memory_space<vmem>>) target(%dma_start3A_131 : memref<128x128xf32, #tpu.memory_space<hbm>>) target_semaphore(%run_scoped3A : memref<!tpu.dma_semaphore, #tpu.memory_space<semaphore_mem>>)
      %dma_wait3A = arith.constant 0 : i32
      %dma_wait3A_132 = tpu.memref_slice %arg6[%add3A_110, %dma_wait3A] : memref<20480x128xf32, #tpu.memory_space<hbm>> -> memref<128x128xf32, #tpu.memory_space<hbm>>
      %dma_wait3A_133 = arith.constant 0 : i32
      %dma_wait3A_134 = tpu.memref_slice %arg6[%add3A_110, %dma_wait3A_133] : memref<20480x128xf32, #tpu.memory_space<hbm>> -> memref<128x128xf32, #tpu.memory_space<hbm>>
      tpu.wait_dma2 semaphore(%run_scoped3A : memref<!tpu.dma_semaphore, #tpu.memory_space<semaphore_mem>>) src(%arg11 : memref<128x128xf32, #tpu.memory_space<vmem>>) dst(%dma_wait3A_134 : memref<128x128xf32, #tpu.memory_space<hbm>>)
      tpu.yield
    }) : () -> ()
    %mul3A_111 = arith.constant 640 : i32
    %mul3A_112 = arith.muli %arg1, %mul3A_111 : i32
    %add3A_113 = arith.constant 256 : i32
    %add3A_114 = arith.addi %mul3A_112, %add3A_113 : i32
    "tpu.region"() ({
      %run_scoped3A = tpu.sem_alloc : memref<!tpu.dma_semaphore, #tpu.memory_space<semaphore_mem>>
      %dma_start3A = arith.constant 0 : i32
      %dma_start3A_129 = tpu.memref_slice %arg19[%add3A_114, %dma_start3A] : memref<10240x128xf32, #tpu.memory_space<vmem_shared>> -> memref<128x128xf32, #tpu.memory_space<vmem_shared>>
      %dma_start3A_130 = arith.constant 0 : i32
      %dma_start3A_131 = tpu.memref_slice %arg19[%add3A_114, %dma_start3A_130] : memref<10240x128xf32, #tpu.memory_space<vmem_shared>> -> memref<128x128xf32, #tpu.memory_space<vmem_shared>>
      tpu.enqueue_dma source(%dma_start3A_131 : memref<128x128xf32, #tpu.memory_space<vmem_shared>>) target(%arg11 : memref<128x128xf32, #tpu.memory_space<vmem>>) target_semaphore(%run_scoped3A : memref<!tpu.dma_semaphore, #tpu.memory_space<semaphore_mem>>)
      %dma_wait3A = arith.constant 0 : i32
      %dma_wait3A_132 = tpu.memref_slice %arg19[%add3A_114, %dma_wait3A] : memref<10240x128xf32, #tpu.memory_space<vmem_shared>> -> memref<128x128xf32, #tpu.memory_space<vmem_shared>>
      %dma_wait3A_133 = arith.constant 0 : i32
      %dma_wait3A_134 = tpu.memref_slice %arg19[%add3A_114, %dma_wait3A_133] : memref<10240x128xf32, #tpu.memory_space<vmem_shared>> -> memref<128x128xf32, #tpu.memory_space<vmem_shared>>
      tpu.wait_dma2 semaphore(%run_scoped3A : memref<!tpu.dma_semaphore, #tpu.memory_space<semaphore_mem>>) src(%dma_wait3A_134 : memref<128x128xf32, #tpu.memory_space<vmem_shared>>) dst(%arg11 : memref<128x128xf32, #tpu.memory_space<vmem>>)
      tpu.yield
    }) : () -> ()
    %add3A_115 = arith.constant 256 : i32
    %add3A_116 = arith.addi %add3A_98, %add3A_115 : i32
    "tpu.region"() ({
      %run_scoped3A = tpu.sem_alloc : memref<!tpu.dma_semaphore, #tpu.memory_space<semaphore_mem>>
      %dma_start3A = arith.constant 0 : i32
      %dma_start3A_129 = tpu.memref_slice %arg6[%add3A_116, %dma_start3A] : memref<20480x128xf32, #tpu.memory_space<hbm>> -> memref<128x128xf32, #tpu.memory_space<hbm>>
      %dma_start3A_130 = arith.constant 0 : i32
      %dma_start3A_131 = tpu.memref_slice %arg6[%add3A_116, %dma_start3A_130] : memref<20480x128xf32, #tpu.memory_space<hbm>> -> memref<128x128xf32, #tpu.memory_space<hbm>>
      tpu.enqueue_dma source(%arg11 : memref<128x128xf32, #tpu.memory_space<vmem>>) target(%dma_start3A_131 : memref<128x128xf32, #tpu.memory_space<hbm>>) target_semaphore(%run_scoped3A : memref<!tpu.dma_semaphore, #tpu.memory_space<semaphore_mem>>)
      %dma_wait3A = arith.constant 0 : i32
      %dma_wait3A_132 = tpu.memref_slice %arg6[%add3A_116, %dma_wait3A] : memref<20480x128xf32, #tpu.memory_space<hbm>> -> memref<128x128xf32, #tpu.memory_space<hbm>>
      %dma_wait3A_133 = arith.constant 0 : i32
      %dma_wait3A_134 = tpu.memref_slice %arg6[%add3A_116, %dma_wait3A_133] : memref<20480x128xf32, #tpu.memory_space<hbm>> -> memref<128x128xf32, #tpu.memory_space<hbm>>
      tpu.wait_dma2 semaphore(%run_scoped3A : memref<!tpu.dma_semaphore, #tpu.memory_space<semaphore_mem>>) src(%arg11 : memref<128x128xf32, #tpu.memory_space<vmem>>) dst(%dma_wait3A_134 : memref<128x128xf32, #tpu.memory_space<hbm>>)
      tpu.yield
    }) : () -> ()
    %mul3A_117 = arith.constant 640 : i32
    %mul3A_118 = arith.muli %arg1, %mul3A_117 : i32
    %add3A_119 = arith.constant 384 : i32
    %add3A_120 = arith.addi %mul3A_118, %add3A_119 : i32
    "tpu.region"() ({
      %run_scoped3A = tpu.sem_alloc : memref<!tpu.dma_semaphore, #tpu.memory_space<semaphore_mem>>
      %dma_start3A = arith.constant 0 : i32
      %dma_start3A_129 = tpu.memref_slice %arg19[%add3A_120, %dma_start3A] : memref<10240x128xf32, #tpu.memory_space<vmem_shared>> -> memref<128x128xf32, #tpu.memory_space<vmem_shared>>
      %dma_start3A_130 = arith.constant 0 : i32
      %dma_start3A_131 = tpu.memref_slice %arg19[%add3A_120, %dma_start3A_130] : memref<10240x128xf32, #tpu.memory_space<vmem_shared>> -> memref<128x128xf32, #tpu.memory_space<vmem_shared>>
      tpu.enqueue_dma source(%dma_start3A_131 : memref<128x128xf32, #tpu.memory_space<vmem_shared>>) target(%arg11 : memref<128x128xf32, #tpu.memory_space<vmem>>) target_semaphore(%run_scoped3A : memref<!tpu.dma_semaphore, #tpu.memory_space<semaphore_mem>>)
      %dma_wait3A = arith.constant 0 : i32
      %dma_wait3A_132 = tpu.memref_slice %arg19[%add3A_120, %dma_wait3A] : memref<10240x128xf32, #tpu.memory_space<vmem_shared>> -> memref<128x128xf32, #tpu.memory_space<vmem_shared>>
      %dma_wait3A_133 = arith.constant 0 : i32
      %dma_wait3A_134 = tpu.memref_slice %arg19[%add3A_120, %dma_wait3A_133] : memref<10240x128xf32, #tpu.memory_space<vmem_shared>> -> memref<128x128xf32, #tpu.memory_space<vmem_shared>>
      tpu.wait_dma2 semaphore(%run_scoped3A : memref<!tpu.dma_semaphore, #tpu.memory_space<semaphore_mem>>) src(%dma_wait3A_134 : memref<128x128xf32, #tpu.memory_space<vmem_shared>>) dst(%arg11 : memref<128x128xf32, #tpu.memory_space<vmem>>)
      tpu.yield
    }) : () -> ()
    %add3A_121 = arith.constant 384 : i32
    %add3A_122 = arith.addi %add3A_98, %add3A_121 : i32
    "tpu.region"() ({
      %run_scoped3A = tpu.sem_alloc : memref<!tpu.dma_semaphore, #tpu.memory_space<semaphore_mem>>
      %dma_start3A = arith.constant 0 : i32
      %dma_start3A_129 = tpu.memref_slice %arg6[%add3A_122, %dma_start3A] : memref<20480x128xf32, #tpu.memory_space<hbm>> -> memref<128x128xf32, #tpu.memory_space<hbm>>
      %dma_start3A_130 = arith.constant 0 : i32
      %dma_start3A_131 = tpu.memref_slice %arg6[%add3A_122, %dma_start3A_130] : memref<20480x128xf32, #tpu.memory_space<hbm>> -> memref<128x128xf32, #tpu.memory_space<hbm>>
      tpu.enqueue_dma source(%arg11 : memref<128x128xf32, #tpu.memory_space<vmem>>) target(%dma_start3A_131 : memref<128x128xf32, #tpu.memory_space<hbm>>) target_semaphore(%run_scoped3A : memref<!tpu.dma_semaphore, #tpu.memory_space<semaphore_mem>>)
      %dma_wait3A = arith.constant 0 : i32
      %dma_wait3A_132 = tpu.memref_slice %arg6[%add3A_122, %dma_wait3A] : memref<20480x128xf32, #tpu.memory_space<hbm>> -> memref<128x128xf32, #tpu.memory_space<hbm>>
      %dma_wait3A_133 = arith.constant 0 : i32
      %dma_wait3A_134 = tpu.memref_slice %arg6[%add3A_122, %dma_wait3A_133] : memref<20480x128xf32, #tpu.memory_space<hbm>> -> memref<128x128xf32, #tpu.memory_space<hbm>>
      tpu.wait_dma2 semaphore(%run_scoped3A : memref<!tpu.dma_semaphore, #tpu.memory_space<semaphore_mem>>) src(%arg11 : memref<128x128xf32, #tpu.memory_space<vmem>>) dst(%dma_wait3A_134 : memref<128x128xf32, #tpu.memory_space<hbm>>)
      tpu.yield
    }) : () -> ()
    %mul3A_123 = arith.constant 640 : i32
    %mul3A_124 = arith.muli %arg1, %mul3A_123 : i32
    %add3A_125 = arith.constant 512 : i32
    %add3A_126 = arith.addi %mul3A_124, %add3A_125 : i32
    "tpu.region"() ({
      %run_scoped3A = tpu.sem_alloc : memref<!tpu.dma_semaphore, #tpu.memory_space<semaphore_mem>>
      %dma_start3A = arith.constant 0 : i32
      %dma_start3A_129 = tpu.memref_slice %arg19[%add3A_126, %dma_start3A] : memref<10240x128xf32, #tpu.memory_space<vmem_shared>> -> memref<128x128xf32, #tpu.memory_space<vmem_shared>>
      %dma_start3A_130 = arith.constant 0 : i32
      %dma_start3A_131 = tpu.memref_slice %arg19[%add3A_126, %dma_start3A_130] : memref<10240x128xf32, #tpu.memory_space<vmem_shared>> -> memref<128x128xf32, #tpu.memory_space<vmem_shared>>
      tpu.enqueue_dma source(%dma_start3A_131 : memref<128x128xf32, #tpu.memory_space<vmem_shared>>) target(%arg11 : memref<128x128xf32, #tpu.memory_space<vmem>>) target_semaphore(%run_scoped3A : memref<!tpu.dma_semaphore, #tpu.memory_space<semaphore_mem>>)
      %dma_wait3A = arith.constant 0 : i32
      %dma_wait3A_132 = tpu.memref_slice %arg19[%add3A_126, %dma_wait3A] : memref<10240x128xf32, #tpu.memory_space<vmem_shared>> -> memref<128x128xf32, #tpu.memory_space<vmem_shared>>
      %dma_wait3A_133 = arith.constant 0 : i32
      %dma_wait3A_134 = tpu.memref_slice %arg19[%add3A_126, %dma_wait3A_133] : memref<10240x128xf32, #tpu.memory_space<vmem_shared>> -> memref<128x128xf32, #tpu.memory_space<vmem_shared>>
      tpu.wait_dma2 semaphore(%run_scoped3A : memref<!tpu.dma_semaphore, #tpu.memory_space<semaphore_mem>>) src(%dma_wait3A_134 : memref<128x128xf32, #tpu.memory_space<vmem_shared>>) dst(%arg11 : memref<128x128xf32, #tpu.memory_space<vmem>>)
      tpu.yield
    }) : () -> ()
    %add3A_127 = arith.constant 512 : i32
    %add3A_128 = arith.addi %add3A_98, %add3A_127 : i32
    "tpu.region"() ({
      %run_scoped3A = tpu.sem_alloc : memref<!tpu.dma_semaphore, #tpu.memory_space<semaphore_mem>>
      %dma_start3A = arith.constant 0 : i32
      %dma_start3A_129 = tpu.memref_slice %arg6[%add3A_128, %dma_start3A] : memref<20480x128xf32, #tpu.memory_space<hbm>> -> memref<128x128xf32, #tpu.memory_space<hbm>>
      %dma_start3A_130 = arith.constant 0 : i32
      %dma_start3A_131 = tpu.memref_slice %arg6[%add3A_128, %dma_start3A_130] : memref<20480x128xf32, #tpu.memory_space<hbm>> -> memref<128x128xf32, #tpu.memory_space<hbm>>
      tpu.enqueue_dma source(%arg11 : memref<128x128xf32, #tpu.memory_space<vmem>>) target(%dma_start3A_131 : memref<128x128xf32, #tpu.memory_space<hbm>>) target_semaphore(%run_scoped3A : memref<!tpu.dma_semaphore, #tpu.memory_space<semaphore_mem>>)
      %dma_wait3A = arith.constant 0 : i32
      %dma_wait3A_132 = tpu.memref_slice %arg6[%add3A_128, %dma_wait3A] : memref<20480x128xf32, #tpu.memory_space<hbm>> -> memref<128x128xf32, #tpu.memory_space<hbm>>
      %dma_wait3A_133 = arith.constant 0 : i32
      %dma_wait3A_134 = tpu.memref_slice %arg6[%add3A_128, %dma_wait3A_133] : memref<20480x128xf32, #tpu.memory_space<hbm>> -> memref<128x128xf32, #tpu.memory_space<hbm>>
      tpu.wait_dma2 semaphore(%run_scoped3A : memref<!tpu.dma_semaphore, #tpu.memory_space<semaphore_mem>>) src(%arg11 : memref<128x128xf32, #tpu.memory_space<vmem>>) dst(%dma_wait3A_134 : memref<128x128xf32, #tpu.memory_space<hbm>>)
      tpu.yield
    }) : () -> ()
    return
  }
}

#map = affine_map<(d0, d1) -> (0, 0)>
#map1 = affine_map<(d0, d1) -> (0)>
module attributes {stable_mosaic.version = 14 : i64} {
  func.func @_sc_agg_body(%arg0: i32, %arg1: i32, %arg2: memref<10000x128xf32, #tpu.memory_space<hbm>>, %arg3: memref<320000xi32, #tpu.memory_space<hbm>>, %arg4: memref<320000xi32, #tpu.memory_space<hbm>>, %arg5: memref<128x128xf32, #tpu.memory_space<hbm>>, %arg6: memref<20480x128xf32, #tpu.memory_space<hbm>>, %arg7: memref<128xi32, #tpu.memory_space<vmem>>, %arg8: memref<128xi32, #tpu.memory_space<vmem>>, %arg9: memref<128xi32, #tpu.memory_space<vmem>>, %arg10: memref<128xi32, #tpu.memory_space<vmem>>, %arg11: memref<128x128xf32, #tpu.memory_space<vmem>>, %arg12: memref<128x128xf32, #tpu.memory_space<vmem>>, %arg13: memref<!tpu.dma_semaphore, #tpu.memory_space<semaphore_mem>>, %arg14: memref<!tpu.dma_semaphore, #tpu.memory_space<semaphore_mem>>, %arg15: memref<!tpu.dma_semaphore, #tpu.memory_space<semaphore_mem>>, %arg16: memref<!tpu.dma_semaphore, #tpu.memory_space<semaphore_mem>>, %arg17: memref<!tpu.dma_semaphore, #tpu.memory_space<semaphore_mem>>, %arg18: memref<!tpu.dma_semaphore, #tpu.memory_space<semaphore_mem>>, %arg19: memref<10240x128xf32, #tpu.memory_space<vmem_shared>>) attributes {dimension_semantics = [#tpu.dimension_semantics<core_parallel>, #tpu.dimension_semantics<subcore_parallel>], iteration_bounds = array<i64: 2, 16>, scalar_prefetch = 0 : i64, scratch_operands = 13 : i64, tpu.core_type = #tpu.core_type<sc_vector_subcore>, window_params = [{transform_indices = #map}, {transform_indices = #map1}, {transform_indices = #map1}, {transform_indices = #map}, {transform_indices = #map}]} {
    %mul3A = arith.constant 2 : i32
    %mul3A_0 = arith.muli %arg1, %mul3A : i32
    %add3A = arith.addi %mul3A_0, %arg0 : i32
    "tpu.region"() ({
      %run_scoped3A = tpu.sem_alloc : memref<!tpu.dma_semaphore, #tpu.memory_space<semaphore_mem>>
      tpu.enqueue_dma source(%arg5 : memref<128x128xf32, #tpu.memory_space<hbm>>) target(%arg11 : memref<128x128xf32, #tpu.memory_space<vmem>>) target_semaphore(%run_scoped3A : memref<!tpu.dma_semaphore, #tpu.memory_space<semaphore_mem>>)
      tpu.wait_dma2 semaphore(%run_scoped3A : memref<!tpu.dma_semaphore, #tpu.memory_space<semaphore_mem>>) src(%arg5 : memref<128x128xf32, #tpu.memory_space<hbm>>) dst(%arg11 : memref<128x128xf32, #tpu.memory_space<vmem>>)
      tpu.yield
    }) : () -> ()
    %mul3A_1 = arith.constant 640 : i32
    %mul3A_2 = arith.muli %arg1, %mul3A_1 : i32
    %add3A_3 = arith.constant 0 : i32
    %add3A_4 = arith.addi %mul3A_2, %add3A_3 : i32
    "tpu.region"() ({
      %run_scoped3A = tpu.sem_alloc : memref<!tpu.dma_semaphore, #tpu.memory_space<semaphore_mem>>
      %dma_start3A = arith.constant 0 : i32
      %dma_start3A_129 = tpu.memref_slice %arg19[%add3A_4, %dma_start3A] : memref<10240x128xf32, #tpu.memory_space<vmem_shared>> -> memref<128x128xf32, #tpu.memory_space<vmem_shared>>
      %dma_start3A_130 = arith.constant 0 : i32
      %dma_start3A_131 = tpu.memref_slice %arg19[%add3A_4, %dma_start3A_130] : memref<10240x128xf32, #tpu.memory_space<vmem_shared>> -> memref<128x128xf32, #tpu.memory_space<vmem_shared>>
      tpu.enqueue_dma source(%arg11 : memref<128x128xf32, #tpu.memory_space<vmem>>) target(%dma_start3A_131 : memref<128x128xf32, #tpu.memory_space<vmem_shared>>) target_semaphore(%run_scoped3A : memref<!tpu.dma_semaphore, #tpu.memory_space<semaphore_mem>>)
      %dma_wait3A = arith.constant 0 : i32
      %dma_wait3A_132 = tpu.memref_slice %arg19[%add3A_4, %dma_wait3A] : memref<10240x128xf32, #tpu.memory_space<vmem_shared>> -> memref<128x128xf32, #tpu.memory_space<vmem_shared>>
      %dma_wait3A_133 = arith.constant 0 : i32
      %dma_wait3A_134 = tpu.memref_slice %arg19[%add3A_4, %dma_wait3A_133] : memref<10240x128xf32, #tpu.memory_space<vmem_shared>> -> memref<128x128xf32, #tpu.memory_space<vmem_shared>>
      tpu.wait_dma2 semaphore(%run_scoped3A : memref<!tpu.dma_semaphore, #tpu.memory_space<semaphore_mem>>) src(%arg11 : memref<128x128xf32, #tpu.memory_space<vmem>>) dst(%dma_wait3A_134 : memref<128x128xf32, #tpu.memory_space<vmem_shared>>)
      tpu.yield
    }) : () -> ()
    %mul3A_5 = arith.constant 640 : i32
    %mul3A_6 = arith.muli %arg1, %mul3A_5 : i32
    %add3A_7 = arith.constant 128 : i32
    %add3A_8 = arith.addi %mul3A_6, %add3A_7 : i32
    "tpu.region"() ({
      %run_scoped3A = tpu.sem_alloc : memref<!tpu.dma_semaphore, #tpu.memory_space<semaphore_mem>>
      %dma_start3A = arith.constant 0 : i32
      %dma_start3A_129 = tpu.memref_slice %arg19[%add3A_8, %dma_start3A] : memref<10240x128xf32, #tpu.memory_space<vmem_shared>> -> memref<128x128xf32, #tpu.memory_space<vmem_shared>>
      %dma_start3A_130 = arith.constant 0 : i32
      %dma_start3A_131 = tpu.memref_slice %arg19[%add3A_8, %dma_start3A_130] : memref<10240x128xf32, #tpu.memory_space<vmem_shared>> -> memref<128x128xf32, #tpu.memory_space<vmem_shared>>
      tpu.enqueue_dma source(%arg11 : memref<128x128xf32, #tpu.memory_space<vmem>>) target(%dma_start3A_131 : memref<128x128xf32, #tpu.memory_space<vmem_shared>>) target_semaphore(%run_scoped3A : memref<!tpu.dma_semaphore, #tpu.memory_space<semaphore_mem>>)
      %dma_wait3A = arith.constant 0 : i32
      %dma_wait3A_132 = tpu.memref_slice %arg19[%add3A_8, %dma_wait3A] : memref<10240x128xf32, #tpu.memory_space<vmem_shared>> -> memref<128x128xf32, #tpu.memory_space<vmem_shared>>
      %dma_wait3A_133 = arith.constant 0 : i32
      %dma_wait3A_134 = tpu.memref_slice %arg19[%add3A_8, %dma_wait3A_133] : memref<10240x128xf32, #tpu.memory_space<vmem_shared>> -> memref<128x128xf32, #tpu.memory_space<vmem_shared>>
      tpu.wait_dma2 semaphore(%run_scoped3A : memref<!tpu.dma_semaphore, #tpu.memory_space<semaphore_mem>>) src(%arg11 : memref<128x128xf32, #tpu.memory_space<vmem>>) dst(%dma_wait3A_134 : memref<128x128xf32, #tpu.memory_space<vmem_shared>>)
      tpu.yield
    }) : () -> ()
    %mul3A_9 = arith.constant 640 : i32
    %mul3A_10 = arith.muli %arg1, %mul3A_9 : i32
    %add3A_11 = arith.constant 256 : i32
    %add3A_12 = arith.addi %mul3A_10, %add3A_11 : i32
    "tpu.region"() ({
      %run_scoped3A = tpu.sem_alloc : memref<!tpu.dma_semaphore, #tpu.memory_space<semaphore_mem>>
      %dma_start3A = arith.constant 0 : i32
      %dma_start3A_129 = tpu.memref_slice %arg19[%add3A_12, %dma_start3A] : memref<10240x128xf32, #tpu.memory_space<vmem_shared>> -> memref<128x128xf32, #tpu.memory_space<vmem_shared>>
      %dma_start3A_130 = arith.constant 0 : i32
      %dma_start3A_131 = tpu.memref_slice %arg19[%add3A_12, %dma_start3A_130] : memref<10240x128xf32, #tpu.memory_space<vmem_shared>> -> memref<128x128xf32, #tpu.memory_space<vmem_shared>>
      tpu.enqueue_dma source(%arg11 : memref<128x128xf32, #tpu.memory_space<vmem>>) target(%dma_start3A_131 : memref<128x128xf32, #tpu.memory_space<vmem_shared>>) target_semaphore(%run_scoped3A : memref<!tpu.dma_semaphore, #tpu.memory_space<semaphore_mem>>)
      %dma_wait3A = arith.constant 0 : i32
      %dma_wait3A_132 = tpu.memref_slice %arg19[%add3A_12, %dma_wait3A] : memref<10240x128xf32, #tpu.memory_space<vmem_shared>> -> memref<128x128xf32, #tpu.memory_space<vmem_shared>>
      %dma_wait3A_133 = arith.constant 0 : i32
      %dma_wait3A_134 = tpu.memref_slice %arg19[%add3A_12, %dma_wait3A_133] : memref<10240x128xf32, #tpu.memory_space<vmem_shared>> -> memref<128x128xf32, #tpu.memory_space<vmem_shared>>
      tpu.wait_dma2 semaphore(%run_scoped3A : memref<!tpu.dma_semaphore, #tpu.memory_space<semaphore_mem>>) src(%arg11 : memref<128x128xf32, #tpu.memory_space<vmem>>) dst(%dma_wait3A_134 : memref<128x128xf32, #tpu.memory_space<vmem_shared>>)
      tpu.yield
    }) : () -> ()
    %mul3A_13 = arith.constant 640 : i32
    %mul3A_14 = arith.muli %arg1, %mul3A_13 : i32
    %add3A_15 = arith.constant 384 : i32
    %add3A_16 = arith.addi %mul3A_14, %add3A_15 : i32
    "tpu.region"() ({
      %run_scoped3A = tpu.sem_alloc : memref<!tpu.dma_semaphore, #tpu.memory_space<semaphore_mem>>
      %dma_start3A = arith.constant 0 : i32
      %dma_start3A_129 = tpu.memref_slice %arg19[%add3A_16, %dma_start3A] : memref<10240x128xf32, #tpu.memory_space<vmem_shared>> -> memref<128x128xf32, #tpu.memory_space<vmem_shared>>
      %dma_start3A_130 = arith.constant 0 : i32
      %dma_start3A_131 = tpu.memref_slice %arg19[%add3A_16, %dma_start3A_130] : memref<10240x128xf32, #tpu.memory_space<vmem_shared>> -> memref<128x128xf32, #tpu.memory_space<vmem_shared>>
      tpu.enqueue_dma source(%arg11 : memref<128x128xf32, #tpu.memory_space<vmem>>) target(%dma_start3A_131 : memref<128x128xf32, #tpu.memory_space<vmem_shared>>) target_semaphore(%run_scoped3A : memref<!tpu.dma_semaphore, #tpu.memory_space<semaphore_mem>>)
      %dma_wait3A = arith.constant 0 : i32
      %dma_wait3A_132 = tpu.memref_slice %arg19[%add3A_16, %dma_wait3A] : memref<10240x128xf32, #tpu.memory_space<vmem_shared>> -> memref<128x128xf32, #tpu.memory_space<vmem_shared>>
      %dma_wait3A_133 = arith.constant 0 : i32
      %dma_wait3A_134 = tpu.memref_slice %arg19[%add3A_16, %dma_wait3A_133] : memref<10240x128xf32, #tpu.memory_space<vmem_shared>> -> memref<128x128xf32, #tpu.memory_space<vmem_shared>>
      tpu.wait_dma2 semaphore(%run_scoped3A : memref<!tpu.dma_semaphore, #tpu.memory_space<semaphore_mem>>) src(%arg11 : memref<128x128xf32, #tpu.memory_space<vmem>>) dst(%dma_wait3A_134 : memref<128x128xf32, #tpu.memory_space<vmem_shared>>)
      tpu.yield
    }) : () -> ()
    %mul3A_17 = arith.constant 640 : i32
    %mul3A_18 = arith.muli %arg1, %mul3A_17 : i32
    %add3A_19 = arith.constant 512 : i32
    %add3A_20 = arith.addi %mul3A_18, %add3A_19 : i32
    "tpu.region"() ({
      %run_scoped3A = tpu.sem_alloc : memref<!tpu.dma_semaphore, #tpu.memory_space<semaphore_mem>>
      %dma_start3A = arith.constant 0 : i32
      %dma_start3A_129 = tpu.memref_slice %arg19[%add3A_20, %dma_start3A] : memref<10240x128xf32, #tpu.memory_space<vmem_shared>> -> memref<128x128xf32, #tpu.memory_space<vmem_shared>>
      %dma_start3A_130 = arith.constant 0 : i32
      %dma_start3A_131 = tpu.memref_slice %arg19[%add3A_20, %dma_start3A_130] : memref<10240x128xf32, #tpu.memory_space<vmem_shared>> -> memref<128x128xf32, #tpu.memory_space<vmem_shared>>
      tpu.enqueue_dma source(%arg11 : memref<128x128xf32, #tpu.memory_space<vmem>>) target(%dma_start3A_131 : memref<128x128xf32, #tpu.memory_space<vmem_shared>>) target_semaphore(%run_scoped3A : memref<!tpu.dma_semaphore, #tpu.memory_space<semaphore_mem>>)
      %dma_wait3A = arith.constant 0 : i32
      %dma_wait3A_132 = tpu.memref_slice %arg19[%add3A_20, %dma_wait3A] : memref<10240x128xf32, #tpu.memory_space<vmem_shared>> -> memref<128x128xf32, #tpu.memory_space<vmem_shared>>
      %dma_wait3A_133 = arith.constant 0 : i32
      %dma_wait3A_134 = tpu.memref_slice %arg19[%add3A_20, %dma_wait3A_133] : memref<10240x128xf32, #tpu.memory_space<vmem_shared>> -> memref<128x128xf32, #tpu.memory_space<vmem_shared>>
      tpu.wait_dma2 semaphore(%run_scoped3A : memref<!tpu.dma_semaphore, #tpu.memory_space<semaphore_mem>>) src(%arg11 : memref<128x128xf32, #tpu.memory_space<vmem>>) dst(%dma_wait3A_134 : memref<128x128xf32, #tpu.memory_space<vmem_shared>>)
      tpu.yield
    }) : () -> ()
    %barrier3A = arith.constant 0 : index
    tpu.barrier barrier_id(%barrier3A)
    %sub3A = arith.constant 2500 : i32
    %sub3A_21 = arith.subi %sub3A, %add3A : i32
    %add3A_22 = arith.constant 32 : i32
    %add3A_23 = arith.addi %sub3A_21, %add3A_22 : i32
    %sub3A_24 = arith.constant 1 : i32
    %sub3A_25 = arith.subi %add3A_23, %sub3A_24 : i32
    %jit3A = arith.constant 32 : i32
    %div3A = arith.divsi %sub3A_25, %jit3A : i32
    %sign3A = arith.constant 0 : i32
    %sign3A_26 = arith.cmpi sgt, %sub3A_25, %sign3A : i32
    %sign3A_27 = arith.extui %sign3A_26 : i1 to i32
    %sign3A_28 = arith.constant 0 : i32
    %sign3A_29 = arith.cmpi slt, %sub3A_25, %sign3A_28 : i32
    %sign3A_30 = arith.extui %sign3A_29 : i1 to i32
    %sign3A_31 = arith.subi %sign3A_27, %sign3A_30 : i32
    %sign3A_32 = arith.constant 0 : i32
    %sign3A_33 = arith.cmpi sgt, %jit3A, %sign3A_32 : i32
    %sign3A_34 = arith.extui %sign3A_33 : i1 to i32
    %sign3A_35 = arith.constant 0 : i32
    %sign3A_36 = arith.cmpi slt, %jit3A, %sign3A_35 : i32
    %sign3A_37 = arith.extui %sign3A_36 : i1 to i32
    %sign3A_38 = arith.subi %sign3A_34, %sign3A_37 : i32
    %ne3A = arith.cmpi ne, %sign3A_31, %sign3A_38 : i32
    %rem3A = arith.remsi %sub3A_25, %jit3A : i32
    %ne3A_39 = arith.constant 0 : i32
    %ne3A_40 = arith.cmpi ne, %rem3A, %ne3A_39 : i32
    %and3A = arith.andi %ne3A, %ne3A_40 : i1
    %sub3A_41 = arith.constant 1 : i32
    %sub3A_42 = arith.subi %div3A, %sub3A_41 : i32
    %select_n3A = arith.select %and3A, %sub3A_42, %div3A : i32
    %jit3A_43 = arith.constant 2 : i32
    %div3A_44 = arith.divsi %select_n3A, %jit3A_43 : i32
    %sign3A_45 = arith.constant 0 : i32
    %sign3A_46 = arith.cmpi sgt, %select_n3A, %sign3A_45 : i32
    %sign3A_47 = arith.extui %sign3A_46 : i1 to i32
    %sign3A_48 = arith.constant 0 : i32
    %sign3A_49 = arith.cmpi slt, %select_n3A, %sign3A_48 : i32
    %sign3A_50 = arith.extui %sign3A_49 : i1 to i32
    %sign3A_51 = arith.subi %sign3A_47, %sign3A_50 : i32
    %sign3A_52 = arith.constant 0 : i32
    %sign3A_53 = arith.cmpi sgt, %jit3A_43, %sign3A_52 : i32
    %sign3A_54 = arith.extui %sign3A_53 : i1 to i32
    %sign3A_55 = arith.constant 0 : i32
    %sign3A_56 = arith.cmpi slt, %jit3A_43, %sign3A_55 : i32
    %sign3A_57 = arith.extui %sign3A_56 : i1 to i32
    %sign3A_58 = arith.subi %sign3A_54, %sign3A_57 : i32
    %ne3A_59 = arith.cmpi ne, %sign3A_51, %sign3A_58 : i32
    %rem3A_60 = arith.remsi %select_n3A, %jit3A_43 : i32
    %ne3A_61 = arith.constant 0 : i32
    %ne3A_62 = arith.cmpi ne, %rem3A_60, %ne3A_61 : i32
    %and3A_63 = arith.andi %ne3A_59, %ne3A_62 : i1
    %sub3A_64 = arith.constant 1 : i32
    %sub3A_65 = arith.subi %div3A_44, %sub3A_64 : i32
    %select_n3A_66 = arith.select %and3A_63, %sub3A_65, %div3A_44 : i32
    %while3A = arith.constant 0 : i32
    %while3A_67 = arith.constant 0 : i32
    %while3A_68 = arith.subi %select_n3A_66, %while3A_67 : i32
    %while3A_69 = arith.addi %while3A_67, %while3A_68 : i32
    %while3A_70 = arith.constant 1 : i32
    %while3A_71 = arith.divsi %while3A_68, %while3A_70 : i32
    %while3A_72 = arith.muli %while3A_71, %while3A_70 : i32
    %while3A_73 = arith.addi %while3A_67, %while3A_72 : i32
    %while3A_74 = arith.constant 1 : i32
    scf.for %while3A_129 = %while3A_67 to %while3A_73 step %while3A_74  : i32 {
      %mul3A_130 = arith.constant 64 : i32
      %mul3A_131 = arith.muli %mul3A_130, %while3A_129 : i32
      %add3A_132 = arith.addi %add3A, %mul3A_131 : i32
      %mul3A_133 = arith.constant 128 : i32
      %mul3A_134 = arith.muli %add3A_132, %mul3A_133 : i32
      %mul3A_135 = arith.constant 2 : i32
      %mul3A_136 = arith.muli %mul3A_135, %while3A_129 : i32
      %add3A_137 = arith.constant 1 : i32
      %add3A_138 = arith.addi %mul3A_136, %add3A_137 : i32
      %mul3A_139 = arith.constant 32 : i32
      %mul3A_140 = arith.muli %mul3A_139, %add3A_138 : i32
      %add3A_141 = arith.addi %add3A, %mul3A_140 : i32
      %mul3A_142 = arith.constant 128 : i32
      %mul3A_143 = arith.muli %add3A_141, %mul3A_142 : i32
      %dma_start3A = tpu.memref_slice %arg3[%mul3A_134] : memref<320000xi32, #tpu.memory_space<hbm>> -> memref<128xi32, #tpu.memory_space<hbm>>
      %dma_start3A_144 = tpu.memref_slice %arg3[%mul3A_134] : memref<320000xi32, #tpu.memory_space<hbm>> -> memref<128xi32, #tpu.memory_space<hbm>>
      tpu.enqueue_dma source(%dma_start3A_144 : memref<128xi32, #tpu.memory_space<hbm>>) target(%arg7 : memref<128xi32, #tpu.memory_space<vmem>>) target_semaphore(%arg13 : memref<!tpu.dma_semaphore, #tpu.memory_space<semaphore_mem>>)
      %dma_start3A_145 = tpu.memref_slice %arg4[%mul3A_134] : memref<320000xi32, #tpu.memory_space<hbm>> -> memref<128xi32, #tpu.memory_space<hbm>>
      %dma_start3A_146 = tpu.memref_slice %arg4[%mul3A_134] : memref<320000xi32, #tpu.memory_space<hbm>> -> memref<128xi32, #tpu.memory_space<hbm>>
      tpu.enqueue_dma source(%dma_start3A_146 : memref<128xi32, #tpu.memory_space<hbm>>) target(%arg8 : memref<128xi32, #tpu.memory_space<vmem>>) target_semaphore(%arg14 : memref<!tpu.dma_semaphore, #tpu.memory_space<semaphore_mem>>)
      %dma_start3A_147 = tpu.memref_slice %arg3[%mul3A_143] : memref<320000xi32, #tpu.memory_space<hbm>> -> memref<128xi32, #tpu.memory_space<hbm>>
      %dma_start3A_148 = tpu.memref_slice %arg3[%mul3A_143] : memref<320000xi32, #tpu.memory_space<hbm>> -> memref<128xi32, #tpu.memory_space<hbm>>
      tpu.enqueue_dma source(%dma_start3A_148 : memref<128xi32, #tpu.memory_space<hbm>>) target(%arg9 : memref<128xi32, #tpu.memory_space<vmem>>) target_semaphore(%arg15 : memref<!tpu.dma_semaphore, #tpu.memory_space<semaphore_mem>>)
      %dma_start3A_149 = tpu.memref_slice %arg4[%mul3A_143] : memref<320000xi32, #tpu.memory_space<hbm>> -> memref<128xi32, #tpu.memory_space<hbm>>
      %dma_start3A_150 = tpu.memref_slice %arg4[%mul3A_143] : memref<320000xi32, #tpu.memory_space<hbm>> -> memref<128xi32, #tpu.memory_space<hbm>>
      tpu.enqueue_dma source(%dma_start3A_150 : memref<128xi32, #tpu.memory_space<hbm>>) target(%arg10 : memref<128xi32, #tpu.memory_space<vmem>>) target_semaphore(%arg16 : memref<!tpu.dma_semaphore, #tpu.memory_space<semaphore_mem>>)
      %dma_wait3A = tpu.memref_slice %arg3[%mul3A_134] : memref<320000xi32, #tpu.memory_space<hbm>> -> memref<128xi32, #tpu.memory_space<hbm>>
      %dma_wait3A_151 = tpu.memref_slice %arg3[%mul3A_134] : memref<320000xi32, #tpu.memory_space<hbm>> -> memref<128xi32, #tpu.memory_space<hbm>>
      tpu.wait_dma2 semaphore(%arg13 : memref<!tpu.dma_semaphore, #tpu.memory_space<semaphore_mem>>) src(%dma_wait3A_151 : memref<128xi32, #tpu.memory_space<hbm>>) dst(%arg7 : memref<128xi32, #tpu.memory_space<vmem>>)
      %dma_start3A_152 = arith.constant 0 : i32
      %dma_start3A_153 = arith.constant 0 : i32
      %dma_start3A_154 = tpu.memref_slice %arg2[%dma_start3A_152, %dma_start3A_153] : memref<10000x128xf32, #tpu.memory_space<hbm>> -> memref<10000x128xf32, #tpu.memory_space<hbm>>
      tpu.enqueue_indirect_dma source(%dma_start3A_154 : memref<10000x128xf32, #tpu.memory_space<hbm>>) target(%arg11 : memref<128x128xf32, #tpu.memory_space<vmem>>) offsets(%arg7 : memref<128xi32, #tpu.memory_space<vmem>>) semaphore(%arg17 : memref<!tpu.dma_semaphore, #tpu.memory_space<semaphore_mem>>)
      %dma_wait3A_155 = tpu.memref_slice %arg3[%mul3A_143] : memref<320000xi32, #tpu.memory_space<hbm>> -> memref<128xi32, #tpu.memory_space<hbm>>
      %dma_wait3A_156 = tpu.memref_slice %arg3[%mul3A_143] : memref<320000xi32, #tpu.memory_space<hbm>> -> memref<128xi32, #tpu.memory_space<hbm>>
      tpu.wait_dma2 semaphore(%arg15 : memref<!tpu.dma_semaphore, #tpu.memory_space<semaphore_mem>>) src(%dma_wait3A_156 : memref<128xi32, #tpu.memory_space<hbm>>) dst(%arg9 : memref<128xi32, #tpu.memory_space<vmem>>)
      %dma_start3A_157 = arith.constant 0 : i32
      %dma_start3A_158 = arith.constant 0 : i32
      %dma_start3A_159 = tpu.memref_slice %arg2[%dma_start3A_157, %dma_start3A_158] : memref<10000x128xf32, #tpu.memory_space<hbm>> -> memref<10000x128xf32, #tpu.memory_space<hbm>>
      tpu.enqueue_indirect_dma source(%dma_start3A_159 : memref<10000x128xf32, #tpu.memory_space<hbm>>) target(%arg12 : memref<128x128xf32, #tpu.memory_space<vmem>>) offsets(%arg9 : memref<128xi32, #tpu.memory_space<vmem>>) semaphore(%arg18 : memref<!tpu.dma_semaphore, #tpu.memory_space<semaphore_mem>>)
      %dma_wait3A_160 = arith.constant 0 : i32
      %dma_wait3A_161 = arith.constant 0 : i32
      %dma_wait3A_162 = tpu.memref_slice %arg2[%dma_wait3A_160, %dma_wait3A_161] : memref<10000x128xf32, #tpu.memory_space<hbm>> -> memref<10000x128xf32, #tpu.memory_space<hbm>>
      tpu.wait_indirect_dma semaphore(%arg17 : memref<!tpu.dma_semaphore, #tpu.memory_space<semaphore_mem>>) src(%dma_wait3A_162 : memref<10000x128xf32, #tpu.memory_space<hbm>>) dst(%arg11 : memref<128x128xf32, #tpu.memory_space<vmem>>)
      %dma_wait3A_163 = tpu.memref_slice %arg4[%mul3A_134] : memref<320000xi32, #tpu.memory_space<hbm>> -> memref<128xi32, #tpu.memory_space<hbm>>
      %dma_wait3A_164 = tpu.memref_slice %arg4[%mul3A_134] : memref<320000xi32, #tpu.memory_space<hbm>> -> memref<128xi32, #tpu.memory_space<hbm>>
      tpu.wait_dma2 semaphore(%arg14 : memref<!tpu.dma_semaphore, #tpu.memory_space<semaphore_mem>>) src(%dma_wait3A_164 : memref<128xi32, #tpu.memory_space<hbm>>) dst(%arg8 : memref<128xi32, #tpu.memory_space<vmem>>)
      "tpu.region"() ({
        %run_scoped3A = tpu.sem_alloc : memref<!tpu.dma_semaphore, #tpu.memory_space<semaphore_mem>>
        %dma_start3A_170 = arith.constant 0 : i32
        %dma_start3A_171 = arith.constant 0 : i32
        %dma_start3A_172 = tpu.memref_slice %arg19[%dma_start3A_170, %dma_start3A_171] : memref<10240x128xf32, #tpu.memory_space<vmem_shared>> -> memref<10240x128xf32, #tpu.memory_space<vmem_shared>>
        tpu.enqueue_indirect_dma source(%arg11 : memref<128x128xf32, #tpu.memory_space<vmem>>) target(%dma_start3A_172 : memref<10240x128xf32, #tpu.memory_space<vmem_shared>>) offsets(%arg8 : memref<128xi32, #tpu.memory_space<vmem>>) semaphore(%run_scoped3A : memref<!tpu.dma_semaphore, #tpu.memory_space<semaphore_mem>>) {add = true}
        %dma_wait3A_173 = arith.constant 0 : i32
        %dma_wait3A_174 = arith.constant 0 : i32
        %dma_wait3A_175 = tpu.memref_slice %arg19[%dma_wait3A_173, %dma_wait3A_174] : memref<10240x128xf32, #tpu.memory_space<vmem_shared>> -> memref<10240x128xf32, #tpu.memory_space<vmem_shared>>
        tpu.wait_indirect_dma semaphore(%run_scoped3A : memref<!tpu.dma_semaphore, #tpu.memory_space<semaphore_mem>>) src(%arg11 : memref<128x128xf32, #tpu.memory_space<vmem>>) dst(%dma_wait3A_175 : memref<10240x128xf32, #tpu.memory_space<vmem_shared>>)
        tpu.yield
      }) : () -> ()
      %dma_wait3A_165 = arith.constant 0 : i32
      %dma_wait3A_166 = arith.constant 0 : i32
      %dma_wait3A_167 = tpu.memref_slice %arg2[%dma_wait3A_165, %dma_wait3A_166] : memref<10000x128xf32, #tpu.memory_space<hbm>> -> memref<10000x128xf32, #tpu.memory_space<hbm>>
      tpu.wait_indirect_dma semaphore(%arg18 : memref<!tpu.dma_semaphore, #tpu.memory_space<semaphore_mem>>) src(%dma_wait3A_167 : memref<10000x128xf32, #tpu.memory_space<hbm>>) dst(%arg12 : memref<128x128xf32, #tpu.memory_space<vmem>>)
      %dma_wait3A_168 = tpu.memref_slice %arg4[%mul3A_143] : memref<320000xi32, #tpu.memory_space<hbm>> -> memref<128xi32, #tpu.memory_space<hbm>>
      %dma_wait3A_169 = tpu.memref_slice %arg4[%mul3A_143] : memref<320000xi32, #tpu.memory_space<hbm>> -> memref<128xi32, #tpu.memory_space<hbm>>
      tpu.wait_dma2 semaphore(%arg16 : memref<!tpu.dma_semaphore, #tpu.memory_space<semaphore_mem>>) src(%dma_wait3A_169 : memref<128xi32, #tpu.memory_space<hbm>>) dst(%arg10 : memref<128xi32, #tpu.memory_space<vmem>>)
      "tpu.region"() ({
        %run_scoped3A = tpu.sem_alloc : memref<!tpu.dma_semaphore, #tpu.memory_space<semaphore_mem>>
        %dma_start3A_170 = arith.constant 0 : i32
        %dma_start3A_171 = arith.constant 0 : i32
        %dma_start3A_172 = tpu.memref_slice %arg19[%dma_start3A_170, %dma_start3A_171] : memref<10240x128xf32, #tpu.memory_space<vmem_shared>> -> memref<10240x128xf32, #tpu.memory_space<vmem_shared>>
        tpu.enqueue_indirect_dma source(%arg12 : memref<128x128xf32, #tpu.memory_space<vmem>>) target(%dma_start3A_172 : memref<10240x128xf32, #tpu.memory_space<vmem_shared>>) offsets(%arg10 : memref<128xi32, #tpu.memory_space<vmem>>) semaphore(%run_scoped3A : memref<!tpu.dma_semaphore, #tpu.memory_space<semaphore_mem>>) {add = true}
        %dma_wait3A_173 = arith.constant 0 : i32
        %dma_wait3A_174 = arith.constant 0 : i32
        %dma_wait3A_175 = tpu.memref_slice %arg19[%dma_wait3A_173, %dma_wait3A_174] : memref<10240x128xf32, #tpu.memory_space<vmem_shared>> -> memref<10240x128xf32, #tpu.memory_space<vmem_shared>>
        tpu.wait_indirect_dma semaphore(%run_scoped3A : memref<!tpu.dma_semaphore, #tpu.memory_space<semaphore_mem>>) src(%arg12 : memref<128x128xf32, #tpu.memory_space<vmem>>) dst(%dma_wait3A_175 : memref<10240x128xf32, #tpu.memory_space<vmem_shared>>)
        tpu.yield
      }) : () -> ()
    }
    %while3A_75 = arith.constant 1 : i32
    scf.for %while3A_129 = %while3A_73 to %while3A_69 step %while3A_75  : i32 {
      %mul3A_130 = arith.constant 64 : i32
      %mul3A_131 = arith.muli %mul3A_130, %while3A_129 : i32
      %add3A_132 = arith.addi %add3A, %mul3A_131 : i32
      %mul3A_133 = arith.constant 128 : i32
      %mul3A_134 = arith.muli %add3A_132, %mul3A_133 : i32
      %mul3A_135 = arith.constant 2 : i32
      %mul3A_136 = arith.muli %mul3A_135, %while3A_129 : i32
      %add3A_137 = arith.constant 1 : i32
      %add3A_138 = arith.addi %mul3A_136, %add3A_137 : i32
      %mul3A_139 = arith.constant 32 : i32
      %mul3A_140 = arith.muli %mul3A_139, %add3A_138 : i32
      %add3A_141 = arith.addi %add3A, %mul3A_140 : i32
      %mul3A_142 = arith.constant 128 : i32
      %mul3A_143 = arith.muli %add3A_141, %mul3A_142 : i32
      %dma_start3A = tpu.memref_slice %arg3[%mul3A_134] : memref<320000xi32, #tpu.memory_space<hbm>> -> memref<128xi32, #tpu.memory_space<hbm>>
      %dma_start3A_144 = tpu.memref_slice %arg3[%mul3A_134] : memref<320000xi32, #tpu.memory_space<hbm>> -> memref<128xi32, #tpu.memory_space<hbm>>
      tpu.enqueue_dma source(%dma_start3A_144 : memref<128xi32, #tpu.memory_space<hbm>>) target(%arg7 : memref<128xi32, #tpu.memory_space<vmem>>) target_semaphore(%arg13 : memref<!tpu.dma_semaphore, #tpu.memory_space<semaphore_mem>>)
      %dma_start3A_145 = tpu.memref_slice %arg4[%mul3A_134] : memref<320000xi32, #tpu.memory_space<hbm>> -> memref<128xi32, #tpu.memory_space<hbm>>
      %dma_start3A_146 = tpu.memref_slice %arg4[%mul3A_134] : memref<320000xi32, #tpu.memory_space<hbm>> -> memref<128xi32, #tpu.memory_space<hbm>>
      tpu.enqueue_dma source(%dma_start3A_146 : memref<128xi32, #tpu.memory_space<hbm>>) target(%arg8 : memref<128xi32, #tpu.memory_space<vmem>>) target_semaphore(%arg14 : memref<!tpu.dma_semaphore, #tpu.memory_space<semaphore_mem>>)
      %dma_start3A_147 = tpu.memref_slice %arg3[%mul3A_143] : memref<320000xi32, #tpu.memory_space<hbm>> -> memref<128xi32, #tpu.memory_space<hbm>>
      %dma_start3A_148 = tpu.memref_slice %arg3[%mul3A_143] : memref<320000xi32, #tpu.memory_space<hbm>> -> memref<128xi32, #tpu.memory_space<hbm>>
      tpu.enqueue_dma source(%dma_start3A_148 : memref<128xi32, #tpu.memory_space<hbm>>) target(%arg9 : memref<128xi32, #tpu.memory_space<vmem>>) target_semaphore(%arg15 : memref<!tpu.dma_semaphore, #tpu.memory_space<semaphore_mem>>)
      %dma_start3A_149 = tpu.memref_slice %arg4[%mul3A_143] : memref<320000xi32, #tpu.memory_space<hbm>> -> memref<128xi32, #tpu.memory_space<hbm>>
      %dma_start3A_150 = tpu.memref_slice %arg4[%mul3A_143] : memref<320000xi32, #tpu.memory_space<hbm>> -> memref<128xi32, #tpu.memory_space<hbm>>
      tpu.enqueue_dma source(%dma_start3A_150 : memref<128xi32, #tpu.memory_space<hbm>>) target(%arg10 : memref<128xi32, #tpu.memory_space<vmem>>) target_semaphore(%arg16 : memref<!tpu.dma_semaphore, #tpu.memory_space<semaphore_mem>>)
      %dma_wait3A = tpu.memref_slice %arg3[%mul3A_134] : memref<320000xi32, #tpu.memory_space<hbm>> -> memref<128xi32, #tpu.memory_space<hbm>>
      %dma_wait3A_151 = tpu.memref_slice %arg3[%mul3A_134] : memref<320000xi32, #tpu.memory_space<hbm>> -> memref<128xi32, #tpu.memory_space<hbm>>
      tpu.wait_dma2 semaphore(%arg13 : memref<!tpu.dma_semaphore, #tpu.memory_space<semaphore_mem>>) src(%dma_wait3A_151 : memref<128xi32, #tpu.memory_space<hbm>>) dst(%arg7 : memref<128xi32, #tpu.memory_space<vmem>>)
      %dma_start3A_152 = arith.constant 0 : i32
      %dma_start3A_153 = arith.constant 0 : i32
      %dma_start3A_154 = tpu.memref_slice %arg2[%dma_start3A_152, %dma_start3A_153] : memref<10000x128xf32, #tpu.memory_space<hbm>> -> memref<10000x128xf32, #tpu.memory_space<hbm>>
      tpu.enqueue_indirect_dma source(%dma_start3A_154 : memref<10000x128xf32, #tpu.memory_space<hbm>>) target(%arg11 : memref<128x128xf32, #tpu.memory_space<vmem>>) offsets(%arg7 : memref<128xi32, #tpu.memory_space<vmem>>) semaphore(%arg17 : memref<!tpu.dma_semaphore, #tpu.memory_space<semaphore_mem>>)
      %dma_wait3A_155 = tpu.memref_slice %arg3[%mul3A_143] : memref<320000xi32, #tpu.memory_space<hbm>> -> memref<128xi32, #tpu.memory_space<hbm>>
      %dma_wait3A_156 = tpu.memref_slice %arg3[%mul3A_143] : memref<320000xi32, #tpu.memory_space<hbm>> -> memref<128xi32, #tpu.memory_space<hbm>>
      tpu.wait_dma2 semaphore(%arg15 : memref<!tpu.dma_semaphore, #tpu.memory_space<semaphore_mem>>) src(%dma_wait3A_156 : memref<128xi32, #tpu.memory_space<hbm>>) dst(%arg9 : memref<128xi32, #tpu.memory_space<vmem>>)
      %dma_start3A_157 = arith.constant 0 : i32
      %dma_start3A_158 = arith.constant 0 : i32
      %dma_start3A_159 = tpu.memref_slice %arg2[%dma_start3A_157, %dma_start3A_158] : memref<10000x128xf32, #tpu.memory_space<hbm>> -> memref<10000x128xf32, #tpu.memory_space<hbm>>
      tpu.enqueue_indirect_dma source(%dma_start3A_159 : memref<10000x128xf32, #tpu.memory_space<hbm>>) target(%arg12 : memref<128x128xf32, #tpu.memory_space<vmem>>) offsets(%arg9 : memref<128xi32, #tpu.memory_space<vmem>>) semaphore(%arg18 : memref<!tpu.dma_semaphore, #tpu.memory_space<semaphore_mem>>)
      %dma_wait3A_160 = arith.constant 0 : i32
      %dma_wait3A_161 = arith.constant 0 : i32
      %dma_wait3A_162 = tpu.memref_slice %arg2[%dma_wait3A_160, %dma_wait3A_161] : memref<10000x128xf32, #tpu.memory_space<hbm>> -> memref<10000x128xf32, #tpu.memory_space<hbm>>
      tpu.wait_indirect_dma semaphore(%arg17 : memref<!tpu.dma_semaphore, #tpu.memory_space<semaphore_mem>>) src(%dma_wait3A_162 : memref<10000x128xf32, #tpu.memory_space<hbm>>) dst(%arg11 : memref<128x128xf32, #tpu.memory_space<vmem>>)
      %dma_wait3A_163 = tpu.memref_slice %arg4[%mul3A_134] : memref<320000xi32, #tpu.memory_space<hbm>> -> memref<128xi32, #tpu.memory_space<hbm>>
      %dma_wait3A_164 = tpu.memref_slice %arg4[%mul3A_134] : memref<320000xi32, #tpu.memory_space<hbm>> -> memref<128xi32, #tpu.memory_space<hbm>>
      tpu.wait_dma2 semaphore(%arg14 : memref<!tpu.dma_semaphore, #tpu.memory_space<semaphore_mem>>) src(%dma_wait3A_164 : memref<128xi32, #tpu.memory_space<hbm>>) dst(%arg8 : memref<128xi32, #tpu.memory_space<vmem>>)
      "tpu.region"() ({
        %run_scoped3A = tpu.sem_alloc : memref<!tpu.dma_semaphore, #tpu.memory_space<semaphore_mem>>
        %dma_start3A_170 = arith.constant 0 : i32
        %dma_start3A_171 = arith.constant 0 : i32
        %dma_start3A_172 = tpu.memref_slice %arg19[%dma_start3A_170, %dma_start3A_171] : memref<10240x128xf32, #tpu.memory_space<vmem_shared>> -> memref<10240x128xf32, #tpu.memory_space<vmem_shared>>
        tpu.enqueue_indirect_dma source(%arg11 : memref<128x128xf32, #tpu.memory_space<vmem>>) target(%dma_start3A_172 : memref<10240x128xf32, #tpu.memory_space<vmem_shared>>) offsets(%arg8 : memref<128xi32, #tpu.memory_space<vmem>>) semaphore(%run_scoped3A : memref<!tpu.dma_semaphore, #tpu.memory_space<semaphore_mem>>) {add = true}
        %dma_wait3A_173 = arith.constant 0 : i32
        %dma_wait3A_174 = arith.constant 0 : i32
        %dma_wait3A_175 = tpu.memref_slice %arg19[%dma_wait3A_173, %dma_wait3A_174] : memref<10240x128xf32, #tpu.memory_space<vmem_shared>> -> memref<10240x128xf32, #tpu.memory_space<vmem_shared>>
        tpu.wait_indirect_dma semaphore(%run_scoped3A : memref<!tpu.dma_semaphore, #tpu.memory_space<semaphore_mem>>) src(%arg11 : memref<128x128xf32, #tpu.memory_space<vmem>>) dst(%dma_wait3A_175 : memref<10240x128xf32, #tpu.memory_space<vmem_shared>>)
        tpu.yield
      }) : () -> ()
      %dma_wait3A_165 = arith.constant 0 : i32
      %dma_wait3A_166 = arith.constant 0 : i32
      %dma_wait3A_167 = tpu.memref_slice %arg2[%dma_wait3A_165, %dma_wait3A_166] : memref<10000x128xf32, #tpu.memory_space<hbm>> -> memref<10000x128xf32, #tpu.memory_space<hbm>>
      tpu.wait_indirect_dma semaphore(%arg18 : memref<!tpu.dma_semaphore, #tpu.memory_space<semaphore_mem>>) src(%dma_wait3A_167 : memref<10000x128xf32, #tpu.memory_space<hbm>>) dst(%arg12 : memref<128x128xf32, #tpu.memory_space<vmem>>)
      %dma_wait3A_168 = tpu.memref_slice %arg4[%mul3A_143] : memref<320000xi32, #tpu.memory_space<hbm>> -> memref<128xi32, #tpu.memory_space<hbm>>
      %dma_wait3A_169 = tpu.memref_slice %arg4[%mul3A_143] : memref<320000xi32, #tpu.memory_space<hbm>> -> memref<128xi32, #tpu.memory_space<hbm>>
      tpu.wait_dma2 semaphore(%arg16 : memref<!tpu.dma_semaphore, #tpu.memory_space<semaphore_mem>>) src(%dma_wait3A_169 : memref<128xi32, #tpu.memory_space<hbm>>) dst(%arg10 : memref<128xi32, #tpu.memory_space<vmem>>)
      "tpu.region"() ({
        %run_scoped3A = tpu.sem_alloc : memref<!tpu.dma_semaphore, #tpu.memory_space<semaphore_mem>>
        %dma_start3A_170 = arith.constant 0 : i32
        %dma_start3A_171 = arith.constant 0 : i32
        %dma_start3A_172 = tpu.memref_slice %arg19[%dma_start3A_170, %dma_start3A_171] : memref<10240x128xf32, #tpu.memory_space<vmem_shared>> -> memref<10240x128xf32, #tpu.memory_space<vmem_shared>>
        tpu.enqueue_indirect_dma source(%arg12 : memref<128x128xf32, #tpu.memory_space<vmem>>) target(%dma_start3A_172 : memref<10240x128xf32, #tpu.memory_space<vmem_shared>>) offsets(%arg10 : memref<128xi32, #tpu.memory_space<vmem>>) semaphore(%run_scoped3A : memref<!tpu.dma_semaphore, #tpu.memory_space<semaphore_mem>>) {add = true}
        %dma_wait3A_173 = arith.constant 0 : i32
        %dma_wait3A_174 = arith.constant 0 : i32
        %dma_wait3A_175 = tpu.memref_slice %arg19[%dma_wait3A_173, %dma_wait3A_174] : memref<10240x128xf32, #tpu.memory_space<vmem_shared>> -> memref<10240x128xf32, #tpu.memory_space<vmem_shared>>
        tpu.wait_indirect_dma semaphore(%run_scoped3A : memref<!tpu.dma_semaphore, #tpu.memory_space<semaphore_mem>>) src(%arg12 : memref<128x128xf32, #tpu.memory_space<vmem>>) dst(%dma_wait3A_175 : memref<10240x128xf32, #tpu.memory_space<vmem_shared>>)
        tpu.yield
      }) : () -> ()
    }
    %jit3A_76 = arith.constant 2 : i32
    %eq3A = arith.constant 0 : i32
    %eq3A_77 = arith.cmpi eq, %jit3A_76, %eq3A : i32
    %jit3A_78 = arith.constant 1 : i32
    %select_n3A_79 = arith.select %eq3A_77, %jit3A_78, %jit3A_76 : i32
    %rem3A_80 = arith.remsi %select_n3A, %select_n3A_79 : i32
    %ne3A_81 = arith.constant 0 : i32
    %ne3A_82 = arith.cmpi ne, %rem3A_80, %ne3A_81 : i32
    %lt3A = arith.constant 0 : i32
    %lt3A_83 = arith.cmpi slt, %rem3A_80, %lt3A : i32
    %lt3A_84 = arith.constant 0 : i32
    %lt3A_85 = arith.cmpi slt, %select_n3A_79, %lt3A_84 : i32
    %ne3A_86 = arith.xori %lt3A_83, %lt3A_85 : i1
    %and3A_87 = arith.andi %ne3A_86, %ne3A_82 : i1
    %add3A_88 = arith.addi %rem3A_80, %select_n3A_79 : i32
    %select_n3A_89 = arith.select %and3A_87, %add3A_88, %rem3A_80 : i32
    %eq3A_90 = arith.constant 1 : i32
    %eq3A_91 = arith.cmpi eq, %select_n3A_89, %eq3A_90 : i32
    %convert_element_type3A = arith.extui %eq3A_91 : i1 to i32
    %cond3A = arith.constant 0 : i32
    %cond3A_92 = arith.cmpi ne, %convert_element_type3A, %cond3A : i32
    scf.if %cond3A_92 {
      %sub3A_129 = arith.constant 1 : i32
      %sub3A_130 = arith.subi %select_n3A, %sub3A_129 : i32
      %mul3A_131 = arith.constant 32 : i32
      %mul3A_132 = arith.muli %mul3A_131, %sub3A_130 : i32
      %add3A_133 = arith.addi %add3A, %mul3A_132 : i32
      %mul3A_134 = arith.constant 128 : i32
      %mul3A_135 = arith.muli %add3A_133, %mul3A_134 : i32
      "tpu.region"() ({
        %run_scoped3A = tpu.sem_alloc : memref<!tpu.dma_semaphore, #tpu.memory_space<semaphore_mem>>
        %dma_start3A_140 = tpu.memref_slice %arg3[%mul3A_135] : memref<320000xi32, #tpu.memory_space<hbm>> -> memref<128xi32, #tpu.memory_space<hbm>>
        %dma_start3A_141 = tpu.memref_slice %arg3[%mul3A_135] : memref<320000xi32, #tpu.memory_space<hbm>> -> memref<128xi32, #tpu.memory_space<hbm>>
        tpu.enqueue_dma source(%dma_start3A_141 : memref<128xi32, #tpu.memory_space<hbm>>) target(%arg7 : memref<128xi32, #tpu.memory_space<vmem>>) target_semaphore(%run_scoped3A : memref<!tpu.dma_semaphore, #tpu.memory_space<semaphore_mem>>)
        %dma_wait3A_142 = tpu.memref_slice %arg3[%mul3A_135] : memref<320000xi32, #tpu.memory_space<hbm>> -> memref<128xi32, #tpu.memory_space<hbm>>
        %dma_wait3A_143 = tpu.memref_slice %arg3[%mul3A_135] : memref<320000xi32, #tpu.memory_space<hbm>> -> memref<128xi32, #tpu.memory_space<hbm>>
        tpu.wait_dma2 semaphore(%run_scoped3A : memref<!tpu.dma_semaphore, #tpu.memory_space<semaphore_mem>>) src(%dma_wait3A_143 : memref<128xi32, #tpu.memory_space<hbm>>) dst(%arg7 : memref<128xi32, #tpu.memory_space<vmem>>)
        tpu.yield
      }) : () -> ()
      "tpu.region"() ({
        %run_scoped3A = tpu.sem_alloc : memref<!tpu.dma_semaphore, #tpu.memory_space<semaphore_mem>>
        %dma_start3A_140 = tpu.memref_slice %arg4[%mul3A_135] : memref<320000xi32, #tpu.memory_space<hbm>> -> memref<128xi32, #tpu.memory_space<hbm>>
        %dma_start3A_141 = tpu.memref_slice %arg4[%mul3A_135] : memref<320000xi32, #tpu.memory_space<hbm>> -> memref<128xi32, #tpu.memory_space<hbm>>
        tpu.enqueue_dma source(%dma_start3A_141 : memref<128xi32, #tpu.memory_space<hbm>>) target(%arg8 : memref<128xi32, #tpu.memory_space<vmem>>) target_semaphore(%run_scoped3A : memref<!tpu.dma_semaphore, #tpu.memory_space<semaphore_mem>>)
        %dma_wait3A_142 = tpu.memref_slice %arg4[%mul3A_135] : memref<320000xi32, #tpu.memory_space<hbm>> -> memref<128xi32, #tpu.memory_space<hbm>>
        %dma_wait3A_143 = tpu.memref_slice %arg4[%mul3A_135] : memref<320000xi32, #tpu.memory_space<hbm>> -> memref<128xi32, #tpu.memory_space<hbm>>
        tpu.wait_dma2 semaphore(%run_scoped3A : memref<!tpu.dma_semaphore, #tpu.memory_space<semaphore_mem>>) src(%dma_wait3A_143 : memref<128xi32, #tpu.memory_space<hbm>>) dst(%arg8 : memref<128xi32, #tpu.memory_space<vmem>>)
        tpu.yield
      }) : () -> ()
      %dma_start3A = arith.constant 0 : i32
      %dma_start3A_136 = arith.constant 0 : i32
      %dma_start3A_137 = tpu.memref_slice %arg2[%dma_start3A, %dma_start3A_136] : memref<10000x128xf32, #tpu.memory_space<hbm>> -> memref<10000x128xf32, #tpu.memory_space<hbm>>
      tpu.enqueue_indirect_dma source(%dma_start3A_137 : memref<10000x128xf32, #tpu.memory_space<hbm>>) target(%arg11 : memref<128x128xf32, #tpu.memory_space<vmem>>) offsets(%arg7 : memref<128xi32, #tpu.memory_space<vmem>>) semaphore(%arg17 : memref<!tpu.dma_semaphore, #tpu.memory_space<semaphore_mem>>)
      %dma_wait3A = arith.constant 0 : i32
      %dma_wait3A_138 = arith.constant 0 : i32
      %dma_wait3A_139 = tpu.memref_slice %arg2[%dma_wait3A, %dma_wait3A_138] : memref<10000x128xf32, #tpu.memory_space<hbm>> -> memref<10000x128xf32, #tpu.memory_space<hbm>>
      tpu.wait_indirect_dma semaphore(%arg17 : memref<!tpu.dma_semaphore, #tpu.memory_space<semaphore_mem>>) src(%dma_wait3A_139 : memref<10000x128xf32, #tpu.memory_space<hbm>>) dst(%arg11 : memref<128x128xf32, #tpu.memory_space<vmem>>)
      "tpu.region"() ({
        %run_scoped3A = tpu.sem_alloc : memref<!tpu.dma_semaphore, #tpu.memory_space<semaphore_mem>>
        %dma_start3A_140 = arith.constant 0 : i32
        %dma_start3A_141 = arith.constant 0 : i32
        %dma_start3A_142 = tpu.memref_slice %arg19[%dma_start3A_140, %dma_start3A_141] : memref<10240x128xf32, #tpu.memory_space<vmem_shared>> -> memref<10240x128xf32, #tpu.memory_space<vmem_shared>>
        tpu.enqueue_indirect_dma source(%arg11 : memref<128x128xf32, #tpu.memory_space<vmem>>) target(%dma_start3A_142 : memref<10240x128xf32, #tpu.memory_space<vmem_shared>>) offsets(%arg8 : memref<128xi32, #tpu.memory_space<vmem>>) semaphore(%run_scoped3A : memref<!tpu.dma_semaphore, #tpu.memory_space<semaphore_mem>>) {add = true}
        %dma_wait3A_143 = arith.constant 0 : i32
        %dma_wait3A_144 = arith.constant 0 : i32
        %dma_wait3A_145 = tpu.memref_slice %arg19[%dma_wait3A_143, %dma_wait3A_144] : memref<10240x128xf32, #tpu.memory_space<vmem_shared>> -> memref<10240x128xf32, #tpu.memory_space<vmem_shared>>
        tpu.wait_indirect_dma semaphore(%run_scoped3A : memref<!tpu.dma_semaphore, #tpu.memory_space<semaphore_mem>>) src(%arg11 : memref<128x128xf32, #tpu.memory_space<vmem>>) dst(%dma_wait3A_145 : memref<10240x128xf32, #tpu.memory_space<vmem_shared>>)
        tpu.yield
      }) : () -> ()
    } else {
    }
    %barrier3A_93 = arith.constant 0 : index
    tpu.barrier barrier_id(%barrier3A_93)
    %mul3A_94 = arith.constant 10240 : i32
    %mul3A_95 = arith.muli %arg0, %mul3A_94 : i32
    %mul3A_96 = arith.constant 640 : i32
    %mul3A_97 = arith.muli %arg1, %mul3A_96 : i32
    %add3A_98 = arith.addi %mul3A_95, %mul3A_97 : i32
    %mul3A_99 = arith.constant 640 : i32
    %mul3A_100 = arith.muli %arg1, %mul3A_99 : i32
    %add3A_101 = arith.constant 0 : i32
    %add3A_102 = arith.addi %mul3A_100, %add3A_101 : i32
    "tpu.region"() ({
      %run_scoped3A = tpu.sem_alloc : memref<!tpu.dma_semaphore, #tpu.memory_space<semaphore_mem>>
      %dma_start3A = arith.constant 0 : i32
      %dma_start3A_129 = tpu.memref_slice %arg19[%add3A_102, %dma_start3A] : memref<10240x128xf32, #tpu.memory_space<vmem_shared>> -> memref<128x128xf32, #tpu.memory_space<vmem_shared>>
      %dma_start3A_130 = arith.constant 0 : i32
      %dma_start3A_131 = tpu.memref_slice %arg19[%add3A_102, %dma_start3A_130] : memref<10240x128xf32, #tpu.memory_space<vmem_shared>> -> memref<128x128xf32, #tpu.memory_space<vmem_shared>>
      tpu.enqueue_dma source(%dma_start3A_131 : memref<128x128xf32, #tpu.memory_space<vmem_shared>>) target(%arg11 : memref<128x128xf32, #tpu.memory_space<vmem>>) target_semaphore(%run_scoped3A : memref<!tpu.dma_semaphore, #tpu.memory_space<semaphore_mem>>)
      %dma_wait3A = arith.constant 0 : i32
      %dma_wait3A_132 = tpu.memref_slice %arg19[%add3A_102, %dma_wait3A] : memref<10240x128xf32, #tpu.memory_space<vmem_shared>> -> memref<128x128xf32, #tpu.memory_space<vmem_shared>>
      %dma_wait3A_133 = arith.constant 0 : i32
      %dma_wait3A_134 = tpu.memref_slice %arg19[%add3A_102, %dma_wait3A_133] : memref<10240x128xf32, #tpu.memory_space<vmem_shared>> -> memref<128x128xf32, #tpu.memory_space<vmem_shared>>
      tpu.wait_dma2 semaphore(%run_scoped3A : memref<!tpu.dma_semaphore, #tpu.memory_space<semaphore_mem>>) src(%dma_wait3A_134 : memref<128x128xf32, #tpu.memory_space<vmem_shared>>) dst(%arg11 : memref<128x128xf32, #tpu.memory_space<vmem>>)
      tpu.yield
    }) : () -> ()
    %add3A_103 = arith.constant 0 : i32
    %add3A_104 = arith.addi %add3A_98, %add3A_103 : i32
    "tpu.region"() ({
      %run_scoped3A = tpu.sem_alloc : memref<!tpu.dma_semaphore, #tpu.memory_space<semaphore_mem>>
      %dma_start3A = arith.constant 0 : i32
      %dma_start3A_129 = tpu.memref_slice %arg6[%add3A_104, %dma_start3A] : memref<20480x128xf32, #tpu.memory_space<hbm>> -> memref<128x128xf32, #tpu.memory_space<hbm>>
      %dma_start3A_130 = arith.constant 0 : i32
      %dma_start3A_131 = tpu.memref_slice %arg6[%add3A_104, %dma_start3A_130] : memref<20480x128xf32, #tpu.memory_space<hbm>> -> memref<128x128xf32, #tpu.memory_space<hbm>>
      tpu.enqueue_dma source(%arg11 : memref<128x128xf32, #tpu.memory_space<vmem>>) target(%dma_start3A_131 : memref<128x128xf32, #tpu.memory_space<hbm>>) target_semaphore(%run_scoped3A : memref<!tpu.dma_semaphore, #tpu.memory_space<semaphore_mem>>)
      %dma_wait3A = arith.constant 0 : i32
      %dma_wait3A_132 = tpu.memref_slice %arg6[%add3A_104, %dma_wait3A] : memref<20480x128xf32, #tpu.memory_space<hbm>> -> memref<128x128xf32, #tpu.memory_space<hbm>>
      %dma_wait3A_133 = arith.constant 0 : i32
      %dma_wait3A_134 = tpu.memref_slice %arg6[%add3A_104, %dma_wait3A_133] : memref<20480x128xf32, #tpu.memory_space<hbm>> -> memref<128x128xf32, #tpu.memory_space<hbm>>
      tpu.wait_dma2 semaphore(%run_scoped3A : memref<!tpu.dma_semaphore, #tpu.memory_space<semaphore_mem>>) src(%arg11 : memref<128x128xf32, #tpu.memory_space<vmem>>) dst(%dma_wait3A_134 : memref<128x128xf32, #tpu.memory_space<hbm>>)
      tpu.yield
    }) : () -> ()
    %mul3A_105 = arith.constant 640 : i32
    %mul3A_106 = arith.muli %arg1, %mul3A_105 : i32
    %add3A_107 = arith.constant 128 : i32
    %add3A_108 = arith.addi %mul3A_106, %add3A_107 : i32
    "tpu.region"() ({
      %run_scoped3A = tpu.sem_alloc : memref<!tpu.dma_semaphore, #tpu.memory_space<semaphore_mem>>
      %dma_start3A = arith.constant 0 : i32
      %dma_start3A_129 = tpu.memref_slice %arg19[%add3A_108, %dma_start3A] : memref<10240x128xf32, #tpu.memory_space<vmem_shared>> -> memref<128x128xf32, #tpu.memory_space<vmem_shared>>
      %dma_start3A_130 = arith.constant 0 : i32
      %dma_start3A_131 = tpu.memref_slice %arg19[%add3A_108, %dma_start3A_130] : memref<10240x128xf32, #tpu.memory_space<vmem_shared>> -> memref<128x128xf32, #tpu.memory_space<vmem_shared>>
      tpu.enqueue_dma source(%dma_start3A_131 : memref<128x128xf32, #tpu.memory_space<vmem_shared>>) target(%arg11 : memref<128x128xf32, #tpu.memory_space<vmem>>) target_semaphore(%run_scoped3A : memref<!tpu.dma_semaphore, #tpu.memory_space<semaphore_mem>>)
      %dma_wait3A = arith.constant 0 : i32
      %dma_wait3A_132 = tpu.memref_slice %arg19[%add3A_108, %dma_wait3A] : memref<10240x128xf32, #tpu.memory_space<vmem_shared>> -> memref<128x128xf32, #tpu.memory_space<vmem_shared>>
      %dma_wait3A_133 = arith.constant 0 : i32
      %dma_wait3A_134 = tpu.memref_slice %arg19[%add3A_108, %dma_wait3A_133] : memref<10240x128xf32, #tpu.memory_space<vmem_shared>> -> memref<128x128xf32, #tpu.memory_space<vmem_shared>>
      tpu.wait_dma2 semaphore(%run_scoped3A : memref<!tpu.dma_semaphore, #tpu.memory_space<semaphore_mem>>) src(%dma_wait3A_134 : memref<128x128xf32, #tpu.memory_space<vmem_shared>>) dst(%arg11 : memref<128x128xf32, #tpu.memory_space<vmem>>)
      tpu.yield
    }) : () -> ()
    %add3A_109 = arith.constant 128 : i32
    %add3A_110 = arith.addi %add3A_98, %add3A_109 : i32
    "tpu.region"() ({
      %run_scoped3A = tpu.sem_alloc : memref<!tpu.dma_semaphore, #tpu.memory_space<semaphore_mem>>
      %dma_start3A = arith.constant 0 : i32
      %dma_start3A_129 = tpu.memref_slice %arg6[%add3A_110, %dma_start3A] : memref<20480x128xf32, #tpu.memory_space<hbm>> -> memref<128x128xf32, #tpu.memory_space<hbm>>
      %dma_start3A_130 = arith.constant 0 : i32
      %dma_start3A_131 = tpu.memref_slice %arg6[%add3A_110, %dma_start3A_130] : memref<20480x128xf32, #tpu.memory_space<hbm>> -> memref<128x128xf32, #tpu.memory_space<hbm>>
      tpu.enqueue_dma source(%arg11 : memref<128x128xf32, #tpu.memory_space<vmem>>) target(%dma_start3A_131 : memref<128x128xf32, #tpu.memory_space<hbm>>) target_semaphore(%run_scoped3A : memref<!tpu.dma_semaphore, #tpu.memory_space<semaphore_mem>>)
      %dma_wait3A = arith.constant 0 : i32
      %dma_wait3A_132 = tpu.memref_slice %arg6[%add3A_110, %dma_wait3A] : memref<20480x128xf32, #tpu.memory_space<hbm>> -> memref<128x128xf32, #tpu.memory_space<hbm>>
      %dma_wait3A_133 = arith.constant 0 : i32
      %dma_wait3A_134 = tpu.memref_slice %arg6[%add3A_110, %dma_wait3A_133] : memref<20480x128xf32, #tpu.memory_space<hbm>> -> memref<128x128xf32, #tpu.memory_space<hbm>>
      tpu.wait_dma2 semaphore(%run_scoped3A : memref<!tpu.dma_semaphore, #tpu.memory_space<semaphore_mem>>) src(%arg11 : memref<128x128xf32, #tpu.memory_space<vmem>>) dst(%dma_wait3A_134 : memref<128x128xf32, #tpu.memory_space<hbm>>)
      tpu.yield
    }) : () -> ()
    %mul3A_111 = arith.constant 640 : i32
    %mul3A_112 = arith.muli %arg1, %mul3A_111 : i32
    %add3A_113 = arith.constant 256 : i32
    %add3A_114 = arith.addi %mul3A_112, %add3A_113 : i32
    "tpu.region"() ({
      %run_scoped3A = tpu.sem_alloc : memref<!tpu.dma_semaphore, #tpu.memory_space<semaphore_mem>>
      %dma_start3A = arith.constant 0 : i32
      %dma_start3A_129 = tpu.memref_slice %arg19[%add3A_114, %dma_start3A] : memref<10240x128xf32, #tpu.memory_space<vmem_shared>> -> memref<128x128xf32, #tpu.memory_space<vmem_shared>>
      %dma_start3A_130 = arith.constant 0 : i32
      %dma_start3A_131 = tpu.memref_slice %arg19[%add3A_114, %dma_start3A_130] : memref<10240x128xf32, #tpu.memory_space<vmem_shared>> -> memref<128x128xf32, #tpu.memory_space<vmem_shared>>
      tpu.enqueue_dma source(%dma_start3A_131 : memref<128x128xf32, #tpu.memory_space<vmem_shared>>) target(%arg11 : memref<128x128xf32, #tpu.memory_space<vmem>>) target_semaphore(%run_scoped3A : memref<!tpu.dma_semaphore, #tpu.memory_space<semaphore_mem>>)
      %dma_wait3A = arith.constant 0 : i32
      %dma_wait3A_132 = tpu.memref_slice %arg19[%add3A_114, %dma_wait3A] : memref<10240x128xf32, #tpu.memory_space<vmem_shared>> -> memref<128x128xf32, #tpu.memory_space<vmem_shared>>
      %dma_wait3A_133 = arith.constant 0 : i32
      %dma_wait3A_134 = tpu.memref_slice %arg19[%add3A_114, %dma_wait3A_133] : memref<10240x128xf32, #tpu.memory_space<vmem_shared>> -> memref<128x128xf32, #tpu.memory_space<vmem_shared>>
      tpu.wait_dma2 semaphore(%run_scoped3A : memref<!tpu.dma_semaphore, #tpu.memory_space<semaphore_mem>>) src(%dma_wait3A_134 : memref<128x128xf32, #tpu.memory_space<vmem_shared>>) dst(%arg11 : memref<128x128xf32, #tpu.memory_space<vmem>>)
      tpu.yield
    }) : () -> ()
    %add3A_115 = arith.constant 256 : i32
    %add3A_116 = arith.addi %add3A_98, %add3A_115 : i32
    "tpu.region"() ({
      %run_scoped3A = tpu.sem_alloc : memref<!tpu.dma_semaphore, #tpu.memory_space<semaphore_mem>>
      %dma_start3A = arith.constant 0 : i32
      %dma_start3A_129 = tpu.memref_slice %arg6[%add3A_116, %dma_start3A] : memref<20480x128xf32, #tpu.memory_space<hbm>> -> memref<128x128xf32, #tpu.memory_space<hbm>>
      %dma_start3A_130 = arith.constant 0 : i32
      %dma_start3A_131 = tpu.memref_slice %arg6[%add3A_116, %dma_start3A_130] : memref<20480x128xf32, #tpu.memory_space<hbm>> -> memref<128x128xf32, #tpu.memory_space<hbm>>
      tpu.enqueue_dma source(%arg11 : memref<128x128xf32, #tpu.memory_space<vmem>>) target(%dma_start3A_131 : memref<128x128xf32, #tpu.memory_space<hbm>>) target_semaphore(%run_scoped3A : memref<!tpu.dma_semaphore, #tpu.memory_space<semaphore_mem>>)
      %dma_wait3A = arith.constant 0 : i32
      %dma_wait3A_132 = tpu.memref_slice %arg6[%add3A_116, %dma_wait3A] : memref<20480x128xf32, #tpu.memory_space<hbm>> -> memref<128x128xf32, #tpu.memory_space<hbm>>
      %dma_wait3A_133 = arith.constant 0 : i32
      %dma_wait3A_134 = tpu.memref_slice %arg6[%add3A_116, %dma_wait3A_133] : memref<20480x128xf32, #tpu.memory_space<hbm>> -> memref<128x128xf32, #tpu.memory_space<hbm>>
      tpu.wait_dma2 semaphore(%run_scoped3A : memref<!tpu.dma_semaphore, #tpu.memory_space<semaphore_mem>>) src(%arg11 : memref<128x128xf32, #tpu.memory_space<vmem>>) dst(%dma_wait3A_134 : memref<128x128xf32, #tpu.memory_space<hbm>>)
      tpu.yield
    }) : () -> ()
    %mul3A_117 = arith.constant 640 : i32
    %mul3A_118 = arith.muli %arg1, %mul3A_117 : i32
    %add3A_119 = arith.constant 384 : i32
    %add3A_120 = arith.addi %mul3A_118, %add3A_119 : i32
    "tpu.region"() ({
      %run_scoped3A = tpu.sem_alloc : memref<!tpu.dma_semaphore, #tpu.memory_space<semaphore_mem>>
      %dma_start3A = arith.constant 0 : i32
      %dma_start3A_129 = tpu.memref_slice %arg19[%add3A_120, %dma_start3A] : memref<10240x128xf32, #tpu.memory_space<vmem_shared>> -> memref<128x128xf32, #tpu.memory_space<vmem_shared>>
      %dma_start3A_130 = arith.constant 0 : i32
      %dma_start3A_131 = tpu.memref_slice %arg19[%add3A_120, %dma_start3A_130] : memref<10240x128xf32, #tpu.memory_space<vmem_shared>> -> memref<128x128xf32, #tpu.memory_space<vmem_shared>>
      tpu.enqueue_dma source(%dma_start3A_131 : memref<128x128xf32, #tpu.memory_space<vmem_shared>>) target(%arg11 : memref<128x128xf32, #tpu.memory_space<vmem>>) target_semaphore(%run_scoped3A : memref<!tpu.dma_semaphore, #tpu.memory_space<semaphore_mem>>)
      %dma_wait3A = arith.constant 0 : i32
      %dma_wait3A_132 = tpu.memref_slice %arg19[%add3A_120, %dma_wait3A] : memref<10240x128xf32, #tpu.memory_space<vmem_shared>> -> memref<128x128xf32, #tpu.memory_space<vmem_shared>>
      %dma_wait3A_133 = arith.constant 0 : i32
      %dma_wait3A_134 = tpu.memref_slice %arg19[%add3A_120, %dma_wait3A_133] : memref<10240x128xf32, #tpu.memory_space<vmem_shared>> -> memref<128x128xf32, #tpu.memory_space<vmem_shared>>
      tpu.wait_dma2 semaphore(%run_scoped3A : memref<!tpu.dma_semaphore, #tpu.memory_space<semaphore_mem>>) src(%dma_wait3A_134 : memref<128x128xf32, #tpu.memory_space<vmem_shared>>) dst(%arg11 : memref<128x128xf32, #tpu.memory_space<vmem>>)
      tpu.yield
    }) : () -> ()
    %add3A_121 = arith.constant 384 : i32
    %add3A_122 = arith.addi %add3A_98, %add3A_121 : i32
    "tpu.region"() ({
      %run_scoped3A = tpu.sem_alloc : memref<!tpu.dma_semaphore, #tpu.memory_space<semaphore_mem>>
      %dma_start3A = arith.constant 0 : i32
      %dma_start3A_129 = tpu.memref_slice %arg6[%add3A_122, %dma_start3A] : memref<20480x128xf32, #tpu.memory_space<hbm>> -> memref<128x128xf32, #tpu.memory_space<hbm>>
      %dma_start3A_130 = arith.constant 0 : i32
      %dma_start3A_131 = tpu.memref_slice %arg6[%add3A_122, %dma_start3A_130] : memref<20480x128xf32, #tpu.memory_space<hbm>> -> memref<128x128xf32, #tpu.memory_space<hbm>>
      tpu.enqueue_dma source(%arg11 : memref<128x128xf32, #tpu.memory_space<vmem>>) target(%dma_start3A_131 : memref<128x128xf32, #tpu.memory_space<hbm>>) target_semaphore(%run_scoped3A : memref<!tpu.dma_semaphore, #tpu.memory_space<semaphore_mem>>)
      %dma_wait3A = arith.constant 0 : i32
      %dma_wait3A_132 = tpu.memref_slice %arg6[%add3A_122, %dma_wait3A] : memref<20480x128xf32, #tpu.memory_space<hbm>> -> memref<128x128xf32, #tpu.memory_space<hbm>>
      %dma_wait3A_133 = arith.constant 0 : i32
      %dma_wait3A_134 = tpu.memref_slice %arg6[%add3A_122, %dma_wait3A_133] : memref<20480x128xf32, #tpu.memory_space<hbm>> -> memref<128x128xf32, #tpu.memory_space<hbm>>
      tpu.wait_dma2 semaphore(%run_scoped3A : memref<!tpu.dma_semaphore, #tpu.memory_space<semaphore_mem>>) src(%arg11 : memref<128x128xf32, #tpu.memory_space<vmem>>) dst(%dma_wait3A_134 : memref<128x128xf32, #tpu.memory_space<hbm>>)
      tpu.yield
    }) : () -> ()
    %mul3A_123 = arith.constant 640 : i32
    %mul3A_124 = arith.muli %arg1, %mul3A_123 : i32
    %add3A_125 = arith.constant 512 : i32
    %add3A_126 = arith.addi %mul3A_124, %add3A_125 : i32
    "tpu.region"() ({
      %run_scoped3A = tpu.sem_alloc : memref<!tpu.dma_semaphore, #tpu.memory_space<semaphore_mem>>
      %dma_start3A = arith.constant 0 : i32
      %dma_start3A_129 = tpu.memref_slice %arg19[%add3A_126, %dma_start3A] : memref<10240x128xf32, #tpu.memory_space<vmem_shared>> -> memref<128x128xf32, #tpu.memory_space<vmem_shared>>
      %dma_start3A_130 = arith.constant 0 : i32
      %dma_start3A_131 = tpu.memref_slice %arg19[%add3A_126, %dma_start3A_130] : memref<10240x128xf32, #tpu.memory_space<vmem_shared>> -> memref<128x128xf32, #tpu.memory_space<vmem_shared>>
      tpu.enqueue_dma source(%dma_start3A_131 : memref<128x128xf32, #tpu.memory_space<vmem_shared>>) target(%arg11 : memref<128x128xf32, #tpu.memory_space<vmem>>) target_semaphore(%run_scoped3A : memref<!tpu.dma_semaphore, #tpu.memory_space<semaphore_mem>>)
      %dma_wait3A = arith.constant 0 : i32
      %dma_wait3A_132 = tpu.memref_slice %arg19[%add3A_126, %dma_wait3A] : memref<10240x128xf32, #tpu.memory_space<vmem_shared>> -> memref<128x128xf32, #tpu.memory_space<vmem_shared>>
      %dma_wait3A_133 = arith.constant 0 : i32
      %dma_wait3A_134 = tpu.memref_slice %arg19[%add3A_126, %dma_wait3A_133] : memref<10240x128xf32, #tpu.memory_space<vmem_shared>> -> memref<128x128xf32, #tpu.memory_space<vmem_shared>>
      tpu.wait_dma2 semaphore(%run_scoped3A : memref<!tpu.dma_semaphore, #tpu.memory_space<semaphore_mem>>) src(%dma_wait3A_134 : memref<128x128xf32, #tpu.memory_space<vmem_shared>>) dst(%arg11 : memref<128x128xf32, #tpu.memory_space<vmem>>)
      tpu.yield
    }) : () -> ()
    %add3A_127 = arith.constant 512 : i32
    %add3A_128 = arith.addi %add3A_98, %add3A_127 : i32
    "tpu.region"() ({
      %run_scoped3A = tpu.sem_alloc : memref<!tpu.dma_semaphore, #tpu.memory_space<semaphore_mem>>
      %dma_start3A = arith.constant 0 : i32
      %dma_start3A_129 = tpu.memref_slice %arg6[%add3A_128, %dma_start3A] : memref<20480x128xf32, #tpu.memory_space<hbm>> -> memref<128x128xf32, #tpu.memory_space<hbm>>
      %dma_start3A_130 = arith.constant 0 : i32
      %dma_start3A_131 = tpu.memref_slice %arg6[%add3A_128, %dma_start3A_130] : memref<20480x128xf32, #tpu.memory_space<hbm>> -> memref<128x128xf32, #tpu.memory_space<hbm>>
      tpu.enqueue_dma source(%arg11 : memref<128x128xf32, #tpu.memory_space<vmem>>) target(%dma_start3A_131 : memref<128x128xf32, #tpu.memory_space<hbm>>) target_semaphore(%run_scoped3A : memref<!tpu.dma_semaphore, #tpu.memory_space<semaphore_mem>>)
      %dma_wait3A = arith.constant 0 : i32
      %dma_wait3A_132 = tpu.memref_slice %arg6[%add3A_128, %dma_wait3A] : memref<20480x128xf32, #tpu.memory_space<hbm>> -> memref<128x128xf32, #tpu.memory_space<hbm>>
      %dma_wait3A_133 = arith.constant 0 : i32
      %dma_wait3A_134 = tpu.memref_slice %arg6[%add3A_128, %dma_wait3A_133] : memref<20480x128xf32, #tpu.memory_space<hbm>> -> memref<128x128xf32, #tpu.memory_space<hbm>>
      tpu.wait_dma2 semaphore(%run_scoped3A : memref<!tpu.dma_semaphore, #tpu.memory_space<semaphore_mem>>) src(%arg11 : memref<128x128xf32, #tpu.memory_space<vmem>>) dst(%dma_wait3A_134 : memref<128x128xf32, #tpu.memory_space<hbm>>)
      tpu.yield
    }) : () -> ()
    return
  }
}

#map = affine_map<(d0, d1) -> (0)>
#map1 = affine_map<(d0, d1) -> (0, 0)>
module attributes {stable_mosaic.version = 14 : i64} {
  func.func @_sc_cnt_body(%arg0: i32, %arg1: i32, %arg2: memref<320000xi32, #tpu.memory_space<hbm>>, %arg3: memref<128x128xf32, #tpu.memory_space<hbm>>, %arg4: memref<128x128xf32, #tpu.memory_space<hbm>>, %arg5: memref<20480x128xf32, #tpu.memory_space<hbm>>, %arg6: memref<128xi32, #tpu.memory_space<vmem>>, %arg7: memref<128xi32, #tpu.memory_space<vmem>>, %arg8: memref<128x128xf32, #tpu.memory_space<vmem>>, %arg9: memref<128x128xf32, #tpu.memory_space<vmem>>, %arg10: memref<!tpu.dma_semaphore, #tpu.memory_space<semaphore_mem>>, %arg11: memref<!tpu.dma_semaphore, #tpu.memory_space<semaphore_mem>>, %arg12: memref<10240x128xf32, #tpu.memory_space<vmem_shared>>) attributes {dimension_semantics = [#tpu.dimension_semantics<core_parallel>, #tpu.dimension_semantics<subcore_parallel>], iteration_bounds = array<i64: 2, 16>, scalar_prefetch = 0 : i64, scratch_operands = 7 : i64, tpu.core_type = #tpu.core_type<sc_vector_subcore>, window_params = [{transform_indices = #map}, {transform_indices = #map1}, {transform_indices = #map1}, {transform_indices = #map1}]} {
    %mul3A = arith.constant 2 : i32
    %mul3A_0 = arith.muli %arg1, %mul3A : i32
    %add3A = arith.addi %mul3A_0, %arg0 : i32
    "tpu.region"() ({
      %run_scoped3A = tpu.sem_alloc : memref<!tpu.dma_semaphore, #tpu.memory_space<semaphore_mem>>
      tpu.enqueue_dma source(%arg3 : memref<128x128xf32, #tpu.memory_space<hbm>>) target(%arg9 : memref<128x128xf32, #tpu.memory_space<vmem>>) target_semaphore(%run_scoped3A : memref<!tpu.dma_semaphore, #tpu.memory_space<semaphore_mem>>)
      tpu.wait_dma2 semaphore(%run_scoped3A : memref<!tpu.dma_semaphore, #tpu.memory_space<semaphore_mem>>) src(%arg3 : memref<128x128xf32, #tpu.memory_space<hbm>>) dst(%arg9 : memref<128x128xf32, #tpu.memory_space<vmem>>)
      tpu.yield
    }) : () -> ()
    %mul3A_1 = arith.constant 640 : i32
    %mul3A_2 = arith.muli %arg1, %mul3A_1 : i32
    %add3A_3 = arith.constant 0 : i32
    %add3A_4 = arith.addi %mul3A_2, %add3A_3 : i32
    "tpu.region"() ({
      %run_scoped3A = tpu.sem_alloc : memref<!tpu.dma_semaphore, #tpu.memory_space<semaphore_mem>>
      %dma_start3A = arith.constant 0 : i32
      %dma_start3A_129 = tpu.memref_slice %arg12[%add3A_4, %dma_start3A] : memref<10240x128xf32, #tpu.memory_space<vmem_shared>> -> memref<128x128xf32, #tpu.memory_space<vmem_shared>>
      %dma_start3A_130 = arith.constant 0 : i32
      %dma_start3A_131 = tpu.memref_slice %arg12[%add3A_4, %dma_start3A_130] : memref<10240x128xf32, #tpu.memory_space<vmem_shared>> -> memref<128x128xf32, #tpu.memory_space<vmem_shared>>
      tpu.enqueue_dma source(%arg9 : memref<128x128xf32, #tpu.memory_space<vmem>>) target(%dma_start3A_131 : memref<128x128xf32, #tpu.memory_space<vmem_shared>>) target_semaphore(%run_scoped3A : memref<!tpu.dma_semaphore, #tpu.memory_space<semaphore_mem>>)
      %dma_wait3A = arith.constant 0 : i32
      %dma_wait3A_132 = tpu.memref_slice %arg12[%add3A_4, %dma_wait3A] : memref<10240x128xf32, #tpu.memory_space<vmem_shared>> -> memref<128x128xf32, #tpu.memory_space<vmem_shared>>
      %dma_wait3A_133 = arith.constant 0 : i32
      %dma_wait3A_134 = tpu.memref_slice %arg12[%add3A_4, %dma_wait3A_133] : memref<10240x128xf32, #tpu.memory_space<vmem_shared>> -> memref<128x128xf32, #tpu.memory_space<vmem_shared>>
      tpu.wait_dma2 semaphore(%run_scoped3A : memref<!tpu.dma_semaphore, #tpu.memory_space<semaphore_mem>>) src(%arg9 : memref<128x128xf32, #tpu.memory_space<vmem>>) dst(%dma_wait3A_134 : memref<128x128xf32, #tpu.memory_space<vmem_shared>>)
      tpu.yield
    }) : () -> ()
    %mul3A_5 = arith.constant 640 : i32
    %mul3A_6 = arith.muli %arg1, %mul3A_5 : i32
    %add3A_7 = arith.constant 128 : i32
    %add3A_8 = arith.addi %mul3A_6, %add3A_7 : i32
    "tpu.region"() ({
      %run_scoped3A = tpu.sem_alloc : memref<!tpu.dma_semaphore, #tpu.memory_space<semaphore_mem>>
      %dma_start3A = arith.constant 0 : i32
      %dma_start3A_129 = tpu.memref_slice %arg12[%add3A_8, %dma_start3A] : memref<10240x128xf32, #tpu.memory_space<vmem_shared>> -> memref<128x128xf32, #tpu.memory_space<vmem_shared>>
      %dma_start3A_130 = arith.constant 0 : i32
      %dma_start3A_131 = tpu.memref_slice %arg12[%add3A_8, %dma_start3A_130] : memref<10240x128xf32, #tpu.memory_space<vmem_shared>> -> memref<128x128xf32, #tpu.memory_space<vmem_shared>>
      tpu.enqueue_dma source(%arg9 : memref<128x128xf32, #tpu.memory_space<vmem>>) target(%dma_start3A_131 : memref<128x128xf32, #tpu.memory_space<vmem_shared>>) target_semaphore(%run_scoped3A : memref<!tpu.dma_semaphore, #tpu.memory_space<semaphore_mem>>)
      %dma_wait3A = arith.constant 0 : i32
      %dma_wait3A_132 = tpu.memref_slice %arg12[%add3A_8, %dma_wait3A] : memref<10240x128xf32, #tpu.memory_space<vmem_shared>> -> memref<128x128xf32, #tpu.memory_space<vmem_shared>>
      %dma_wait3A_133 = arith.constant 0 : i32
      %dma_wait3A_134 = tpu.memref_slice %arg12[%add3A_8, %dma_wait3A_133] : memref<10240x128xf32, #tpu.memory_space<vmem_shared>> -> memref<128x128xf32, #tpu.memory_space<vmem_shared>>
      tpu.wait_dma2 semaphore(%run_scoped3A : memref<!tpu.dma_semaphore, #tpu.memory_space<semaphore_mem>>) src(%arg9 : memref<128x128xf32, #tpu.memory_space<vmem>>) dst(%dma_wait3A_134 : memref<128x128xf32, #tpu.memory_space<vmem_shared>>)
      tpu.yield
    }) : () -> ()
    %mul3A_9 = arith.constant 640 : i32
    %mul3A_10 = arith.muli %arg1, %mul3A_9 : i32
    %add3A_11 = arith.constant 256 : i32
    %add3A_12 = arith.addi %mul3A_10, %add3A_11 : i32
    "tpu.region"() ({
      %run_scoped3A = tpu.sem_alloc : memref<!tpu.dma_semaphore, #tpu.memory_space<semaphore_mem>>
      %dma_start3A = arith.constant 0 : i32
      %dma_start3A_129 = tpu.memref_slice %arg12[%add3A_12, %dma_start3A] : memref<10240x128xf32, #tpu.memory_space<vmem_shared>> -> memref<128x128xf32, #tpu.memory_space<vmem_shared>>
      %dma_start3A_130 = arith.constant 0 : i32
      %dma_start3A_131 = tpu.memref_slice %arg12[%add3A_12, %dma_start3A_130] : memref<10240x128xf32, #tpu.memory_space<vmem_shared>> -> memref<128x128xf32, #tpu.memory_space<vmem_shared>>
      tpu.enqueue_dma source(%arg9 : memref<128x128xf32, #tpu.memory_space<vmem>>) target(%dma_start3A_131 : memref<128x128xf32, #tpu.memory_space<vmem_shared>>) target_semaphore(%run_scoped3A : memref<!tpu.dma_semaphore, #tpu.memory_space<semaphore_mem>>)
      %dma_wait3A = arith.constant 0 : i32
      %dma_wait3A_132 = tpu.memref_slice %arg12[%add3A_12, %dma_wait3A] : memref<10240x128xf32, #tpu.memory_space<vmem_shared>> -> memref<128x128xf32, #tpu.memory_space<vmem_shared>>
      %dma_wait3A_133 = arith.constant 0 : i32
      %dma_wait3A_134 = tpu.memref_slice %arg12[%add3A_12, %dma_wait3A_133] : memref<10240x128xf32, #tpu.memory_space<vmem_shared>> -> memref<128x128xf32, #tpu.memory_space<vmem_shared>>
      tpu.wait_dma2 semaphore(%run_scoped3A : memref<!tpu.dma_semaphore, #tpu.memory_space<semaphore_mem>>) src(%arg9 : memref<128x128xf32, #tpu.memory_space<vmem>>) dst(%dma_wait3A_134 : memref<128x128xf32, #tpu.memory_space<vmem_shared>>)
      tpu.yield
    }) : () -> ()
    %mul3A_13 = arith.constant 640 : i32
    %mul3A_14 = arith.muli %arg1, %mul3A_13 : i32
    %add3A_15 = arith.constant 384 : i32
    %add3A_16 = arith.addi %mul3A_14, %add3A_15 : i32
    "tpu.region"() ({
      %run_scoped3A = tpu.sem_alloc : memref<!tpu.dma_semaphore, #tpu.memory_space<semaphore_mem>>
      %dma_start3A = arith.constant 0 : i32
      %dma_start3A_129 = tpu.memref_slice %arg12[%add3A_16, %dma_start3A] : memref<10240x128xf32, #tpu.memory_space<vmem_shared>> -> memref<128x128xf32, #tpu.memory_space<vmem_shared>>
      %dma_start3A_130 = arith.constant 0 : i32
      %dma_start3A_131 = tpu.memref_slice %arg12[%add3A_16, %dma_start3A_130] : memref<10240x128xf32, #tpu.memory_space<vmem_shared>> -> memref<128x128xf32, #tpu.memory_space<vmem_shared>>
      tpu.enqueue_dma source(%arg9 : memref<128x128xf32, #tpu.memory_space<vmem>>) target(%dma_start3A_131 : memref<128x128xf32, #tpu.memory_space<vmem_shared>>) target_semaphore(%run_scoped3A : memref<!tpu.dma_semaphore, #tpu.memory_space<semaphore_mem>>)
      %dma_wait3A = arith.constant 0 : i32
      %dma_wait3A_132 = tpu.memref_slice %arg12[%add3A_16, %dma_wait3A] : memref<10240x128xf32, #tpu.memory_space<vmem_shared>> -> memref<128x128xf32, #tpu.memory_space<vmem_shared>>
      %dma_wait3A_133 = arith.constant 0 : i32
      %dma_wait3A_134 = tpu.memref_slice %arg12[%add3A_16, %dma_wait3A_133] : memref<10240x128xf32, #tpu.memory_space<vmem_shared>> -> memref<128x128xf32, #tpu.memory_space<vmem_shared>>
      tpu.wait_dma2 semaphore(%run_scoped3A : memref<!tpu.dma_semaphore, #tpu.memory_space<semaphore_mem>>) src(%arg9 : memref<128x128xf32, #tpu.memory_space<vmem>>) dst(%dma_wait3A_134 : memref<128x128xf32, #tpu.memory_space<vmem_shared>>)
      tpu.yield
    }) : () -> ()
    %mul3A_17 = arith.constant 640 : i32
    %mul3A_18 = arith.muli %arg1, %mul3A_17 : i32
    %add3A_19 = arith.constant 512 : i32
    %add3A_20 = arith.addi %mul3A_18, %add3A_19 : i32
    "tpu.region"() ({
      %run_scoped3A = tpu.sem_alloc : memref<!tpu.dma_semaphore, #tpu.memory_space<semaphore_mem>>
      %dma_start3A = arith.constant 0 : i32
      %dma_start3A_129 = tpu.memref_slice %arg12[%add3A_20, %dma_start3A] : memref<10240x128xf32, #tpu.memory_space<vmem_shared>> -> memref<128x128xf32, #tpu.memory_space<vmem_shared>>
      %dma_start3A_130 = arith.constant 0 : i32
      %dma_start3A_131 = tpu.memref_slice %arg12[%add3A_20, %dma_start3A_130] : memref<10240x128xf32, #tpu.memory_space<vmem_shared>> -> memref<128x128xf32, #tpu.memory_space<vmem_shared>>
      tpu.enqueue_dma source(%arg9 : memref<128x128xf32, #tpu.memory_space<vmem>>) target(%dma_start3A_131 : memref<128x128xf32, #tpu.memory_space<vmem_shared>>) target_semaphore(%run_scoped3A : memref<!tpu.dma_semaphore, #tpu.memory_space<semaphore_mem>>)
      %dma_wait3A = arith.constant 0 : i32
      %dma_wait3A_132 = tpu.memref_slice %arg12[%add3A_20, %dma_wait3A] : memref<10240x128xf32, #tpu.memory_space<vmem_shared>> -> memref<128x128xf32, #tpu.memory_space<vmem_shared>>
      %dma_wait3A_133 = arith.constant 0 : i32
      %dma_wait3A_134 = tpu.memref_slice %arg12[%add3A_20, %dma_wait3A_133] : memref<10240x128xf32, #tpu.memory_space<vmem_shared>> -> memref<128x128xf32, #tpu.memory_space<vmem_shared>>
      tpu.wait_dma2 semaphore(%run_scoped3A : memref<!tpu.dma_semaphore, #tpu.memory_space<semaphore_mem>>) src(%arg9 : memref<128x128xf32, #tpu.memory_space<vmem>>) dst(%dma_wait3A_134 : memref<128x128xf32, #tpu.memory_space<vmem_shared>>)
      tpu.yield
    }) : () -> ()
    "tpu.region"() ({
      %run_scoped3A = tpu.sem_alloc : memref<!tpu.dma_semaphore, #tpu.memory_space<semaphore_mem>>
      tpu.enqueue_dma source(%arg4 : memref<128x128xf32, #tpu.memory_space<hbm>>) target(%arg8 : memref<128x128xf32, #tpu.memory_space<vmem>>) target_semaphore(%run_scoped3A : memref<!tpu.dma_semaphore, #tpu.memory_space<semaphore_mem>>)
      tpu.wait_dma2 semaphore(%run_scoped3A : memref<!tpu.dma_semaphore, #tpu.memory_space<semaphore_mem>>) src(%arg4 : memref<128x128xf32, #tpu.memory_space<hbm>>) dst(%arg8 : memref<128x128xf32, #tpu.memory_space<vmem>>)
      tpu.yield
    }) : () -> ()
    %barrier3A = arith.constant 0 : index
    tpu.barrier barrier_id(%barrier3A)
    %sub3A = arith.constant 2500 : i32
    %sub3A_21 = arith.subi %sub3A, %add3A : i32
    %add3A_22 = arith.constant 32 : i32
    %add3A_23 = arith.addi %sub3A_21, %add3A_22 : i32
    %sub3A_24 = arith.constant 1 : i32
    %sub3A_25 = arith.subi %add3A_23, %sub3A_24 : i32
    %jit3A = arith.constant 32 : i32
    %div3A = arith.divsi %sub3A_25, %jit3A : i32
    %sign3A = arith.constant 0 : i32
    %sign3A_26 = arith.cmpi sgt, %sub3A_25, %sign3A : i32
    %sign3A_27 = arith.extui %sign3A_26 : i1 to i32
    %sign3A_28 = arith.constant 0 : i32
    %sign3A_29 = arith.cmpi slt, %sub3A_25, %sign3A_28 : i32
    %sign3A_30 = arith.extui %sign3A_29 : i1 to i32
    %sign3A_31 = arith.subi %sign3A_27, %sign3A_30 : i32
    %sign3A_32 = arith.constant 0 : i32
    %sign3A_33 = arith.cmpi sgt, %jit3A, %sign3A_32 : i32
    %sign3A_34 = arith.extui %sign3A_33 : i1 to i32
    %sign3A_35 = arith.constant 0 : i32
    %sign3A_36 = arith.cmpi slt, %jit3A, %sign3A_35 : i32
    %sign3A_37 = arith.extui %sign3A_36 : i1 to i32
    %sign3A_38 = arith.subi %sign3A_34, %sign3A_37 : i32
    %ne3A = arith.cmpi ne, %sign3A_31, %sign3A_38 : i32
    %rem3A = arith.remsi %sub3A_25, %jit3A : i32
    %ne3A_39 = arith.constant 0 : i32
    %ne3A_40 = arith.cmpi ne, %rem3A, %ne3A_39 : i32
    %and3A = arith.andi %ne3A, %ne3A_40 : i1
    %sub3A_41 = arith.constant 1 : i32
    %sub3A_42 = arith.subi %div3A, %sub3A_41 : i32
    %select_n3A = arith.select %and3A, %sub3A_42, %div3A : i32
    %jit3A_43 = arith.constant 2 : i32
    %div3A_44 = arith.divsi %select_n3A, %jit3A_43 : i32
    %sign3A_45 = arith.constant 0 : i32
    %sign3A_46 = arith.cmpi sgt, %select_n3A, %sign3A_45 : i32
    %sign3A_47 = arith.extui %sign3A_46 : i1 to i32
    %sign3A_48 = arith.constant 0 : i32
    %sign3A_49 = arith.cmpi slt, %select_n3A, %sign3A_48 : i32
    %sign3A_50 = arith.extui %sign3A_49 : i1 to i32
    %sign3A_51 = arith.subi %sign3A_47, %sign3A_50 : i32
    %sign3A_52 = arith.constant 0 : i32
    %sign3A_53 = arith.cmpi sgt, %jit3A_43, %sign3A_52 : i32
    %sign3A_54 = arith.extui %sign3A_53 : i1 to i32
    %sign3A_55 = arith.constant 0 : i32
    %sign3A_56 = arith.cmpi slt, %jit3A_43, %sign3A_55 : i32
    %sign3A_57 = arith.extui %sign3A_56 : i1 to i32
    %sign3A_58 = arith.subi %sign3A_54, %sign3A_57 : i32
    %ne3A_59 = arith.cmpi ne, %sign3A_51, %sign3A_58 : i32
    %rem3A_60 = arith.remsi %select_n3A, %jit3A_43 : i32
    %ne3A_61 = arith.constant 0 : i32
    %ne3A_62 = arith.cmpi ne, %rem3A_60, %ne3A_61 : i32
    %and3A_63 = arith.andi %ne3A_59, %ne3A_62 : i1
    %sub3A_64 = arith.constant 1 : i32
    %sub3A_65 = arith.subi %div3A_44, %sub3A_64 : i32
    %select_n3A_66 = arith.select %and3A_63, %sub3A_65, %div3A_44 : i32
    %while3A = arith.constant 0 : i32
    %while3A_67 = arith.constant 0 : i32
    %while3A_68 = arith.subi %select_n3A_66, %while3A_67 : i32
    %while3A_69 = arith.addi %while3A_67, %while3A_68 : i32
    %while3A_70 = arith.constant 1 : i32
    %while3A_71 = arith.divsi %while3A_68, %while3A_70 : i32
    %while3A_72 = arith.muli %while3A_71, %while3A_70 : i32
    %while3A_73 = arith.addi %while3A_67, %while3A_72 : i32
    %while3A_74 = arith.constant 1 : i32
    scf.for %while3A_129 = %while3A_67 to %while3A_73 step %while3A_74  : i32 {
      %mul3A_130 = arith.constant 64 : i32
      %mul3A_131 = arith.muli %mul3A_130, %while3A_129 : i32
      %add3A_132 = arith.addi %add3A, %mul3A_131 : i32
      %mul3A_133 = arith.constant 128 : i32
      %mul3A_134 = arith.muli %add3A_132, %mul3A_133 : i32
      %mul3A_135 = arith.constant 2 : i32
      %mul3A_136 = arith.muli %mul3A_135, %while3A_129 : i32
      %add3A_137 = arith.constant 1 : i32
      %add3A_138 = arith.addi %mul3A_136, %add3A_137 : i32
      %mul3A_139 = arith.constant 32 : i32
      %mul3A_140 = arith.muli %mul3A_139, %add3A_138 : i32
      %add3A_141 = arith.addi %add3A, %mul3A_140 : i32
      %mul3A_142 = arith.constant 128 : i32
      %mul3A_143 = arith.muli %add3A_141, %mul3A_142 : i32
      %dma_start3A = tpu.memref_slice %arg2[%mul3A_134] : memref<320000xi32, #tpu.memory_space<hbm>> -> memref<128xi32, #tpu.memory_space<hbm>>
      %dma_start3A_144 = tpu.memref_slice %arg2[%mul3A_134] : memref<320000xi32, #tpu.memory_space<hbm>> -> memref<128xi32, #tpu.memory_space<hbm>>
      tpu.enqueue_dma source(%dma_start3A_144 : memref<128xi32, #tpu.memory_space<hbm>>) target(%arg6 : memref<128xi32, #tpu.memory_space<vmem>>) target_semaphore(%arg10 : memref<!tpu.dma_semaphore, #tpu.memory_space<semaphore_mem>>)
      %dma_start3A_145 = tpu.memref_slice %arg2[%mul3A_143] : memref<320000xi32, #tpu.memory_space<hbm>> -> memref<128xi32, #tpu.memory_space<hbm>>
      %dma_start3A_146 = tpu.memref_slice %arg2[%mul3A_143] : memref<320000xi32, #tpu.memory_space<hbm>> -> memref<128xi32, #tpu.memory_space<hbm>>
      tpu.enqueue_dma source(%dma_start3A_146 : memref<128xi32, #tpu.memory_space<hbm>>) target(%arg7 : memref<128xi32, #tpu.memory_space<vmem>>) target_semaphore(%arg11 : memref<!tpu.dma_semaphore, #tpu.memory_space<semaphore_mem>>)
      %dma_wait3A = tpu.memref_slice %arg2[%mul3A_134] : memref<320000xi32, #tpu.memory_space<hbm>> -> memref<128xi32, #tpu.memory_space<hbm>>
      %dma_wait3A_147 = tpu.memref_slice %arg2[%mul3A_134] : memref<320000xi32, #tpu.memory_space<hbm>> -> memref<128xi32, #tpu.memory_space<hbm>>
      tpu.wait_dma2 semaphore(%arg10 : memref<!tpu.dma_semaphore, #tpu.memory_space<semaphore_mem>>) src(%dma_wait3A_147 : memref<128xi32, #tpu.memory_space<hbm>>) dst(%arg6 : memref<128xi32, #tpu.memory_space<vmem>>)
      "tpu.region"() ({
        %run_scoped3A = tpu.sem_alloc : memref<!tpu.dma_semaphore, #tpu.memory_space<semaphore_mem>>
        %dma_start3A_150 = arith.constant 0 : i32
        %dma_start3A_151 = arith.constant 0 : i32
        %dma_start3A_152 = tpu.memref_slice %arg12[%dma_start3A_150, %dma_start3A_151] : memref<10240x128xf32, #tpu.memory_space<vmem_shared>> -> memref<10240x128xf32, #tpu.memory_space<vmem_shared>>
        tpu.enqueue_indirect_dma source(%arg8 : memref<128x128xf32, #tpu.memory_space<vmem>>) target(%dma_start3A_152 : memref<10240x128xf32, #tpu.memory_space<vmem_shared>>) offsets(%arg6 : memref<128xi32, #tpu.memory_space<vmem>>) semaphore(%run_scoped3A : memref<!tpu.dma_semaphore, #tpu.memory_space<semaphore_mem>>) {add = true}
        %dma_wait3A_153 = arith.constant 0 : i32
        %dma_wait3A_154 = arith.constant 0 : i32
        %dma_wait3A_155 = tpu.memref_slice %arg12[%dma_wait3A_153, %dma_wait3A_154] : memref<10240x128xf32, #tpu.memory_space<vmem_shared>> -> memref<10240x128xf32, #tpu.memory_space<vmem_shared>>
        tpu.wait_indirect_dma semaphore(%run_scoped3A : memref<!tpu.dma_semaphore, #tpu.memory_space<semaphore_mem>>) src(%arg8 : memref<128x128xf32, #tpu.memory_space<vmem>>) dst(%dma_wait3A_155 : memref<10240x128xf32, #tpu.memory_space<vmem_shared>>)
        tpu.yield
      }) : () -> ()
      %dma_wait3A_148 = tpu.memref_slice %arg2[%mul3A_143] : memref<320000xi32, #tpu.memory_space<hbm>> -> memref<128xi32, #tpu.memory_space<hbm>>
      %dma_wait3A_149 = tpu.memref_slice %arg2[%mul3A_143] : memref<320000xi32, #tpu.memory_space<hbm>> -> memref<128xi32, #tpu.memory_space<hbm>>
      tpu.wait_dma2 semaphore(%arg11 : memref<!tpu.dma_semaphore, #tpu.memory_space<semaphore_mem>>) src(%dma_wait3A_149 : memref<128xi32, #tpu.memory_space<hbm>>) dst(%arg7 : memref<128xi32, #tpu.memory_space<vmem>>)
      "tpu.region"() ({
        %run_scoped3A = tpu.sem_alloc : memref<!tpu.dma_semaphore, #tpu.memory_space<semaphore_mem>>
        %dma_start3A_150 = arith.constant 0 : i32
        %dma_start3A_151 = arith.constant 0 : i32
        %dma_start3A_152 = tpu.memref_slice %arg12[%dma_start3A_150, %dma_start3A_151] : memref<10240x128xf32, #tpu.memory_space<vmem_shared>> -> memref<10240x128xf32, #tpu.memory_space<vmem_shared>>
        tpu.enqueue_indirect_dma source(%arg8 : memref<128x128xf32, #tpu.memory_space<vmem>>) target(%dma_start3A_152 : memref<10240x128xf32, #tpu.memory_space<vmem_shared>>) offsets(%arg7 : memref<128xi32, #tpu.memory_space<vmem>>) semaphore(%run_scoped3A : memref<!tpu.dma_semaphore, #tpu.memory_space<semaphore_mem>>) {add = true}
        %dma_wait3A_153 = arith.constant 0 : i32
        %dma_wait3A_154 = arith.constant 0 : i32
        %dma_wait3A_155 = tpu.memref_slice %arg12[%dma_wait3A_153, %dma_wait3A_154] : memref<10240x128xf32, #tpu.memory_space<vmem_shared>> -> memref<10240x128xf32, #tpu.memory_space<vmem_shared>>
        tpu.wait_indirect_dma semaphore(%run_scoped3A : memref<!tpu.dma_semaphore, #tpu.memory_space<semaphore_mem>>) src(%arg8 : memref<128x128xf32, #tpu.memory_space<vmem>>) dst(%dma_wait3A_155 : memref<10240x128xf32, #tpu.memory_space<vmem_shared>>)
        tpu.yield
      }) : () -> ()
    }
    %while3A_75 = arith.constant 1 : i32
    scf.for %while3A_129 = %while3A_73 to %while3A_69 step %while3A_75  : i32 {
      %mul3A_130 = arith.constant 64 : i32
      %mul3A_131 = arith.muli %mul3A_130, %while3A_129 : i32
      %add3A_132 = arith.addi %add3A, %mul3A_131 : i32
      %mul3A_133 = arith.constant 128 : i32
      %mul3A_134 = arith.muli %add3A_132, %mul3A_133 : i32
      %mul3A_135 = arith.constant 2 : i32
      %mul3A_136 = arith.muli %mul3A_135, %while3A_129 : i32
      %add3A_137 = arith.constant 1 : i32
      %add3A_138 = arith.addi %mul3A_136, %add3A_137 : i32
      %mul3A_139 = arith.constant 32 : i32
      %mul3A_140 = arith.muli %mul3A_139, %add3A_138 : i32
      %add3A_141 = arith.addi %add3A, %mul3A_140 : i32
      %mul3A_142 = arith.constant 128 : i32
      %mul3A_143 = arith.muli %add3A_141, %mul3A_142 : i32
      %dma_start3A = tpu.memref_slice %arg2[%mul3A_134] : memref<320000xi32, #tpu.memory_space<hbm>> -> memref<128xi32, #tpu.memory_space<hbm>>
      %dma_start3A_144 = tpu.memref_slice %arg2[%mul3A_134] : memref<320000xi32, #tpu.memory_space<hbm>> -> memref<128xi32, #tpu.memory_space<hbm>>
      tpu.enqueue_dma source(%dma_start3A_144 : memref<128xi32, #tpu.memory_space<hbm>>) target(%arg6 : memref<128xi32, #tpu.memory_space<vmem>>) target_semaphore(%arg10 : memref<!tpu.dma_semaphore, #tpu.memory_space<semaphore_mem>>)
      %dma_start3A_145 = tpu.memref_slice %arg2[%mul3A_143] : memref<320000xi32, #tpu.memory_space<hbm>> -> memref<128xi32, #tpu.memory_space<hbm>>
      %dma_start3A_146 = tpu.memref_slice %arg2[%mul3A_143] : memref<320000xi32, #tpu.memory_space<hbm>> -> memref<128xi32, #tpu.memory_space<hbm>>
      tpu.enqueue_dma source(%dma_start3A_146 : memref<128xi32, #tpu.memory_space<hbm>>) target(%arg7 : memref<128xi32, #tpu.memory_space<vmem>>) target_semaphore(%arg11 : memref<!tpu.dma_semaphore, #tpu.memory_space<semaphore_mem>>)
      %dma_wait3A = tpu.memref_slice %arg2[%mul3A_134] : memref<320000xi32, #tpu.memory_space<hbm>> -> memref<128xi32, #tpu.memory_space<hbm>>
      %dma_wait3A_147 = tpu.memref_slice %arg2[%mul3A_134] : memref<320000xi32, #tpu.memory_space<hbm>> -> memref<128xi32, #tpu.memory_space<hbm>>
      tpu.wait_dma2 semaphore(%arg10 : memref<!tpu.dma_semaphore, #tpu.memory_space<semaphore_mem>>) src(%dma_wait3A_147 : memref<128xi32, #tpu.memory_space<hbm>>) dst(%arg6 : memref<128xi32, #tpu.memory_space<vmem>>)
      "tpu.region"() ({
        %run_scoped3A = tpu.sem_alloc : memref<!tpu.dma_semaphore, #tpu.memory_space<semaphore_mem>>
        %dma_start3A_150 = arith.constant 0 : i32
        %dma_start3A_151 = arith.constant 0 : i32
        %dma_start3A_152 = tpu.memref_slice %arg12[%dma_start3A_150, %dma_start3A_151] : memref<10240x128xf32, #tpu.memory_space<vmem_shared>> -> memref<10240x128xf32, #tpu.memory_space<vmem_shared>>
        tpu.enqueue_indirect_dma source(%arg8 : memref<128x128xf32, #tpu.memory_space<vmem>>) target(%dma_start3A_152 : memref<10240x128xf32, #tpu.memory_space<vmem_shared>>) offsets(%arg6 : memref<128xi32, #tpu.memory_space<vmem>>) semaphore(%run_scoped3A : memref<!tpu.dma_semaphore, #tpu.memory_space<semaphore_mem>>) {add = true}
        %dma_wait3A_153 = arith.constant 0 : i32
        %dma_wait3A_154 = arith.constant 0 : i32
        %dma_wait3A_155 = tpu.memref_slice %arg12[%dma_wait3A_153, %dma_wait3A_154] : memref<10240x128xf32, #tpu.memory_space<vmem_shared>> -> memref<10240x128xf32, #tpu.memory_space<vmem_shared>>
        tpu.wait_indirect_dma semaphore(%run_scoped3A : memref<!tpu.dma_semaphore, #tpu.memory_space<semaphore_mem>>) src(%arg8 : memref<128x128xf32, #tpu.memory_space<vmem>>) dst(%dma_wait3A_155 : memref<10240x128xf32, #tpu.memory_space<vmem_shared>>)
        tpu.yield
      }) : () -> ()
      %dma_wait3A_148 = tpu.memref_slice %arg2[%mul3A_143] : memref<320000xi32, #tpu.memory_space<hbm>> -> memref<128xi32, #tpu.memory_space<hbm>>
      %dma_wait3A_149 = tpu.memref_slice %arg2[%mul3A_143] : memref<320000xi32, #tpu.memory_space<hbm>> -> memref<128xi32, #tpu.memory_space<hbm>>
      tpu.wait_dma2 semaphore(%arg11 : memref<!tpu.dma_semaphore, #tpu.memory_space<semaphore_mem>>) src(%dma_wait3A_149 : memref<128xi32, #tpu.memory_space<hbm>>) dst(%arg7 : memref<128xi32, #tpu.memory_space<vmem>>)
      "tpu.region"() ({
        %run_scoped3A = tpu.sem_alloc : memref<!tpu.dma_semaphore, #tpu.memory_space<semaphore_mem>>
        %dma_start3A_150 = arith.constant 0 : i32
        %dma_start3A_151 = arith.constant 0 : i32
        %dma_start3A_152 = tpu.memref_slice %arg12[%dma_start3A_150, %dma_start3A_151] : memref<10240x128xf32, #tpu.memory_space<vmem_shared>> -> memref<10240x128xf32, #tpu.memory_space<vmem_shared>>
        tpu.enqueue_indirect_dma source(%arg8 : memref<128x128xf32, #tpu.memory_space<vmem>>) target(%dma_start3A_152 : memref<10240x128xf32, #tpu.memory_space<vmem_shared>>) offsets(%arg7 : memref<128xi32, #tpu.memory_space<vmem>>) semaphore(%run_scoped3A : memref<!tpu.dma_semaphore, #tpu.memory_space<semaphore_mem>>) {add = true}
        %dma_wait3A_153 = arith.constant 0 : i32
        %dma_wait3A_154 = arith.constant 0 : i32
        %dma_wait3A_155 = tpu.memref_slice %arg12[%dma_wait3A_153, %dma_wait3A_154] : memref<10240x128xf32, #tpu.memory_space<vmem_shared>> -> memref<10240x128xf32, #tpu.memory_space<vmem_shared>>
        tpu.wait_indirect_dma semaphore(%run_scoped3A : memref<!tpu.dma_semaphore, #tpu.memory_space<semaphore_mem>>) src(%arg8 : memref<128x128xf32, #tpu.memory_space<vmem>>) dst(%dma_wait3A_155 : memref<10240x128xf32, #tpu.memory_space<vmem_shared>>)
        tpu.yield
      }) : () -> ()
    }
    %jit3A_76 = arith.constant 2 : i32
    %eq3A = arith.constant 0 : i32
    %eq3A_77 = arith.cmpi eq, %jit3A_76, %eq3A : i32
    %jit3A_78 = arith.constant 1 : i32
    %select_n3A_79 = arith.select %eq3A_77, %jit3A_78, %jit3A_76 : i32
    %rem3A_80 = arith.remsi %select_n3A, %select_n3A_79 : i32
    %ne3A_81 = arith.constant 0 : i32
    %ne3A_82 = arith.cmpi ne, %rem3A_80, %ne3A_81 : i32
    %lt3A = arith.constant 0 : i32
    %lt3A_83 = arith.cmpi slt, %rem3A_80, %lt3A : i32
    %lt3A_84 = arith.constant 0 : i32
    %lt3A_85 = arith.cmpi slt, %select_n3A_79, %lt3A_84 : i32
    %ne3A_86 = arith.xori %lt3A_83, %lt3A_85 : i1
    %and3A_87 = arith.andi %ne3A_86, %ne3A_82 : i1
    %add3A_88 = arith.addi %rem3A_80, %select_n3A_79 : i32
    %select_n3A_89 = arith.select %and3A_87, %add3A_88, %rem3A_80 : i32
    %eq3A_90 = arith.constant 1 : i32
    %eq3A_91 = arith.cmpi eq, %select_n3A_89, %eq3A_90 : i32
    %convert_element_type3A = arith.extui %eq3A_91 : i1 to i32
    %cond3A = arith.constant 0 : i32
    %cond3A_92 = arith.cmpi ne, %convert_element_type3A, %cond3A : i32
    scf.if %cond3A_92 {
      %sub3A_129 = arith.constant 1 : i32
      %sub3A_130 = arith.subi %select_n3A, %sub3A_129 : i32
      %mul3A_131 = arith.constant 32 : i32
      %mul3A_132 = arith.muli %mul3A_131, %sub3A_130 : i32
      %add3A_133 = arith.addi %add3A, %mul3A_132 : i32
      %mul3A_134 = arith.constant 128 : i32
      %mul3A_135 = arith.muli %add3A_133, %mul3A_134 : i32
      "tpu.region"() ({
        %run_scoped3A = tpu.sem_alloc : memref<!tpu.dma_semaphore, #tpu.memory_space<semaphore_mem>>
        %dma_start3A = tpu.memref_slice %arg2[%mul3A_135] : memref<320000xi32, #tpu.memory_space<hbm>> -> memref<128xi32, #tpu.memory_space<hbm>>
        %dma_start3A_136 = tpu.memref_slice %arg2[%mul3A_135] : memref<320000xi32, #tpu.memory_space<hbm>> -> memref<128xi32, #tpu.memory_space<hbm>>
        tpu.enqueue_dma source(%dma_start3A_136 : memref<128xi32, #tpu.memory_space<hbm>>) target(%arg6 : memref<128xi32, #tpu.memory_space<vmem>>) target_semaphore(%run_scoped3A : memref<!tpu.dma_semaphore, #tpu.memory_space<semaphore_mem>>)
        %dma_wait3A = tpu.memref_slice %arg2[%mul3A_135] : memref<320000xi32, #tpu.memory_space<hbm>> -> memref<128xi32, #tpu.memory_space<hbm>>
        %dma_wait3A_137 = tpu.memref_slice %arg2[%mul3A_135] : memref<320000xi32, #tpu.memory_space<hbm>> -> memref<128xi32, #tpu.memory_space<hbm>>
        tpu.wait_dma2 semaphore(%run_scoped3A : memref<!tpu.dma_semaphore, #tpu.memory_space<semaphore_mem>>) src(%dma_wait3A_137 : memref<128xi32, #tpu.memory_space<hbm>>) dst(%arg6 : memref<128xi32, #tpu.memory_space<vmem>>)
        tpu.yield
      }) : () -> ()
      "tpu.region"() ({
        %run_scoped3A = tpu.sem_alloc : memref<!tpu.dma_semaphore, #tpu.memory_space<semaphore_mem>>
        %dma_start3A = arith.constant 0 : i32
        %dma_start3A_136 = arith.constant 0 : i32
        %dma_start3A_137 = tpu.memref_slice %arg12[%dma_start3A, %dma_start3A_136] : memref<10240x128xf32, #tpu.memory_space<vmem_shared>> -> memref<10240x128xf32, #tpu.memory_space<vmem_shared>>
        tpu.enqueue_indirect_dma source(%arg8 : memref<128x128xf32, #tpu.memory_space<vmem>>) target(%dma_start3A_137 : memref<10240x128xf32, #tpu.memory_space<vmem_shared>>) offsets(%arg6 : memref<128xi32, #tpu.memory_space<vmem>>) semaphore(%run_scoped3A : memref<!tpu.dma_semaphore, #tpu.memory_space<semaphore_mem>>) {add = true}
        %dma_wait3A = arith.constant 0 : i32
        %dma_wait3A_138 = arith.constant 0 : i32
        %dma_wait3A_139 = tpu.memref_slice %arg12[%dma_wait3A, %dma_wait3A_138] : memref<10240x128xf32, #tpu.memory_space<vmem_shared>> -> memref<10240x128xf32, #tpu.memory_space<vmem_shared>>
        tpu.wait_indirect_dma semaphore(%run_scoped3A : memref<!tpu.dma_semaphore, #tpu.memory_space<semaphore_mem>>) src(%arg8 : memref<128x128xf32, #tpu.memory_space<vmem>>) dst(%dma_wait3A_139 : memref<10240x128xf32, #tpu.memory_space<vmem_shared>>)
        tpu.yield
      }) : () -> ()
    } else {
    }
    %barrier3A_93 = arith.constant 0 : index
    tpu.barrier barrier_id(%barrier3A_93)
    %mul3A_94 = arith.constant 10240 : i32
    %mul3A_95 = arith.muli %arg0, %mul3A_94 : i32
    %mul3A_96 = arith.constant 640 : i32
    %mul3A_97 = arith.muli %arg1, %mul3A_96 : i32
    %add3A_98 = arith.addi %mul3A_95, %mul3A_97 : i32
    %mul3A_99 = arith.constant 640 : i32
    %mul3A_100 = arith.muli %arg1, %mul3A_99 : i32
    %add3A_101 = arith.constant 0 : i32
    %add3A_102 = arith.addi %mul3A_100, %add3A_101 : i32
    "tpu.region"() ({
      %run_scoped3A = tpu.sem_alloc : memref<!tpu.dma_semaphore, #tpu.memory_space<semaphore_mem>>
      %dma_start3A = arith.constant 0 : i32
      %dma_start3A_129 = tpu.memref_slice %arg12[%add3A_102, %dma_start3A] : memref<10240x128xf32, #tpu.memory_space<vmem_shared>> -> memref<128x128xf32, #tpu.memory_space<vmem_shared>>
      %dma_start3A_130 = arith.constant 0 : i32
      %dma_start3A_131 = tpu.memref_slice %arg12[%add3A_102, %dma_start3A_130] : memref<10240x128xf32, #tpu.memory_space<vmem_shared>> -> memref<128x128xf32, #tpu.memory_space<vmem_shared>>
      tpu.enqueue_dma source(%dma_start3A_131 : memref<128x128xf32, #tpu.memory_space<vmem_shared>>) target(%arg9 : memref<128x128xf32, #tpu.memory_space<vmem>>) target_semaphore(%run_scoped3A : memref<!tpu.dma_semaphore, #tpu.memory_space<semaphore_mem>>)
      %dma_wait3A = arith.constant 0 : i32
      %dma_wait3A_132 = tpu.memref_slice %arg12[%add3A_102, %dma_wait3A] : memref<10240x128xf32, #tpu.memory_space<vmem_shared>> -> memref<128x128xf32, #tpu.memory_space<vmem_shared>>
      %dma_wait3A_133 = arith.constant 0 : i32
      %dma_wait3A_134 = tpu.memref_slice %arg12[%add3A_102, %dma_wait3A_133] : memref<10240x128xf32, #tpu.memory_space<vmem_shared>> -> memref<128x128xf32, #tpu.memory_space<vmem_shared>>
      tpu.wait_dma2 semaphore(%run_scoped3A : memref<!tpu.dma_semaphore, #tpu.memory_space<semaphore_mem>>) src(%dma_wait3A_134 : memref<128x128xf32, #tpu.memory_space<vmem_shared>>) dst(%arg9 : memref<128x128xf32, #tpu.memory_space<vmem>>)
      tpu.yield
    }) : () -> ()
    %add3A_103 = arith.constant 0 : i32
    %add3A_104 = arith.addi %add3A_98, %add3A_103 : i32
    "tpu.region"() ({
      %run_scoped3A = tpu.sem_alloc : memref<!tpu.dma_semaphore, #tpu.memory_space<semaphore_mem>>
      %dma_start3A = arith.constant 0 : i32
      %dma_start3A_129 = tpu.memref_slice %arg5[%add3A_104, %dma_start3A] : memref<20480x128xf32, #tpu.memory_space<hbm>> -> memref<128x128xf32, #tpu.memory_space<hbm>>
      %dma_start3A_130 = arith.constant 0 : i32
      %dma_start3A_131 = tpu.memref_slice %arg5[%add3A_104, %dma_start3A_130] : memref<20480x128xf32, #tpu.memory_space<hbm>> -> memref<128x128xf32, #tpu.memory_space<hbm>>
      tpu.enqueue_dma source(%arg9 : memref<128x128xf32, #tpu.memory_space<vmem>>) target(%dma_start3A_131 : memref<128x128xf32, #tpu.memory_space<hbm>>) target_semaphore(%run_scoped3A : memref<!tpu.dma_semaphore, #tpu.memory_space<semaphore_mem>>)
      %dma_wait3A = arith.constant 0 : i32
      %dma_wait3A_132 = tpu.memref_slice %arg5[%add3A_104, %dma_wait3A] : memref<20480x128xf32, #tpu.memory_space<hbm>> -> memref<128x128xf32, #tpu.memory_space<hbm>>
      %dma_wait3A_133 = arith.constant 0 : i32
      %dma_wait3A_134 = tpu.memref_slice %arg5[%add3A_104, %dma_wait3A_133] : memref<20480x128xf32, #tpu.memory_space<hbm>> -> memref<128x128xf32, #tpu.memory_space<hbm>>
      tpu.wait_dma2 semaphore(%run_scoped3A : memref<!tpu.dma_semaphore, #tpu.memory_space<semaphore_mem>>) src(%arg9 : memref<128x128xf32, #tpu.memory_space<vmem>>) dst(%dma_wait3A_134 : memref<128x128xf32, #tpu.memory_space<hbm>>)
      tpu.yield
    }) : () -> ()
    %mul3A_105 = arith.constant 640 : i32
    %mul3A_106 = arith.muli %arg1, %mul3A_105 : i32
    %add3A_107 = arith.constant 128 : i32
    %add3A_108 = arith.addi %mul3A_106, %add3A_107 : i32
    "tpu.region"() ({
      %run_scoped3A = tpu.sem_alloc : memref<!tpu.dma_semaphore, #tpu.memory_space<semaphore_mem>>
      %dma_start3A = arith.constant 0 : i32
      %dma_start3A_129 = tpu.memref_slice %arg12[%add3A_108, %dma_start3A] : memref<10240x128xf32, #tpu.memory_space<vmem_shared>> -> memref<128x128xf32, #tpu.memory_space<vmem_shared>>
      %dma_start3A_130 = arith.constant 0 : i32
      %dma_start3A_131 = tpu.memref_slice %arg12[%add3A_108, %dma_start3A_130] : memref<10240x128xf32, #tpu.memory_space<vmem_shared>> -> memref<128x128xf32, #tpu.memory_space<vmem_shared>>
      tpu.enqueue_dma source(%dma_start3A_131 : memref<128x128xf32, #tpu.memory_space<vmem_shared>>) target(%arg9 : memref<128x128xf32, #tpu.memory_space<vmem>>) target_semaphore(%run_scoped3A : memref<!tpu.dma_semaphore, #tpu.memory_space<semaphore_mem>>)
      %dma_wait3A = arith.constant 0 : i32
      %dma_wait3A_132 = tpu.memref_slice %arg12[%add3A_108, %dma_wait3A] : memref<10240x128xf32, #tpu.memory_space<vmem_shared>> -> memref<128x128xf32, #tpu.memory_space<vmem_shared>>
      %dma_wait3A_133 = arith.constant 0 : i32
      %dma_wait3A_134 = tpu.memref_slice %arg12[%add3A_108, %dma_wait3A_133] : memref<10240x128xf32, #tpu.memory_space<vmem_shared>> -> memref<128x128xf32, #tpu.memory_space<vmem_shared>>
      tpu.wait_dma2 semaphore(%run_scoped3A : memref<!tpu.dma_semaphore, #tpu.memory_space<semaphore_mem>>) src(%dma_wait3A_134 : memref<128x128xf32, #tpu.memory_space<vmem_shared>>) dst(%arg9 : memref<128x128xf32, #tpu.memory_space<vmem>>)
      tpu.yield
    }) : () -> ()
    %add3A_109 = arith.constant 128 : i32
    %add3A_110 = arith.addi %add3A_98, %add3A_109 : i32
    "tpu.region"() ({
      %run_scoped3A = tpu.sem_alloc : memref<!tpu.dma_semaphore, #tpu.memory_space<semaphore_mem>>
      %dma_start3A = arith.constant 0 : i32
      %dma_start3A_129 = tpu.memref_slice %arg5[%add3A_110, %dma_start3A] : memref<20480x128xf32, #tpu.memory_space<hbm>> -> memref<128x128xf32, #tpu.memory_space<hbm>>
      %dma_start3A_130 = arith.constant 0 : i32
      %dma_start3A_131 = tpu.memref_slice %arg5[%add3A_110, %dma_start3A_130] : memref<20480x128xf32, #tpu.memory_space<hbm>> -> memref<128x128xf32, #tpu.memory_space<hbm>>
      tpu.enqueue_dma source(%arg9 : memref<128x128xf32, #tpu.memory_space<vmem>>) target(%dma_start3A_131 : memref<128x128xf32, #tpu.memory_space<hbm>>) target_semaphore(%run_scoped3A : memref<!tpu.dma_semaphore, #tpu.memory_space<semaphore_mem>>)
      %dma_wait3A = arith.constant 0 : i32
      %dma_wait3A_132 = tpu.memref_slice %arg5[%add3A_110, %dma_wait3A] : memref<20480x128xf32, #tpu.memory_space<hbm>> -> memref<128x128xf32, #tpu.memory_space<hbm>>
      %dma_wait3A_133 = arith.constant 0 : i32
      %dma_wait3A_134 = tpu.memref_slice %arg5[%add3A_110, %dma_wait3A_133] : memref<20480x128xf32, #tpu.memory_space<hbm>> -> memref<128x128xf32, #tpu.memory_space<hbm>>
      tpu.wait_dma2 semaphore(%run_scoped3A : memref<!tpu.dma_semaphore, #tpu.memory_space<semaphore_mem>>) src(%arg9 : memref<128x128xf32, #tpu.memory_space<vmem>>) dst(%dma_wait3A_134 : memref<128x128xf32, #tpu.memory_space<hbm>>)
      tpu.yield
    }) : () -> ()
    %mul3A_111 = arith.constant 640 : i32
    %mul3A_112 = arith.muli %arg1, %mul3A_111 : i32
    %add3A_113 = arith.constant 256 : i32
    %add3A_114 = arith.addi %mul3A_112, %add3A_113 : i32
    "tpu.region"() ({
      %run_scoped3A = tpu.sem_alloc : memref<!tpu.dma_semaphore, #tpu.memory_space<semaphore_mem>>
      %dma_start3A = arith.constant 0 : i32
      %dma_start3A_129 = tpu.memref_slice %arg12[%add3A_114, %dma_start3A] : memref<10240x128xf32, #tpu.memory_space<vmem_shared>> -> memref<128x128xf32, #tpu.memory_space<vmem_shared>>
      %dma_start3A_130 = arith.constant 0 : i32
      %dma_start3A_131 = tpu.memref_slice %arg12[%add3A_114, %dma_start3A_130] : memref<10240x128xf32, #tpu.memory_space<vmem_shared>> -> memref<128x128xf32, #tpu.memory_space<vmem_shared>>
      tpu.enqueue_dma source(%dma_start3A_131 : memref<128x128xf32, #tpu.memory_space<vmem_shared>>) target(%arg9 : memref<128x128xf32, #tpu.memory_space<vmem>>) target_semaphore(%run_scoped3A : memref<!tpu.dma_semaphore, #tpu.memory_space<semaphore_mem>>)
      %dma_wait3A = arith.constant 0 : i32
      %dma_wait3A_132 = tpu.memref_slice %arg12[%add3A_114, %dma_wait3A] : memref<10240x128xf32, #tpu.memory_space<vmem_shared>> -> memref<128x128xf32, #tpu.memory_space<vmem_shared>>
      %dma_wait3A_133 = arith.constant 0 : i32
      %dma_wait3A_134 = tpu.memref_slice %arg12[%add3A_114, %dma_wait3A_133] : memref<10240x128xf32, #tpu.memory_space<vmem_shared>> -> memref<128x128xf32, #tpu.memory_space<vmem_shared>>
      tpu.wait_dma2 semaphore(%run_scoped3A : memref<!tpu.dma_semaphore, #tpu.memory_space<semaphore_mem>>) src(%dma_wait3A_134 : memref<128x128xf32, #tpu.memory_space<vmem_shared>>) dst(%arg9 : memref<128x128xf32, #tpu.memory_space<vmem>>)
      tpu.yield
    }) : () -> ()
    %add3A_115 = arith.constant 256 : i32
    %add3A_116 = arith.addi %add3A_98, %add3A_115 : i32
    "tpu.region"() ({
      %run_scoped3A = tpu.sem_alloc : memref<!tpu.dma_semaphore, #tpu.memory_space<semaphore_mem>>
      %dma_start3A = arith.constant 0 : i32
      %dma_start3A_129 = tpu.memref_slice %arg5[%add3A_116, %dma_start3A] : memref<20480x128xf32, #tpu.memory_space<hbm>> -> memref<128x128xf32, #tpu.memory_space<hbm>>
      %dma_start3A_130 = arith.constant 0 : i32
      %dma_start3A_131 = tpu.memref_slice %arg5[%add3A_116, %dma_start3A_130] : memref<20480x128xf32, #tpu.memory_space<hbm>> -> memref<128x128xf32, #tpu.memory_space<hbm>>
      tpu.enqueue_dma source(%arg9 : memref<128x128xf32, #tpu.memory_space<vmem>>) target(%dma_start3A_131 : memref<128x128xf32, #tpu.memory_space<hbm>>) target_semaphore(%run_scoped3A : memref<!tpu.dma_semaphore, #tpu.memory_space<semaphore_mem>>)
      %dma_wait3A = arith.constant 0 : i32
      %dma_wait3A_132 = tpu.memref_slice %arg5[%add3A_116, %dma_wait3A] : memref<20480x128xf32, #tpu.memory_space<hbm>> -> memref<128x128xf32, #tpu.memory_space<hbm>>
      %dma_wait3A_133 = arith.constant 0 : i32
      %dma_wait3A_134 = tpu.memref_slice %arg5[%add3A_116, %dma_wait3A_133] : memref<20480x128xf32, #tpu.memory_space<hbm>> -> memref<128x128xf32, #tpu.memory_space<hbm>>
      tpu.wait_dma2 semaphore(%run_scoped3A : memref<!tpu.dma_semaphore, #tpu.memory_space<semaphore_mem>>) src(%arg9 : memref<128x128xf32, #tpu.memory_space<vmem>>) dst(%dma_wait3A_134 : memref<128x128xf32, #tpu.memory_space<hbm>>)
      tpu.yield
    }) : () -> ()
    %mul3A_117 = arith.constant 640 : i32
    %mul3A_118 = arith.muli %arg1, %mul3A_117 : i32
    %add3A_119 = arith.constant 384 : i32
    %add3A_120 = arith.addi %mul3A_118, %add3A_119 : i32
    "tpu.region"() ({
      %run_scoped3A = tpu.sem_alloc : memref<!tpu.dma_semaphore, #tpu.memory_space<semaphore_mem>>
      %dma_start3A = arith.constant 0 : i32
      %dma_start3A_129 = tpu.memref_slice %arg12[%add3A_120, %dma_start3A] : memref<10240x128xf32, #tpu.memory_space<vmem_shared>> -> memref<128x128xf32, #tpu.memory_space<vmem_shared>>
      %dma_start3A_130 = arith.constant 0 : i32
      %dma_start3A_131 = tpu.memref_slice %arg12[%add3A_120, %dma_start3A_130] : memref<10240x128xf32, #tpu.memory_space<vmem_shared>> -> memref<128x128xf32, #tpu.memory_space<vmem_shared>>
      tpu.enqueue_dma source(%dma_start3A_131 : memref<128x128xf32, #tpu.memory_space<vmem_shared>>) target(%arg9 : memref<128x128xf32, #tpu.memory_space<vmem>>) target_semaphore(%run_scoped3A : memref<!tpu.dma_semaphore, #tpu.memory_space<semaphore_mem>>)
      %dma_wait3A = arith.constant 0 : i32
      %dma_wait3A_132 = tpu.memref_slice %arg12[%add3A_120, %dma_wait3A] : memref<10240x128xf32, #tpu.memory_space<vmem_shared>> -> memref<128x128xf32, #tpu.memory_space<vmem_shared>>
      %dma_wait3A_133 = arith.constant 0 : i32
      %dma_wait3A_134 = tpu.memref_slice %arg12[%add3A_120, %dma_wait3A_133] : memref<10240x128xf32, #tpu.memory_space<vmem_shared>> -> memref<128x128xf32, #tpu.memory_space<vmem_shared>>
      tpu.wait_dma2 semaphore(%run_scoped3A : memref<!tpu.dma_semaphore, #tpu.memory_space<semaphore_mem>>) src(%dma_wait3A_134 : memref<128x128xf32, #tpu.memory_space<vmem_shared>>) dst(%arg9 : memref<128x128xf32, #tpu.memory_space<vmem>>)
      tpu.yield
    }) : () -> ()
    %add3A_121 = arith.constant 384 : i32
    %add3A_122 = arith.addi %add3A_98, %add3A_121 : i32
    "tpu.region"() ({
      %run_scoped3A = tpu.sem_alloc : memref<!tpu.dma_semaphore, #tpu.memory_space<semaphore_mem>>
      %dma_start3A = arith.constant 0 : i32
      %dma_start3A_129 = tpu.memref_slice %arg5[%add3A_122, %dma_start3A] : memref<20480x128xf32, #tpu.memory_space<hbm>> -> memref<128x128xf32, #tpu.memory_space<hbm>>
      %dma_start3A_130 = arith.constant 0 : i32
      %dma_start3A_131 = tpu.memref_slice %arg5[%add3A_122, %dma_start3A_130] : memref<20480x128xf32, #tpu.memory_space<hbm>> -> memref<128x128xf32, #tpu.memory_space<hbm>>
      tpu.enqueue_dma source(%arg9 : memref<128x128xf32, #tpu.memory_space<vmem>>) target(%dma_start3A_131 : memref<128x128xf32, #tpu.memory_space<hbm>>) target_semaphore(%run_scoped3A : memref<!tpu.dma_semaphore, #tpu.memory_space<semaphore_mem>>)
      %dma_wait3A = arith.constant 0 : i32
      %dma_wait3A_132 = tpu.memref_slice %arg5[%add3A_122, %dma_wait3A] : memref<20480x128xf32, #tpu.memory_space<hbm>> -> memref<128x128xf32, #tpu.memory_space<hbm>>
      %dma_wait3A_133 = arith.constant 0 : i32
      %dma_wait3A_134 = tpu.memref_slice %arg5[%add3A_122, %dma_wait3A_133] : memref<20480x128xf32, #tpu.memory_space<hbm>> -> memref<128x128xf32, #tpu.memory_space<hbm>>
      tpu.wait_dma2 semaphore(%run_scoped3A : memref<!tpu.dma_semaphore, #tpu.memory_space<semaphore_mem>>) src(%arg9 : memref<128x128xf32, #tpu.memory_space<vmem>>) dst(%dma_wait3A_134 : memref<128x128xf32, #tpu.memory_space<hbm>>)
      tpu.yield
    }) : () -> ()
    %mul3A_123 = arith.constant 640 : i32
    %mul3A_124 = arith.muli %arg1, %mul3A_123 : i32
    %add3A_125 = arith.constant 512 : i32
    %add3A_126 = arith.addi %mul3A_124, %add3A_125 : i32
    "tpu.region"() ({
      %run_scoped3A = tpu.sem_alloc : memref<!tpu.dma_semaphore, #tpu.memory_space<semaphore_mem>>
      %dma_start3A = arith.constant 0 : i32
      %dma_start3A_129 = tpu.memref_slice %arg12[%add3A_126, %dma_start3A] : memref<10240x128xf32, #tpu.memory_space<vmem_shared>> -> memref<128x128xf32, #tpu.memory_space<vmem_shared>>
      %dma_start3A_130 = arith.constant 0 : i32
      %dma_start3A_131 = tpu.memref_slice %arg12[%add3A_126, %dma_start3A_130] : memref<10240x128xf32, #tpu.memory_space<vmem_shared>> -> memref<128x128xf32, #tpu.memory_space<vmem_shared>>
      tpu.enqueue_dma source(%dma_start3A_131 : memref<128x128xf32, #tpu.memory_space<vmem_shared>>) target(%arg9 : memref<128x128xf32, #tpu.memory_space<vmem>>) target_semaphore(%run_scoped3A : memref<!tpu.dma_semaphore, #tpu.memory_space<semaphore_mem>>)
      %dma_wait3A = arith.constant 0 : i32
      %dma_wait3A_132 = tpu.memref_slice %arg12[%add3A_126, %dma_wait3A] : memref<10240x128xf32, #tpu.memory_space<vmem_shared>> -> memref<128x128xf32, #tpu.memory_space<vmem_shared>>
      %dma_wait3A_133 = arith.constant 0 : i32
      %dma_wait3A_134 = tpu.memref_slice %arg12[%add3A_126, %dma_wait3A_133] : memref<10240x128xf32, #tpu.memory_space<vmem_shared>> -> memref<128x128xf32, #tpu.memory_space<vmem_shared>>
      tpu.wait_dma2 semaphore(%run_scoped3A : memref<!tpu.dma_semaphore, #tpu.memory_space<semaphore_mem>>) src(%dma_wait3A_134 : memref<128x128xf32, #tpu.memory_space<vmem_shared>>) dst(%arg9 : memref<128x128xf32, #tpu.memory_space<vmem>>)
      tpu.yield
    }) : () -> ()
    %add3A_127 = arith.constant 512 : i32
    %add3A_128 = arith.addi %add3A_98, %add3A_127 : i32
    "tpu.region"() ({
      %run_scoped3A = tpu.sem_alloc : memref<!tpu.dma_semaphore, #tpu.memory_space<semaphore_mem>>
      %dma_start3A = arith.constant 0 : i32
      %dma_start3A_129 = tpu.memref_slice %arg5[%add3A_128, %dma_start3A] : memref<20480x128xf32, #tpu.memory_space<hbm>> -> memref<128x128xf32, #tpu.memory_space<hbm>>
      %dma_start3A_130 = arith.constant 0 : i32
      %dma_start3A_131 = tpu.memref_slice %arg5[%add3A_128, %dma_start3A_130] : memref<20480x128xf32, #tpu.memory_space<hbm>> -> memref<128x128xf32, #tpu.memory_space<hbm>>
      tpu.enqueue_dma source(%arg9 : memref<128x128xf32, #tpu.memory_space<vmem>>) target(%dma_start3A_131 : memref<128x128xf32, #tpu.memory_space<hbm>>) target_semaphore(%run_scoped3A : memref<!tpu.dma_semaphore, #tpu.memory_space<semaphore_mem>>)
      %dma_wait3A = arith.constant 0 : i32
      %dma_wait3A_132 = tpu.memref_slice %arg5[%add3A_128, %dma_wait3A] : memref<20480x128xf32, #tpu.memory_space<hbm>> -> memref<128x128xf32, #tpu.memory_space<hbm>>
      %dma_wait3A_133 = arith.constant 0 : i32
      %dma_wait3A_134 = tpu.memref_slice %arg5[%add3A_128, %dma_wait3A_133] : memref<20480x128xf32, #tpu.memory_space<hbm>> -> memref<128x128xf32, #tpu.memory_space<hbm>>
      tpu.wait_dma2 semaphore(%run_scoped3A : memref<!tpu.dma_semaphore, #tpu.memory_space<semaphore_mem>>) src(%arg9 : memref<128x128xf32, #tpu.memory_space<vmem>>) dst(%dma_wait3A_134 : memref<128x128xf32, #tpu.memory_space<hbm>>)
      tpu.yield
    }) : () -> ()
    return
  }
}

module attributes {stable_mosaic.version = 14 : i64} {
  func.func @_tc_combine_body(%arg0: i32, %arg1: memref<1000x128xf32, #tpu.memory_space<vmem>>, %arg2: memref<1000x128xf32, #tpu.memory_space<vmem>>, %arg3: memref<1000x128xf32, #tpu.memory_space<vmem>>, %arg4: memref<1000x128xf32, #tpu.memory_space<vmem>>, %arg5: memref<1000x128xf32, #tpu.memory_space<vmem>>, %arg6: memref<128x128xf32, #tpu.memory_space<vmem>>, %arg7: memref<128x128xf32, #tpu.memory_space<vmem>>, %arg8: memref<1x128xf32, #tpu.memory_space<vmem>>, %arg9: memref<1000x128xf32, #tpu.memory_space<vmem>>) attributes {dimension_semantics = [#tpu.dimension_semantics<arbitrary>], iteration_bounds = array<i64: 10>, scalar_prefetch = 0 : i64, scratch_operands = 0 : i64, tpu.core_type = #tpu.core_type<tc>, window_params = [{transform_indices = @transform_0, window_bounds = array<i64: 1000, 128>}, {transform_indices = @transform_1, window_bounds = array<i64: 1000, 128>}, {transform_indices = @transform_2, window_bounds = array<i64: 1000, 128>}, {transform_indices = @transform_3, window_bounds = array<i64: 1000, 128>}, {transform_indices = @transform_4, window_bounds = array<i64: 1000, 128>}, {pipeline_mode = #tpu.pipeline_mode<synchronous>, transform_indices = @transform_5, window_bounds = array<i64: 128, 128>}, {pipeline_mode = #tpu.pipeline_mode<synchronous>, transform_indices = @transform_6, window_bounds = array<i64: 128, 128>}, {pipeline_mode = #tpu.pipeline_mode<synchronous>, transform_indices = @transform_7, window_bounds = array<i64: 1, 128>}, {transform_indices = @transform_8, window_bounds = array<i64: 1000, 128>}]} {
    %get3A = arith.constant 0 : index
    %get3A_0 = arith.constant 0 : index
    %get3A_1 = vector.load %arg3[%get3A, %get3A_0] : memref<1000x128xf32, #tpu.memory_space<vmem>>, vector<1000x1xf32>
    %get3A_2 = arith.constant 0 : index
    %get3A_3 = arith.constant 0 : index
    %get3A_4 = vector.load %arg4[%get3A_2, %get3A_3] : memref<1000x128xf32, #tpu.memory_space<vmem>>, vector<1000x1xf32>
    %add3A = arith.addf %get3A_1, %get3A_4 : vector<1000x1xf32>
    %max3A = arith.constant 1.000000e+00 : f32
    %max3A_5 = vector.broadcast %max3A : f32 to vector<1000x1xf32>
    %max3A_6 = arith.maximumf %add3A, %max3A_5 : vector<1000x1xf32>
    %div3A = arith.constant 1.000000e+00 : f32
    %div3A_7 = vector.broadcast %div3A : f32 to vector<1000x1xf32>
    %div3A_8 = arith.divf %div3A_7, %max3A_6 : vector<1000x1xf32>
    %get3A_9 = arith.constant 0 : index
    %get3A_10 = arith.constant 0 : index
    %get3A_11 = vector.load %arg1[%get3A_9, %get3A_10] : memref<1000x128xf32, #tpu.memory_space<vmem>>, vector<1000x128xf32>
    %get3A_12 = arith.constant 0 : index
    %get3A_13 = arith.constant 0 : index
    %get3A_14 = vector.load %arg2[%get3A_12, %get3A_13] : memref<1000x128xf32, #tpu.memory_space<vmem>>, vector<1000x128xf32>
    %add3A_15 = arith.addf %get3A_11, %get3A_14 : vector<1000x128xf32>
    %mul3A = vector.broadcast %div3A_8 : vector<1000x1xf32> to vector<1000x128xf32>
    %mul3A_16 = arith.mulf %add3A_15, %mul3A : vector<1000x128xf32>
    %get3A_17 = arith.constant 0 : index
    %get3A_18 = arith.constant 0 : index
    %get3A_19 = vector.load %arg6[%get3A_17, %get3A_18] : memref<128x128xf32, #tpu.memory_space<vmem>>, vector<128x128xf32>
    %dot_general3A = arith.constant dense<0.000000e+00> : vector<1000x128xf32>
    %dot_general3A_20 = tpu.matmul %mul3A_16, %get3A_19, %dot_general3A {dimension_numbers = #tpu.dot_dimension_numbers<[1], [0], [0], [1], [0, 0, 1, 1], [], []>, transpose_lhs_hint = false} : vector<1000x128xf32>, vector<128x128xf32>, vector<1000x128xf32> -> vector<1000x128xf32>
    %get3A_21 = arith.constant 0 : index
    %get3A_22 = arith.constant 0 : index
    %get3A_23 = vector.load %arg5[%get3A_21, %get3A_22] : memref<1000x128xf32, #tpu.memory_space<vmem>>, vector<1000x128xf32>
    %get3A_24 = arith.constant 0 : index
    %get3A_25 = arith.constant 0 : index
    %get3A_26 = vector.load %arg7[%get3A_24, %get3A_25] : memref<128x128xf32, #tpu.memory_space<vmem>>, vector<128x128xf32>
    %dot_general3A_27 = arith.constant dense<0.000000e+00> : vector<1000x128xf32>
    %dot_general3A_28 = tpu.matmul %get3A_23, %get3A_26, %dot_general3A_27 {dimension_numbers = #tpu.dot_dimension_numbers<[1], [0], [0], [1], [0, 0, 1, 1], [], []>, transpose_lhs_hint = false} : vector<1000x128xf32>, vector<128x128xf32>, vector<1000x128xf32> -> vector<1000x128xf32>
    %add3A_29 = arith.addf %dot_general3A_20, %dot_general3A_28 : vector<1000x128xf32>
    %get3A_30 = arith.constant 0 : index
    %get3A_31 = arith.constant 0 : index
    %get3A_32 = vector.load %arg8[%get3A_30, %get3A_31] : memref<1x128xf32, #tpu.memory_space<vmem>>, vector<1x128xf32>
    %add3A_33 = vector.broadcast %get3A_32 : vector<1x128xf32> to vector<1000x128xf32>
    %add3A_34 = arith.addf %add3A_29, %add3A_33 : vector<1000x128xf32>
    %max3A_35 = arith.constant 0.000000e+00 : f32
    %max3A_36 = vector.broadcast %max3A_35 : f32 to vector<1000x128xf32>
    %max3A_37 = arith.maximumf %add3A_34, %max3A_36 : vector<1000x128xf32>
    %swap3A = arith.constant 0 : index
    %swap3A_38 = arith.constant 0 : index
    %swap3A_39 = vector.load %arg9[%swap3A, %swap3A_38] : memref<1000x128xf32, #tpu.memory_space<vmem>>, vector<1000x128xf32>
    tpu.vector_store %arg9[%swap3A, %swap3A_38], %max3A_37 {strides = array<i32>} : memref<1000x128xf32, #tpu.memory_space<vmem>>, vector<1000x128xf32>,
    return
  }
  func.func @transform_0(%arg0: i32) -> (i32, i32) {
    %c0_i32 = arith.constant 0 : i32
    %c0_i32_0 = arith.constant 0 : i32
    return %arg0, %c0_i32 : i32, i32
  }
  func.func @transform_1(%arg0: i32) -> (i32, i32) {
    %c0_i32 = arith.constant 0 : i32
    %c0_i32_0 = arith.constant 0 : i32
    return %arg0, %c0_i32 : i32, i32
  }
  func.func @transform_2(%arg0: i32) -> (i32, i32) {
    %c0_i32 = arith.constant 0 : i32
    %c0_i32_0 = arith.constant 0 : i32
    return %arg0, %c0_i32 : i32, i32
  }
  func.func @transform_3(%arg0: i32) -> (i32, i32) {
    %c0_i32 = arith.constant 0 : i32
    %c0_i32_0 = arith.constant 0 : i32
    return %arg0, %c0_i32 : i32, i32
  }
  func.func @transform_4(%arg0: i32) -> (i32, i32) {
    %c0_i32 = arith.constant 0 : i32
    %c0_i32_0 = arith.constant 0 : i32
    return %arg0, %c0_i32 : i32, i32
  }
  func.func @transform_5(%arg0: i32) -> (i32, i32) {
    %c0_i32 = arith.constant 0 : i32
    %c0_i32_0 = arith.constant 0 : i32
    %c0_i32_1 = arith.constant 0 : i32
    return %c0_i32, %c0_i32_0 : i32, i32
  }
  func.func @transform_6(%arg0: i32) -> (i32, i32) {
    %c0_i32 = arith.constant 0 : i32
    %c0_i32_0 = arith.constant 0 : i32
    %c0_i32_1 = arith.constant 0 : i32
    return %c0_i32, %c0_i32_0 : i32, i32
  }
  func.func @transform_7(%arg0: i32) -> (i32, i32) {
    %c0_i32 = arith.constant 0 : i32
    %c0_i32_0 = arith.constant 0 : i32
    %c0_i32_1 = arith.constant 0 : i32
    return %c0_i32, %c0_i32_0 : i32, i32
  }
  func.func @transform_8(%arg0: i32) -> (i32, i32) {
    %c0_i32 = arith.constant 0 : i32
    %c0_i32_0 = arith.constant 0 : i32
    return %arg0, %c0_i32 : i32, i32
  }
}

module attributes {stable_mosaic.version = 14 : i64} {
  func.func @_tc_combine_body(%arg0: i32, %arg1: memref<1000x128xf32, #tpu.memory_space<vmem>>, %arg2: memref<1000x128xf32, #tpu.memory_space<vmem>>, %arg3: memref<1000x128xf32, #tpu.memory_space<vmem>>, %arg4: memref<1000x128xf32, #tpu.memory_space<vmem>>, %arg5: memref<1000x128xf32, #tpu.memory_space<vmem>>, %arg6: memref<128x128xf32, #tpu.memory_space<vmem>>, %arg7: memref<128x128xf32, #tpu.memory_space<vmem>>, %arg8: memref<1x128xf32, #tpu.memory_space<vmem>>, %arg9: memref<1000x128xf32, #tpu.memory_space<vmem>>) attributes {dimension_semantics = [#tpu.dimension_semantics<arbitrary>], iteration_bounds = array<i64: 10>, scalar_prefetch = 0 : i64, scratch_operands = 0 : i64, tpu.core_type = #tpu.core_type<tc>, window_params = [{transform_indices = @transform_0, window_bounds = array<i64: 1000, 128>}, {transform_indices = @transform_1, window_bounds = array<i64: 1000, 128>}, {transform_indices = @transform_2, window_bounds = array<i64: 1000, 128>}, {transform_indices = @transform_3, window_bounds = array<i64: 1000, 128>}, {transform_indices = @transform_4, window_bounds = array<i64: 1000, 128>}, {pipeline_mode = #tpu.pipeline_mode<synchronous>, transform_indices = @transform_5, window_bounds = array<i64: 128, 128>}, {pipeline_mode = #tpu.pipeline_mode<synchronous>, transform_indices = @transform_6, window_bounds = array<i64: 128, 128>}, {pipeline_mode = #tpu.pipeline_mode<synchronous>, transform_indices = @transform_7, window_bounds = array<i64: 1, 128>}, {transform_indices = @transform_8, window_bounds = array<i64: 1000, 128>}]} {
    %get3A = arith.constant 0 : index
    %get3A_0 = arith.constant 0 : index
    %get3A_1 = vector.load %arg3[%get3A, %get3A_0] : memref<1000x128xf32, #tpu.memory_space<vmem>>, vector<1000x1xf32>
    %get3A_2 = arith.constant 0 : index
    %get3A_3 = arith.constant 0 : index
    %get3A_4 = vector.load %arg4[%get3A_2, %get3A_3] : memref<1000x128xf32, #tpu.memory_space<vmem>>, vector<1000x1xf32>
    %add3A = arith.addf %get3A_1, %get3A_4 : vector<1000x1xf32>
    %max3A = arith.constant 1.000000e+00 : f32
    %max3A_5 = vector.broadcast %max3A : f32 to vector<1000x1xf32>
    %max3A_6 = arith.maximumf %add3A, %max3A_5 : vector<1000x1xf32>
    %div3A = arith.constant 1.000000e+00 : f32
    %div3A_7 = vector.broadcast %div3A : f32 to vector<1000x1xf32>
    %div3A_8 = arith.divf %div3A_7, %max3A_6 : vector<1000x1xf32>
    %get3A_9 = arith.constant 0 : index
    %get3A_10 = arith.constant 0 : index
    %get3A_11 = vector.load %arg1[%get3A_9, %get3A_10] : memref<1000x128xf32, #tpu.memory_space<vmem>>, vector<1000x128xf32>
    %get3A_12 = arith.constant 0 : index
    %get3A_13 = arith.constant 0 : index
    %get3A_14 = vector.load %arg2[%get3A_12, %get3A_13] : memref<1000x128xf32, #tpu.memory_space<vmem>>, vector<1000x128xf32>
    %add3A_15 = arith.addf %get3A_11, %get3A_14 : vector<1000x128xf32>
    %mul3A = vector.broadcast %div3A_8 : vector<1000x1xf32> to vector<1000x128xf32>
    %mul3A_16 = arith.mulf %add3A_15, %mul3A : vector<1000x128xf32>
    %get3A_17 = arith.constant 0 : index
    %get3A_18 = arith.constant 0 : index
    %get3A_19 = vector.load %arg6[%get3A_17, %get3A_18] : memref<128x128xf32, #tpu.memory_space<vmem>>, vector<128x128xf32>
    %dot_general3A = arith.constant dense<0.000000e+00> : vector<1000x128xf32>
    %dot_general3A_20 = tpu.matmul %mul3A_16, %get3A_19, %dot_general3A {dimension_numbers = #tpu.dot_dimension_numbers<[1], [0], [0], [1], [0, 0, 1, 1], [], []>, transpose_lhs_hint = false} : vector<1000x128xf32>, vector<128x128xf32>, vector<1000x128xf32> -> vector<1000x128xf32>
    %get3A_21 = arith.constant 0 : index
    %get3A_22 = arith.constant 0 : index
    %get3A_23 = vector.load %arg5[%get3A_21, %get3A_22] : memref<1000x128xf32, #tpu.memory_space<vmem>>, vector<1000x128xf32>
    %get3A_24 = arith.constant 0 : index
    %get3A_25 = arith.constant 0 : index
    %get3A_26 = vector.load %arg7[%get3A_24, %get3A_25] : memref<128x128xf32, #tpu.memory_space<vmem>>, vector<128x128xf32>
    %dot_general3A_27 = arith.constant dense<0.000000e+00> : vector<1000x128xf32>
    %dot_general3A_28 = tpu.matmul %get3A_23, %get3A_26, %dot_general3A_27 {dimension_numbers = #tpu.dot_dimension_numbers<[1], [0], [0], [1], [0, 0, 1, 1], [], []>, transpose_lhs_hint = false} : vector<1000x128xf32>, vector<128x128xf32>, vector<1000x128xf32> -> vector<1000x128xf32>
    %add3A_29 = arith.addf %dot_general3A_20, %dot_general3A_28 : vector<1000x128xf32>
    %get3A_30 = arith.constant 0 : index
    %get3A_31 = arith.constant 0 : index
    %get3A_32 = vector.load %arg8[%get3A_30, %get3A_31] : memref<1x128xf32, #tpu.memory_space<vmem>>, vector<1x128xf32>
    %add3A_33 = vector.broadcast %get3A_32 : vector<1x128xf32> to vector<1000x128xf32>
    %add3A_34 = arith.addf %add3A_29, %add3A_33 : vector<1000x128xf32>
    %max3A_35 = arith.constant 0.000000e+00 : f32
    %max3A_36 = vector.broadcast %max3A_35 : f32 to vector<1000x128xf32>
    %max3A_37 = arith.maximumf %add3A_34, %max3A_36 : vector<1000x128xf32>
    %swap3A = arith.constant 0 : index
    %swap3A_38 = arith.constant 0 : index
    %swap3A_39 = vector.load %arg9[%swap3A, %swap3A_38] : memref<1000x128xf32, #tpu.memory_space<vmem>>, vector<1000x128xf32>
    tpu.vector_store %arg9[%swap3A, %swap3A_38], %max3A_37 {strides = array<i32>} : memref<1000x128xf32, #tpu.memory_space<vmem>>, vector<1000x128xf32>,
    return
  }
  func.func @transform_0(%arg0: i32) -> (i32, i32) {
    %c0_i32 = arith.constant 0 : i32
    %c0_i32_0 = arith.constant 0 : i32
    return %arg0, %c0_i32 : i32, i32
  }
  func.func @transform_1(%arg0: i32) -> (i32, i32) {
    %c0_i32 = arith.constant 0 : i32
    %c0_i32_0 = arith.constant 0 : i32
    return %arg0, %c0_i32 : i32, i32
  }
  func.func @transform_2(%arg0: i32) -> (i32, i32) {
    %c0_i32 = arith.constant 0 : i32
    %c0_i32_0 = arith.constant 0 : i32
    return %arg0, %c0_i32 : i32, i32
  }
  func.func @transform_3(%arg0: i32) -> (i32, i32) {
    %c0_i32 = arith.constant 0 : i32
    %c0_i32_0 = arith.constant 0 : i32
    return %arg0, %c0_i32 : i32, i32
  }
  func.func @transform_4(%arg0: i32) -> (i32, i32) {
    %c0_i32 = arith.constant 0 : i32
    %c0_i32_0 = arith.constant 0 : i32
    return %arg0, %c0_i32 : i32, i32
  }
  func.func @transform_5(%arg0: i32) -> (i32, i32) {
    %c0_i32 = arith.constant 0 : i32
    %c0_i32_0 = arith.constant 0 : i32
    %c0_i32_1 = arith.constant 0 : i32
    return %c0_i32, %c0_i32_0 : i32, i32
  }
  func.func @transform_6(%arg0: i32) -> (i32, i32) {
    %c0_i32 = arith.constant 0 : i32
    %c0_i32_0 = arith.constant 0 : i32
    %c0_i32_1 = arith.constant 0 : i32
    return %c0_i32, %c0_i32_0 : i32, i32
  }
  func.func @transform_7(%arg0: i32) -> (i32, i32) {
    %c0_i32 = arith.constant 0 : i32
    %c0_i32_0 = arith.constant 0 : i32
    %c0_i32_1 = arith.constant 0 : i32
    return %c0_i32, %c0_i32_0 : i32, i32
  }
  func.func @transform_8(%arg0: i32) -> (i32, i32) {
    %c0_i32 = arith.constant 0 : i32
    %c0_i32_0 = arith.constant 0 : i32
    return %arg0, %c0_i32 : i32, i32
  }
}

</mosaic_0001>

<sc_bundles>
// kernel: kernel.10.cloned.1.call-start
scs
__scs_entry_jumppad:
0x0: {  	(pc) =	sbr.rel $0x88, $3  }
0x1: {  	(tag) =	ssettag $0x0;
	lr =	simm.s32 $0x1  }
0x2: {  	[smem:$0x3F99] =	sst lr;
	_ =	strace $0xD0000000  }
0x3: {  	_ = 	snop  }
0x4: {  	_ = 	snop  }
0x5: {  	_ = 	snop  }
0x6: {  	_ = 	snop  }
0x7: {  	_ = 	snop  }
__scs_overlays_trampoline_lowered:
0x8: {  	[smem:$0x3FA8] =	sst s0  }
0x9: {  	[smem:$0x3FA9] =	sst s1  }
0xa: {  	[smem:$0x3FAA] =	sst s2  }
0xb: {  	[smem:$0x3FAB] =	sst s3  }
0xc: {  	[smem:$0x3FAC] =	sst s4  }
0xd: {  	[smem:$0x3FAD] =	sst s5  }
0xe: {  	[smem:$0x3FAE] =	sst s6  }
0xf: {  	[smem:$0x3FAF] =	sst s7  }
0x10: {  	[smem:$0x3FB0] =	sst s8  }
0x11: {  	[smem:$0x3FB1] =	sst s9;
	s0 =	simm.s32 @!p0 $0x0  }
0x12: {  	s1 =	sld [smem:$0x3F97];
	s0 =	simm.s32 @p0 $0x1  }
0x13: {  	[smem:$0x3FB2] =	sst s0;
	s0 =	simm.s32 @!p1 $0x0  }
0x14: {  	s2 =	sld [smem:$0x3F96];
	s0 =	simm.s32 @p1 $0x1  }
0x15: {  	[smem:$0x3FB3] =	sst s0;
	s0 =	simm.s32 @!p2 $0x0  }
0x16: {  	s3 =	sld [smem:$0x3FDB];
	s0 =	simm.s32 @p2 $0x1  }
0x17: {  	s4 =	simm.s32 $0x1BF5;
	[smem:$0x3FB5] =	sst s0  }
0x18: {  	s0 =	sld [smem:$0x3F98];
	_ =	swait.ge [sflag:s4], $0x0  }
0x19: {  	s7 =	sld [smem:$0x3F99]  }
0x1a: {  	s8 =	sadd.s32 $0xFFFFE003, lr  }
0x1b: {  	s9 =	sadd.s32 $0xFFFFFEF7, lr;
	s5 =	simm.s32 $0xFFFFFFFF;
	p2 =	slt.u32 s8, $0xFFFFF086  }
0x1c: {  	p1 =	slt.u32 s9, $0xF7A;
	s5 =	simm.s32 @!p2 $0x0  }
0x1d: {  	s5 =	simm.s32 @p1 $0x1;
	p0 =	seq.s32 s7, s2  }
0x1e: {  	s7 =	smul.u32 @!p0 $0xF7A, s2;
	p2 =	seq.s32 @!p0 s5, $0x0  }
0x1f: {  	s9 =	smul.u32 $0xF7A, s1;
	s8 =	simm.s32 @!p0 $0x1BF5;
	p2 =	por !p2, p0  }
0x20: {  	[sflag:s8] =	ssyncset.s32 @!p0 $0xFFFFF086;
	s6 =	sadd.s32 @!p0 s3, s7;
	s7 =	simm.s32 @!p0 $0x108  }
0x21: {  	s3 =	sadd.s32 s3, s9;
	s6 =	sadd.s32 @!p0 $0x88, s6;
	s7 =	simm.s32 @p2 $0x1082  }
0x22: {  	[simem:s7], [sflag:s8] =	dma.local @!p0 [hbm:s6], $0xF7A  }
0x23: {  	s9 =	sor.u32 $0xD0000000, s2;
	s6 =	simm.s32 $0x108;
	_ =	swait.ge @!p0 [sflag:s8], $0x0  }
0x24: {  	s3 =	sadd.s32 $0x88, s3;
	s6 =	simm.s32 @!p1 $0x1082;
	[sflag:s4] =	ssyncset.s32 $0xFFFFF086  }
0x25: {  	[simem:s6], [sflag:s4] =	dma.local [hbm:s3], $0xF7A  }
0x26: {  	[smem:$0x3F99] =	sst s1;
	(tag) =	ssettag s2;
	_ =	strace s9  }
0x27: {  	s1 =	sld [smem:$0x3FA9]  }
0x28: {  	s2 =	sld [smem:$0x3FAA]  }
0x29: {  	s4 =	sld [smem:$0x3FAC]  }
0x2a: {  	p0 =	seq.s32 s5, $0x0;
	s5 =	sld [smem:$0x3FAD]  }
0x2b: {  	s6 =	sld [smem:$0x3FAE]  }
0x2c: {  	s7 =	sld [smem:$0x3FAF]  }
0x2d: {  	s3 =	simm.s32 $0x108;
	s8 =	sld [smem:$0x3FB0]  }
0x2e: {  	s3 =	simm.s32 @!p0 $0x1082;
	s9 =	sld [smem:$0x3FB1]  }
0x2f: {  	lr =	sadd.s32 s0, s3;
	s0 =	sld [smem:$0x3FA8]  }
0x30: {  	s3 =	sld [smem:$0x3FAB]  }
0x31: {  	[smem:$0x3FB4] =	sst s10  }
0x32: {  	s10 =	sld [smem:$0x3FB2];
	_ =	sdelay $0x3  }
0x33: {  	p0 =	seq.s32 s10, $0x1;
	s10 =	sld [smem:$0x3FB4];
	_ =	sdelay $0x3  }
0x34: {  	[smem:$0x3FB4] =	sst s10  }
0x35: {  	s10 =	sld [smem:$0x3FB3];
	_ =	sdelay $0x3  }
0x36: {  	p1 =	seq.s32 s10, $0x1;
	s10 =	sld [smem:$0x3FB4];
	_ =	sdelay $0x3  }
0x37: {  	[smem:$0x3FB4] =	sst s10  }
0x38: {  	s10 =	sld [smem:$0x3FB5]  }
0x39: {  	_ = 	snop;
	(pc) =	sbr.ind lr, $3  }
0x3a: {  	_ = 	snop  }
0x3b: {  	_ = 	snop  }
0x3c: {  	p2 =	seq.s32 s10, $0x1;
	s10 =	sld [smem:$0x3FB4]  }
0x3d: {  	_ =	shalt  }
0x3e: {  	_ =	shalt  }
0x3f: {  	_ =	shalt  }
0x40: {  	_ =	shalt  }
0x41: {  	_ =	shalt  }
0x42: {  	_ =	shalt  }
0x43: {  	_ =	shalt  }
0x44: {  	_ =	shalt  }
0x45: {  	_ =	shalt  }
0x46: {  	_ =	shalt  }
0x47: {  	_ =	shalt  }
0x48: {  	_ =	shalt  }
0x49: {  	_ =	shalt  }
0x4a: {  	_ =	shalt  }
0x4b: {  	_ =	shalt  }
0x4c: {  	_ =	shalt  }
0x4d: {  	_ =	shalt  }
0x4e: {  	_ =	shalt  }
0x4f: {  	_ =	shalt  }
0x50: {  	_ =	shalt  }
0x51: {  	_ =	shalt  }
0x52: {  	_ =	shalt  }
0x53: {  	_ =	shalt  }
0x54: {  	_ =	shalt  }
0x55: {  	_ =	shalt  }
0x56: {  	_ =	shalt  }
0x57: {  	_ =	shalt  }
0x58: {  	_ =	shalt  }
0x59: {  	_ =	shalt  }
0x5a: {  	_ =	shalt  }
0x5b: {  	_ =	shalt  }
0x5c: {  	_ =	shalt  }
0x5d: {  	_ =	shalt  }
0x5e: {  	_ =	shalt  }
0x5f: {  	_ =	shalt  }
0x60: {  	_ =	shalt  }
0x61: {  	_ =	shalt  }
0x62: {  	_ =	shalt  }
0x63: {  	_ =	shalt  }
0x64: {  	_ =	shalt  }
0x65: {  	_ =	shalt  }
0x66: {  	_ =	shalt  }
0x67: {  	_ =	shalt  }
0x68: {  	_ =	shalt  }
0x69: {  	_ =	shalt  }
0x6a: {  	_ =	shalt  }
0x6b: {  	_ =	shalt  }
0x6c: {  	_ =	shalt  }
0x6d: {  	_ =	shalt  }
0x6e: {  	_ =	shalt  }
0x6f: {  	_ =	shalt  }
0x70: {  	_ =	shalt  }
0x71: {  	_ =	shalt  }
0x72: {  	_ =	shalt  }
0x73: {  	_ =	shalt  }
0x74: {  	_ =	shalt  }
0x75: {  	_ =	shalt  }
0x76: {  	_ =	shalt  }
0x77: {  	_ =	shalt  }
0x78: {  	_ =	shalt  }
0x79: {  	_ =	shalt  }
0x7a: {  	_ =	shalt  }
0x7b: {  	_ =	shalt  }
0x7c: {  	_ =	shalt  }
0x7d: {  	_ =	shalt  }
0x7e: {  	_ =	shalt  }
0x7f: {  	_ =	shalt  }
0x80: {  	_ =	shalt  }
0x81: {  	_ =	shalt  }
0x82: {  	_ =	shalt  }
0x83: {  	_ =	shalt  }
0x84: {  	_ =	shalt  }
0x85: {  	_ =	shalt  }
0x86: {  	_ =	shalt  }
0x87: {  	_ =	shalt  }
.Lfunc_end0:
.L_simem_size_0:
called_computation.1_lowered:
.L_overlay_start_0:
0x88: {  	s2 =	sld [smem:$0x3FD9]  }
0x89: {  	s3 =	sld [smem:$0x3FFE];
	_ =	sdelay $0x1  }
0x8a: {  	s1 =	srdreg.scid  }
0x8b: {  	s0 =	sand.u32 $0x1, s1  }
0x8c: {  	s17 =	sshll.u32 s0, $0xA;
	s2 =	sadd.s32 s3, s2  }
0x8d: {  	s2 =	sadd.s32 s2, s17  }
0x8e: {  	[smem:$0x3FC0] =	sst s2  }
0x8f: {  	_ = 	snop  }
0x90: {  	s2 =	sld [smem:$0x3FC9];
	(tm) =	ssettm $0x1  }
0x91: {  	s18 =	sld [smem:$0x3FFB];
	_ =	sdelay $0x3  }
0x92: {  	_ =	strace s18  }
0x93: {  	s3 =	sld [smem:$0x3FFC];
	_ =	sdelay $0x3  }
0x94: {  	_ =	strace s3  }
0x95: {  	s3 =	sld [smem:$0x3FFD];
	_ =	sdelay $0x3  }
0x96: {  	_ =	strace s3  }
0x97: {  	_ =	strace $0x8FFFFFFF  }
0x98: {  	s19 =	sld [smem:$0x3FDB];
	_ =	sdelay $0x1  }
0x99: {  	s4 =	simm.s32 $_scs_section_size  }
0x9a: {  	s5 =	simm.s32 $_size__tile_overlayer_lowered;
	s6 =	simm.s32 $_tile_overlayer_lowered  }
0x9b: {  	s22 =	simm.s32 $0x1BFF;
	s21 =	sshll.u32 s6, $0x1;
	s3 =	sadd.s32 s4, s19  }
0x9c: {  	s7 =	simm.s32 $0x0;
	s20 =	sshll.u32 s5, $0x1;
	s5 =	sadd.s32 s21, s3  }
0x9d: {  	[timem:s7], [sflag:s22] =	dma.local [hbm:s5], s20  }
0x9e: {  	_ =	swait.ge [sflag:s22], s20  }
0x9f: {  	s4 =	ssub.s32 $0x0, s20;
	[sflag:s22] =	ssyncset.done $0x0  }
0xa0: {  	[sflag:s22] =	ssyncadd.s32 s4;
	_ =	sdelay $0x1  }
0xa1: {  	s23 =	simm.s32 $0x1B8B  }
0xa2: {  	_ =	swait.ge [sflag:s23], $0x1  }
0xa3: {  	[sflag:s23] =	ssyncset.done $0x0  }
0xa4: {  	s25 =	simm.s32 $0x1B8E;
	s24 =	sld [smem:$0x3FFE];
	[sflag:s23] =	ssyncadd.s32 $0xFFFFFFFF  }
0xa5: {  	s26 =	simm.s32 $execute0_lowered;
	[smem:$0x3FD2] =	sst s25  }
0xa6: {  	s5 =	sshll.u32 s26, $0x1;
	_ =	strace $0x80000046;
	[dreg:$0x1] =	wrdreg $0xFFFFFFFF  }
0xa7: {  	s28 =	simm.s32 $_size_execute0_lowered;
	s3 =	sadd.s32 s3, s5;
	[dreg:$0x0] =	wrdreg $0x0  }
0xa8: {  	s5 =	sshll.u32 s28, $0x1;
	[dreg:$0x2] =	wrdreg s3  }
0xa9: {  	[dreg:$0x3] =	wrdreg s5  }
0xaa: {  	[dreg:$0x4] =	wrdreg $0xC0  }
0xab: {  	_ =	task [dreg:s7], $0x5FFFF  }
0xac: {  	[dreg:$0x1] =	wrdreg $0xFFFFFFFF  }
0xad: {  	[dreg:$0x0] =	wrdreg $0x60  }
0xae: {  	[dreg:$0x2] =	wrdreg s2  }
0xaf: {  	[dreg:$0x3] =	wrdreg s24  }
0xb0: {  	[dreg:$0x4] =	wrdreg $0x82000  }
0xb1: {  	[dreg:$0x5] =	wrdreg $0xA  }
0xb2: {  	_ =	task.clear_ibuf [dreg:s7], $0x6FFFF;
	_ =	strace $0x90000046  }
0xb3: {  	s29 =	simm.s32 $0xA;
	_ =	strace $0x80000048  }
0xb4: {  	_ =	swait.ge [sflag:s29], $0x1  }
0xb5: {  	[sflag:s29] =	ssyncadd.s32 $0xFFFFFFFF  }
0xb6: {  	_ =	strace $0x90000048  }
0xb7: {  	_ =	sfence  }
0xb8: {  	s30 =	sld [smem:$0x0];
	_ =	sdelay $0x2  }
0xb9: {  	s31 =	sshll.u32 s1, $0xD;
	s1 =	sshrl.u32 s1, $0x2  }
0xba: {  	s3 =	sand.u32 $0x4000, s31;
	s1 =	sadd.s32 s1, s30  }
0xbb: {  	s0 =	sor.u32 s3, s0;
	s1 =	sshll.u32 s1, $0x11  }
0xbc: {  	s0 =	sor.u32 s1, s0  }
0xbd: {  	s0 =	sadd.s32 $0x8F2B, s0  }
0xbe: {  	[sflag:s0] =	ssyncadd.remote.s32 $0x1  }
0xbf: {  	_ =	sfence.sel $0xFFFF  }
0xc0: {  	[dreg:$0x0] =	wrdreg $0xFFFFFFFF;
	(pc) =	sbr.abs _section_cstart, $3  }
0xc1: {  	[dreg:$0x1] =	wrdreg $0xFFFFFFFF  }
0xc2: {  	_ =	task.clear_ibuf [dreg:s7], $0x2FFFF;
	_ =	strace $0x9FFFFFFF  }
0xc3: {  	(tm) =	ssettm $0x7FFFFFFF  }
tec
execute0_lowered:
.L_overlay_start_1:
0x0: {  	(tag) =	ssettag $0x1  }
0x1: {  	s1 =	rddreg [dreg:$0x0]  }
0x2: {  	s0 =	rddreg [dreg:$0x1]  }
0x3: {  	s3 =	rddreg [dreg:$0x2];
	s2 =	srdreg.scid  }
0x4: {  	s14 =	stileid.u32;
	s4 =	simm.s32 $0x0;
	s28 =	simm.s32 $0x3  }
0x5: {  	s29 =	simm.s32 $0x4200;
	s30 =	simm.s32 $0x5;
	s31 =	simm.s32 $0x2  }
0x6: {  	s2 =	sand.u32 $0x1, s2;
	s5 =	smul.u32 $0x280, s14;
	[smem:$0x7FF] =	sst s4  }
0x7: {  	s11 =	sadd.s32 $0xBC00, s0;
	s7 =	sshll.u32 s14, $0x1;
	s12 =	sadd.s32 $0x1E00, s0  }
0x8: {  	s18 =	smul.u32 $0x50000, s14;
	s8 =	sadd.s32 $0x15A00, s0;
	s24 =	sshll.u32 s14, $0x5  }
0x9: {  	s6 =	smul.u32 $0x2800, s2;
	_ =	strace $0x80000047;
	s17 =	sor.u32 s2, s7  }
0xa: {  	[dreg:$0x4] =	wrdreg s8;
	s20 =	ssub.s32 $0x2, s2;
	s25 =	sadd.s32 s24, s11  }
0xb: {  	s2 =	sshll.u32 s2, $0x4;
	s26 =	sadd.s32 s24, s12;
	s24 =	simm.s32 $0x100  }
0xc: {  	s13 =	ssub.s32 $0x9E3, s17;
	s7 =	sshrl.u32 s18, $0x2;
	s9 =	sshrl.u32 s20, $0x1  }
0xd: {  	s5 =	sadd.s32 s5, s6;
	s19 =	sand.u32 $0x9E0, s13;
	s6 =	sadd.s32 s7, s3  }
0xe: {  	s18 =	ssub.s32 s20, s9;
	s13 =	sand.u32 $0x20, s13;
	s20 =	sadd.s32 s2, s26  }
0xf: {  	s26 =	simm.s32 $0x1;
	s5 =	sshll.u32 s5, $0x4;
	s7 =	sadd.s32 $0x4000, s6  }
0x10: {  	s8 =	sadd.s32 $0x8000, s6;
	s9 =	sadd.s32 $0xC000, s6;
	s10 =	sadd.s32 $0x10000, s6  }
0x11: {  	s18 =	smax.u32 s18, $0x1;
	p0 =	seq.s32 s13, $0x0;
	s0 =	sadd.s32 s5, s0  }
0x12: {  	s5 =	sor.u32 s17, s19;
	s19 =	sadd.s32 s2, s25;
	s25 =	simm.s32 $0x180  }
0x13: {  	s2 =	simm.s32 $0x4;
	s5 =	sshll.u32 s5, $0x4;
	s21 =	sadd.s32 $0x16200, s0  }
0x14: {  	s22 =	sadd.s32 $0x16A00, s0;
	s23 =	sadd.s32 $0x17200, s0;
	s16 =	sadd.s32 $0x17A00, s0  }
0x15: {  	s17 =	sadd.s32 $0x18200, s0;
	s5 =	sadd.s32 $0x1FFFFE00, s5;
	[dreg:$0x7] =	wrdreg s21  }
0x16: {  	s0 =	simm.s32 $0x6;
	[dreg:$0x8] =	wrdreg s22;
	s5 =	sand.u32 $0x9DF0, s5  }
0x17: {  	[dreg:$0x9] =	wrdreg s23;
	s21 =	simm.s32 $0x200;
	s15 =	sadd.s32 s11, s5  }
0x18: {  	s22 =	simm.s32 $0x7;
	s5 =	sadd.s32 s12, s5;
	[dreg:$0x5] =	wrdreg s15  }
0x19: {  	s23 =	simm.s32 $0x80;
	[dreg:$0x6] =	wrdreg s5;
	s5 =	simm.s32 $0x0  }
.LBB2_1:
0x1a: {  	s11 =	rddreg [dreg:$0x4]  }
0x1b: {  	[tilespmem:s21], [sflag:$0x7] =	stream.linear.gather [hbm4b:s11+s4], $0x4000, $0x38;
	[tilespmem:$0x1C200] =	vst v63  }
0x1c: {  	_ =	swait.ge [sflag:s22], $0x4000  }
0x1d: {  	[sflag:s22] =	ssyncset.done $0x0  }
0x1e: {  	[sflag:s22] =	ssyncadd.s32 $0xFFFFC000  }
0x1f: {  	[spmem:s6] =	stream.linear.scatter [tilespmem:s21], [sflag:$0x7], $0x4000, $0x38;
	[tilespmem:$0x1C200] =	vst v63  }
0x20: {  	_ =	swait.ge [sflag:s22], $0x4000  }
0x21: {  	[sflag:s22] =	ssyncset.done $0x0  }
0x22: {  	[sflag:s22] =	ssyncadd.s32 $0xFFFFC000  }
0x23: {  	[spmem:s7] =	stream.linear.scatter [tilespmem:s21], [sflag:$0x7], $0x4000, $0x38;
	[tilespmem:$0x1C200] =	vst v63  }
0x24: {  	_ =	swait.ge [sflag:s22], $0x4000  }
0x25: {  	[sflag:s22] =	ssyncset.done $0x0  }
0x26: {  	[sflag:s22] =	ssyncadd.s32 $0xFFFFC000  }
0x27: {  	[spmem:s8] =	stream.linear.scatter [tilespmem:s21], [sflag:$0x7], $0x4000, $0x38;
	[tilespmem:$0x1C200] =	vst v63  }
0x28: {  	_ =	swait.ge [sflag:s22], $0x4000  }
0x29: {  	[sflag:s22] =	ssyncset.done $0x0  }
0x2a: {  	[sflag:s22] =	ssyncadd.s32 $0xFFFFC000  }
0x2b: {  	[spmem:s9] =	stream.linear.scatter [tilespmem:s21], [sflag:$0x7], $0x4000, $0x38;
	[tilespmem:$0x1C200] =	vst v63  }
0x2c: {  	_ =	swait.ge [sflag:s22], $0x4000  }
0x2d: {  	[sflag:s22] =	ssyncset.done $0x0  }
0x2e: {  	[sflag:s22] =	ssyncadd.s32 $0xFFFFC000  }
0x2f: {  	[spmem:s10] =	stream.linear.scatter [tilespmem:s21], [sflag:$0x7], $0x4000, $0x38;
	[tilespmem:$0x1C200] =	vst v63  }
0x30: {  	_ =	swait.ge [sflag:s22], $0x4000  }
0x31: {  	[sflag:s22] =	ssyncset.done $0x0  }
0x32: {  	[sflag:s22] =	ssyncadd.s32 $0xFFFFC000  }
0x33: {  	s14 =	sadd.s32 $0x0, s19;
	[bflag:$0x0] =	sbarrier.arrive $0xFFFF  }
0x34: {  	[tilespmem:s4], [sflag:$0x1] =	stream.linear.gather [hbm4b:s14+s4], $0x80, $0x38;
	[tilespmem:$0x1C200] =	vst v63  }
0x35: {  	s12 =	sadd.s32 $0x0, s20  }
0x36: {  	[tilespmem:s23], [sflag:$0x2] =	stream.linear.gather [hbm4b:s12+s4], $0x80, $0x38;
	[tilespmem:$0x1C200] =	vst v63  }
0x37: {  	s11 =	sadd.s32 $0x200, s14  }
0x38: {  	[tilespmem:s24], [sflag:$0x3] =	stream.linear.gather [hbm4b:s11+s4], $0x80, $0x38;
	[tilespmem:$0x1C200] =	vst v63  }
0x39: {  	s15 =	sadd.s32 $0x200, s12  }
0x3a: {  	[tilespmem:s25], [sflag:$0x4] =	stream.linear.gather [hbm4b:s15+s4], $0x80, $0x38;
	[tilespmem:$0x1C200] =	vst v63  }
0x3b: {  	_ =	swait.ge [sflag:s26], $0x80  }
0x3c: {  	[sflag:s26] =	ssyncset.done $0x0  }
0x3d: {  	[sflag:s26] =	ssyncadd.s32 $0xFFFFFF80  }
0x3e: {  	[tilespmem:s21], [sflag:$0x5] =	stream.indirect.gather [hbm4b:s1+s23], $0x80, s4, s23, $0xb8;
	[tilespmem:$0x1C200] =	vst v63  }
0x3f: {  	_ =	swait.ge [sflag:s28], $0x80  }
0x40: {  	[sflag:s28] =	ssyncset.done $0x0  }
0x41: {  	[sflag:s28] =	ssyncadd.s32 $0xFFFFFF80  }
0x42: {  	[tilespmem:s29], [sflag:$0x6] =	stream.indirect.gather [hbm4b:s1+s23], $0x80, s24, s23, $0xb8;
	[tilespmem:$0x1C200] =	vst v63  }
0x43: {  	_ =	swait.ge [sflag:s30], $0x4000  }
0x44: {  	[sflag:s30] =	ssyncset.done $0x0  }
0x45: {  	[sflag:s30] =	ssyncadd.s32 $0xFFFFC000  }
0x46: {  	_ =	swait.ge [sflag:s31], $0x80  }
0x47: {  	[sflag:s31] =	ssyncset.done $0x0  }
0x48: {  	[sflag:s31] =	ssyncadd.s32 $0xFFFFFF80  }
0x49: {  	[spmem:s3] =	stream.indirect.scatter.add.f32 [tilespmem:s21], [sflag:$0x7], $0x80, s23, s23, $0xb8;
	[tilespmem:$0x1C200] =	vst v63  }
0x4a: {  	_ =	swait.ge [sflag:s22], $0x4000  }
0x4b: {  	[sflag:s22] =	ssyncset.done $0x0  }
0x4c: {  	[sflag:s22] =	ssyncadd.s32 $0xFFFFC000  }
0x4d: {  	_ =	swait.ge [sflag:s0], $0x4000  }
0x4e: {  	[sflag:s0] =	ssyncset.done $0x0  }
0x4f: {  	[sflag:s0] =	ssyncadd.s32 $0xFFFFC000  }
0x50: {  	_ =	swait.ge [sflag:s2], $0x80  }
0x51: {  	[sflag:s2] =	ssyncset.done $0x0  }
0x52: {  	[sflag:s2] =	ssyncadd.s32 $0xFFFFFF80  }
0x53: {  	[spmem:s3] =	stream.indirect.scatter.add.f32 [tilespmem:s29], [sflag:$0x7], $0x80, s25, s23, $0xb8;
	[tilespmem:$0x1C200] =	vst v63  }
0x54: {  	_ =	swait.ge [sflag:s22], $0x4000  }
0x55: {  	s12 =	simm.s32 $0x800;
	s11 =	simm.s32 $0x400;
	[sflag:s22] =	ssyncset.done $0x0  }
.LBB2_2:
0x56: {  	s14 =	sadd.s32 s11, s19  }
0x57: {  	[sflag:s22] =	ssyncadd.s32 $0xFFFFC000;
	s15 =	smov.u32 s12;
	s13 =	sadd.s32 $0x400, s12  }
0x58: {  	[tilespmem:s4], [sflag:$0x1] =	stream.linear.gather [hbm4b:s14+s4], $0x80, $0x38;
	[tilespmem:$0x1C200] =	vst v63  }
0x59: {  	p1 =	sne.s32 s12, $0x9800;
	s12 =	sadd.s32 s11, s20;
	s11 =	smov.u32 s15  }
0x5a: {  	[tilespmem:s23], [sflag:$0x2] =	stream.linear.gather [hbm4b:s12+s4], $0x80, $0x38;
	[tilespmem:$0x1C200] =	vst v63  }
0x5b: {  	s14 =	sadd.s32 $0x200, s14  }
0x5c: {  	[tilespmem:s24], [sflag:$0x3] =	stream.linear.gather [hbm4b:s14+s4], $0x80, $0x38;
	[tilespmem:$0x1C200] =	vst v63  }
0x5d: {  	s12 =	sadd.s32 $0x200, s12  }
0x5e: {  	[tilespmem:s25], [sflag:$0x4] =	stream.linear.gather [hbm4b:s12+s4], $0x80, $0x38;
	[tilespmem:$0x1C200] =	vst v63  }
0x5f: {  	_ =	swait.ge [sflag:s26], $0x80  }
0x60: {  	[sflag:s26] =	ssyncset.done $0x0  }
0x61: {  	[sflag:s26] =	ssyncadd.s32 $0xFFFFFF80  }
0x62: {  	[tilespmem:s21], [sflag:$0x5] =	stream.indirect.gather [hbm4b:s1+s23], $0x80, s4, s23, $0xb8;
	[tilespmem:$0x1C200] =	vst v63  }
0x63: {  	_ =	swait.ge [sflag:s28], $0x80  }
0x64: {  	[sflag:s28] =	ssyncset.done $0x0  }
0x65: {  	[sflag:s28] =	ssyncadd.s32 $0xFFFFFF80  }
0x66: {  	[tilespmem:s29], [sflag:$0x6] =	stream.indirect.gather [hbm4b:s1+s23], $0x80, s24, s23, $0xb8;
	[tilespmem:$0x1C200] =	vst v63  }
0x67: {  	_ =	swait.ge [sflag:s30], $0x4000  }
0x68: {  	[sflag:s30] =	ssyncset.done $0x0  }
0x69: {  	[sflag:s30] =	ssyncadd.s32 $0xFFFFC000  }
0x6a: {  	_ =	swait.ge [sflag:s31], $0x80  }
0x6b: {  	[sflag:s31] =	ssyncset.done $0x0  }
0x6c: {  	[sflag:s31] =	ssyncadd.s32 $0xFFFFFF80  }
0x6d: {  	[spmem:s3] =	stream.indirect.scatter.add.f32 [tilespmem:s21], [sflag:$0x7], $0x80, s23, s23, $0xb8;
	[tilespmem:$0x1C200] =	vst v63  }
0x6e: {  	_ =	swait.ge [sflag:s22], $0x4000  }
0x6f: {  	[sflag:s22] =	ssyncset.done $0x0  }
0x70: {  	[sflag:s22] =	ssyncadd.s32 $0xFFFFC000  }
0x71: {  	_ =	swait.ge [sflag:s0], $0x4000  }
0x72: {  	[sflag:s0] =	ssyncset.done $0x0  }
0x73: {  	[sflag:s0] =	ssyncadd.s32 $0xFFFFC000  }
0x74: {  	_ =	swait.ge [sflag:s2], $0x80  }
.Ltmp0:
0x75: {  	[sflag:s2] =	ssyncset.done $0x0;
	(pc) =	sbr.rel @p1 .LBB2_2-.Ltmp0, $4  }
0x76: {  	[sflag:s2] =	ssyncadd.s32 $0xFFFFFF80  }
0x77: {  	[spmem:s3] =	stream.indirect.scatter.add.f32 [tilespmem:s29], [sflag:$0x7], $0x80, s25, s23, $0xb8;
	[tilespmem:$0x1C200] =	vst v63  }
0x78: {  	_ =	swait.ge [sflag:s22], $0x4000  }
0x79: {  	s12 =	smov.u32 s13;
	[sflag:s22] =	ssyncset.done $0x0  }
0x7a: {  	s12 =	sadd.s32 s11, s19;
	[sflag:s22] =	ssyncadd.s32 $0xFFFFC000  }
0x7b: {  	[tilespmem:s4], [sflag:$0x1] =	stream.linear.gather [hbm4b:s12+s4], $0x80, $0x38;
	[tilespmem:$0x1C200] =	vst v63  }
0x7c: {  	s15 =	sadd.s32 s11, s20  }
0x7d: {  	[tilespmem:s23], [sflag:$0x2] =	stream.linear.gather [hbm4b:s15+s4], $0x80, $0x38;
	[tilespmem:$0x1C200] =	vst v63  }
0x7e: {  	s12 =	sadd.s32 $0x200, s12  }
0x7f: {  	[tilespmem:s24], [sflag:$0x3] =	stream.linear.gather [hbm4b:s12+s4], $0x80, $0x38;
	[tilespmem:$0x1C200] =	vst v63  }
0x80: {  	s11 =	sadd.s32 $0x200, s15  }
0x81: {  	[tilespmem:s25], [sflag:$0x4] =	stream.linear.gather [hbm4b:s11+s4], $0x80, $0x38;
	[tilespmem:$0x1C200] =	vst v63  }
0x82: {  	_ =	swait.ge [sflag:s26], $0x80  }
0x83: {  	[sflag:s26] =	ssyncset.done $0x0  }
0x84: {  	[sflag:s26] =	ssyncadd.s32 $0xFFFFFF80  }
0x85: {  	[tilespmem:s21], [sflag:$0x5] =	stream.indirect.gather [hbm4b:s1+s23], $0x80, s4, s23, $0xb8;
	[tilespmem:$0x1C200] =	vst v63  }
0x86: {  	_ =	swait.ge [sflag:s28], $0x80  }
0x87: {  	[sflag:s28] =	ssyncset.done $0x0  }
0x88: {  	[sflag:s28] =	ssyncadd.s32 $0xFFFFFF80  }
0x89: {  	[tilespmem:s29], [sflag:$0x6] =	stream.indirect.gather [hbm4b:s1+s23], $0x80, s24, s23, $0xb8;
	[tilespmem:$0x1C200] =	vst v63  }
0x8a: {  	_ =	swait.ge [sflag:s30], $0x4000  }
0x8b: {  	[sflag:s30] =	ssyncset.done $0x0  }
0x8c: {  	[sflag:s30] =	ssyncadd.s32 $0xFFFFC000  }
0x8d: {  	_ =	swait.ge [sflag:s31], $0x80  }
0x8e: {  	[sflag:s31] =	ssyncset.done $0x0  }
0x8f: {  	[sflag:s31] =	ssyncadd.s32 $0xFFFFFF80  }
0x90: {  	[spmem:s3] =	stream.indirect.scatter.add.f32 [tilespmem:s21], [sflag:$0x7], $0x80, s23, s23, $0xb8;
	[tilespmem:$0x1C200] =	vst v63  }
0x91: {  	_ =	swait.ge [sflag:s22], $0x4000  }
0x92: {  	[sflag:s22] =	ssyncset.done $0x0  }
0x93: {  	[sflag:s22] =	ssyncadd.s32 $0xFFFFC000  }
0x94: {  	_ =	swait.ge [sflag:s0], $0x4000  }
0x95: {  	[sflag:s0] =	ssyncset.done $0x0  }
0x96: {  	[sflag:s0] =	ssyncadd.s32 $0xFFFFC000  }
0x97: {  	_ =	swait.ge [sflag:s2], $0x80  }
0x98: {  	[sflag:s2] =	ssyncset.done $0x0  }
0x99: {  	[sflag:s2] =	ssyncadd.s32 $0xFFFFFF80  }
0x9a: {  	[spmem:s3] =	stream.indirect.scatter.add.f32 [tilespmem:s29], [sflag:$0x7], $0x80, s25, s23, $0xb8;
	[tilespmem:$0x1C200] =	vst v63  }
0x9b: {  	_ =	swait.ge [sflag:s22], $0x4000  }
0x9c: {  	[sflag:s22] =	ssyncset.done $0x0  }
0x9d: {  	s11 =	simm.s32 @!p0 $0x0;
	s12 =	rddreg [dreg:$0x5];
	[sflag:s22] =	ssyncadd.s32 $0xFFFFC000  }
0x9e: {  	[tilespmem:s11], [sflag:$0x7] =	stream.linear.gather @!p0 [hbm4b:s12+s11], $0x80, $0x38;
	[tilespmem:$0x1C200] =	vst v63  }
0x9f: {  	s12 =	simm.s32 @!p0 $0x7  }
0xa0: {  	_ =	swait.ge @!p0 [sflag:s12], $0x80  }
0xa1: {  	[sflag:s12] =	ssyncset.done @!p0 $0x0  }
0xa2: {  	s13 =	simm.s32 @!p0 $0x80;
	s14 =	rddreg [dreg:$0x6];
	[sflag:s12] =	ssyncadd.s32 @!p0 $0xFFFFFF80  }
0xa3: {  	[tilespmem:s13], [sflag:$0x7] =	stream.linear.gather @!p0 [hbm4b:s14+s11], $0x80, $0x38;
	[tilespmem:$0x1C200] =	vst v63  }
0xa4: {  	_ =	swait.ge @!p0 [sflag:s12], $0x80  }
0xa5: {  	[sflag:s12] =	ssyncset.done @!p0 $0x0  }
0xa6: {  	s14 =	simm.s32 @!p0 $0x200;
	[sflag:s12] =	ssyncadd.s32 @!p0 $0xFFFFFF80  }
0xa7: {  	[tilespmem:s14], [sflag:$0x5] =	stream.indirect.gather @!p0 [hbm4b:s1+s13], $0x80, s11, s13, $0xb8;
	[tilespmem:$0x1C200] =	vst v63  }
0xa8: {  	s11 =	simm.s32 @!p0 $0x5  }
0xa9: {  	_ =	swait.ge @!p0 [sflag:s11], $0x4000  }
0xaa: {  	[sflag:s11] =	ssyncset.done @!p0 $0x0  }
0xab: {  	[sflag:s11] =	ssyncadd.s32 @!p0 $0xFFFFC000  }
0xac: {  	[spmem:s3] =	stream.indirect.scatter.add.f32 @!p0 [tilespmem:s14], [sflag:$0x7], $0x80, s13, s13, $0xb8;
	[tilespmem:$0x1C200] =	vst v63  }
0xad: {  	_ =	swait.ge @!p0 [sflag:s12], $0x4000  }
0xae: {  	[sflag:s12] =	ssyncset.done @!p0 $0x0  }
0xaf: {  	[sflag:s12] =	ssyncadd.s32 @!p0 $0xFFFFC000  }
0xb0: {  	[bflag:$0x0] =	sbarrier.arrive $0xFFFF  }
0xb1: {  	[tilespmem:s21], [sflag:$0x7] =	stream.linear.gather [spmem:s6], $0x4000, $0x38;
	[tilespmem:$0x1C200] =	vst v63  }
0xb2: {  	_ =	swait.ge [sflag:s22], $0x4000  }
0xb3: {  	[sflag:s22] =	ssyncset.done $0x0  }
0xb4: {  	s13 =	rddreg [dreg:$0x7];
	[sflag:s22] =	ssyncadd.s32 $0xFFFFC000  }
0xb5: {  	[hbm4b:s13+s4] =	stream.linear.scatter [tilespmem:s21], [sflag:$0x7], $0x4000, $0x38;
	[tilespmem:$0x1C200] =	vst v63  }
0xb6: {  	_ =	swait.ge [sflag:s22], $0x4000  }
0xb7: {  	[sflag:s22] =	ssyncset.done $0x0  }
0xb8: {  	[sflag:s22] =	ssyncadd.s32 $0xFFFFC000  }
0xb9: {  	[tilespmem:s21], [sflag:$0x7] =	stream.linear.gather [spmem:s7], $0x4000, $0x38;
	[tilespmem:$0x1C200] =	vst v63  }
0xba: {  	_ =	swait.ge [sflag:s22], $0x4000  }
0xbb: {  	[sflag:s22] =	ssyncset.done $0x0  }
0xbc: {  	s14 =	rddreg [dreg:$0x8];
	[sflag:s22] =	ssyncadd.s32 $0xFFFFC000  }
0xbd: {  	[hbm4b:s14+s4] =	stream.linear.scatter [tilespmem:s21], [sflag:$0x7], $0x4000, $0x38;
	[tilespmem:$0x1C200] =	vst v63  }
0xbe: {  	_ =	swait.ge [sflag:s22], $0x4000  }
0xbf: {  	[sflag:s22] =	ssyncset.done $0x0  }
0xc0: {  	[sflag:s22] =	ssyncadd.s32 $0xFFFFC000  }
0xc1: {  	[tilespmem:s21], [sflag:$0x7] =	stream.linear.gather [spmem:s8], $0x4000, $0x38;
	[tilespmem:$0x1C200] =	vst v63  }
0xc2: {  	_ =	swait.ge [sflag:s22], $0x4000  }
0xc3: {  	[sflag:s22] =	ssyncset.done $0x0  }
0xc4: {  	s15 =	rddreg [dreg:$0x9];
	[sflag:s22] =	ssyncadd.s32 $0xFFFFC000  }
0xc5: {  	[hbm4b:s15+s4] =	stream.linear.scatter [tilespmem:s21], [sflag:$0x7], $0x4000, $0x38;
	[tilespmem:$0x1C200] =	vst v63  }
0xc6: {  	_ =	swait.ge [sflag:s22], $0x4000  }
0xc7: {  	[sflag:s22] =	ssyncset.done $0x0  }
0xc8: {  	[sflag:s22] =	ssyncadd.s32 $0xFFFFC000  }
0xc9: {  	[tilespmem:s21], [sflag:$0x7] =	stream.linear.gather [spmem:s9], $0x4000, $0x38;
	[tilespmem:$0x1C200] =	vst v63  }
0xca: {  	_ =	swait.ge [sflag:s22], $0x4000  }
0xcb: {  	[sflag:s22] =	ssyncset.done $0x0  }
0xcc: {  	[sflag:s22] =	ssyncadd.s32 $0xFFFFC000  }
0xcd: {  	[hbm4b:s16+s4] =	stream.linear.scatter [tilespmem:s21], [sflag:$0x7], $0x4000, $0x38;
	[tilespmem:$0x1C200] =	vst v63  }
0xce: {  	_ =	swait.ge [sflag:s22], $0x4000  }
0xcf: {  	[sflag:s22] =	ssyncset.done $0x0  }
0xd0: {  	[sflag:s22] =	ssyncadd.s32 $0xFFFFC000  }
0xd1: {  	[tilespmem:s21], [sflag:$0x7] =	stream.linear.gather [spmem:s10], $0x4000, $0x38;
	[tilespmem:$0x1C200] =	vst v63  }
0xd2: {  	s5 =	sadd.s32 $0x1, s5;
	_ =	swait.ge [sflag:s22], $0x4000  }
0xd3: {  	p1 =	sne.s32 s5, s18;
	[sflag:s22] =	ssyncset.done $0x0  }
.Ltmp1:
0xd4: {  	[sflag:s22] =	ssyncadd.s32 $0xFFFFC000;
	(pc) =	sbr.rel @p1 .LBB2_1-.Ltmp1, $4  }
0xd5: {  	[hbm4b:s17+s4] =	stream.linear.scatter [tilespmem:s21], [sflag:$0x7], $0x4000, $0x38;
	[tilespmem:$0x1C200] =	vst v63  }
0xd6: {  	_ =	swait.ge [sflag:s22], $0x4000  }
0xd7: {  	[sflag:s22] =	ssyncset.done $0x0  }
0xd8: {  	[sflag:s22] =	ssyncadd.s32 $0xFFFFC000  }
0xd9: {  	_ =	sfence.sel $0x180000  }
0xda: {  	[bflag:$0x0] =	sbarrier.arrive $0xFFFF  }
0xdb: {  	_ =	strace $0x90000047  }
0xdc: {  	s0 =	stileid.u32;
	[bflag:$0x2] =	sbarrier.arrive $0xFFFF  }
0xdd: {  	p0 =	sne.s32 s0, $0x0;
	s0 =	rddreg [dreg:$0x3]  }
0xde: {  	s0 =	sadd.s32 @!p0 $0x100000, s0  }
0xdf: {  	[sflag:s0] =	ssyncadd.tile.s32 @!p0 $0x1;
	_ =	shalt  }
.Lfunc_end2:
_tile_overlayer_lowered:
.L_overlay_start_2:
0xe0: {  	(tag) =	ssettag $0x2  }
0xe1: {  	s0 =	rddreg [dreg:$0x0];
	s2 =	stileid.u32  }
0xe2: {  	s1 =	rddreg [dreg:$0x1];
	p0 =	sne.s32 s2, $0x0  }
0xe3: {  	s3 =	rddreg [dreg:$0x2];
	[bflag:$0x3] =	sbarrier.arrive $0xFFFF;
	s2 =	simm.s32 @!p0 $0x1C07  }
0xe4: {  	[timem:s3], [sflag:s2] =	dma.local @!p0 [hbm:s0], s1  }
0xe5: {  	s0 =	simm.s32 @!p0 $0x7  }
0xe6: {  	_ =	swait.ge @!p0 [sflag:s0], s1  }
0xe7: {  	s1 =	ssub.s32 @!p0 $0x0, s1;
	[sflag:s0] =	ssyncset.done @!p0 $0x0  }
0xe8: {  	[sflag:s0] =	ssyncadd.s32 @!p0 s1  }
0xe9: {  	[bflag:$0x3] =	sbarrier.arrive $0xFFFF  }
0xea: {  	_ =	shalt  }

// kernel: kernel.13.cloned.1.call-start
scs
__scs_entry_jumppad:
0x0: {  	(pc) =	sbr.rel $0x88, $3  }
0x1: {  	(tag) =	ssettag $0x0;
	lr =	simm.s32 $0x1  }
0x2: {  	[smem:$0x3F99] =	sst lr;
	_ =	strace $0xD0000000  }
0x3: {  	_ = 	snop  }
0x4: {  	_ = 	snop  }
0x5: {  	_ = 	snop  }
0x6: {  	_ = 	snop  }
0x7: {  	_ = 	snop  }
__scs_overlays_trampoline_lowered:
0x8: {  	[smem:$0x3FA8] =	sst s0  }
0x9: {  	[smem:$0x3FA9] =	sst s1  }
0xa: {  	[smem:$0x3FAA] =	sst s2  }
0xb: {  	[smem:$0x3FAB] =	sst s3  }
0xc: {  	[smem:$0x3FAC] =	sst s4  }
0xd: {  	[smem:$0x3FAD] =	sst s5  }
0xe: {  	[smem:$0x3FAE] =	sst s6  }
0xf: {  	[smem:$0x3FAF] =	sst s7  }
0x10: {  	[smem:$0x3FB0] =	sst s8  }
0x11: {  	[smem:$0x3FB1] =	sst s9;
	s0 =	simm.s32 @!p0 $0x0  }
0x12: {  	s1 =	sld [smem:$0x3F97];
	s0 =	simm.s32 @p0 $0x1  }
0x13: {  	[smem:$0x3FB2] =	sst s0;
	s0 =	simm.s32 @!p1 $0x0  }
0x14: {  	s2 =	sld [smem:$0x3F96];
	s0 =	simm.s32 @p1 $0x1  }
0x15: {  	[smem:$0x3FB3] =	sst s0;
	s0 =	simm.s32 @!p2 $0x0  }
0x16: {  	s3 =	sld [smem:$0x3FDB];
	s0 =	simm.s32 @p2 $0x1  }
0x17: {  	s4 =	simm.s32 $0x1BF5;
	[smem:$0x3FB5] =	sst s0  }
0x18: {  	s0 =	sld [smem:$0x3F98];
	_ =	swait.ge [sflag:s4], $0x0  }
0x19: {  	s7 =	sld [smem:$0x3F99]  }
0x1a: {  	s8 =	sadd.s32 $0xFFFFE003, lr  }
0x1b: {  	s9 =	sadd.s32 $0xFFFFFEF7, lr;
	s5 =	simm.s32 $0xFFFFFFFF;
	p2 =	slt.u32 s8, $0xFFFFF086  }
0x1c: {  	p1 =	slt.u32 s9, $0xF7A;
	s5 =	simm.s32 @!p2 $0x0  }
0x1d: {  	s5 =	simm.s32 @p1 $0x1;
	p0 =	seq.s32 s7, s2  }
0x1e: {  	s7 =	smul.u32 @!p0 $0xF7A, s2;
	p2 =	seq.s32 @!p0 s5, $0x0  }
0x1f: {  	s9 =	smul.u32 $0xF7A, s1;
	s8 =	simm.s32 @!p0 $0x1BF5;
	p2 =	por !p2, p0  }
0x20: {  	[sflag:s8] =	ssyncset.s32 @!p0 $0xFFFFF086;
	s6 =	sadd.s32 @!p0 s3, s7;
	s7 =	simm.s32 @!p0 $0x108  }
0x21: {  	s3 =	sadd.s32 s3, s9;
	s6 =	sadd.s32 @!p0 $0x88, s6;
	s7 =	simm.s32 @p2 $0x1082  }
0x22: {  	[simem:s7], [sflag:s8] =	dma.local @!p0 [hbm:s6], $0xF7A  }
0x23: {  	s9 =	sor.u32 $0xD0000000, s2;
	s6 =	simm.s32 $0x108;
	_ =	swait.ge @!p0 [sflag:s8], $0x0  }
0x24: {  	s3 =	sadd.s32 $0x88, s3;
	s6 =	simm.s32 @!p1 $0x1082;
	[sflag:s4] =	ssyncset.s32 $0xFFFFF086  }
0x25: {  	[simem:s6], [sflag:s4] =	dma.local [hbm:s3], $0xF7A  }
0x26: {  	[smem:$0x3F99] =	sst s1;
	(tag) =	ssettag s2;
	_ =	strace s9  }
0x27: {  	s1 =	sld [smem:$0x3FA9]  }
0x28: {  	s2 =	sld [smem:$0x3FAA]  }
0x29: {  	s4 =	sld [smem:$0x3FAC]  }
0x2a: {  	p0 =	seq.s32 s5, $0x0;
	s5 =	sld [smem:$0x3FAD]  }
0x2b: {  	s6 =	sld [smem:$0x3FAE]  }
0x2c: {  	s7 =	sld [smem:$0x3FAF]  }
0x2d: {  	s3 =	simm.s32 $0x108;
	s8 =	sld [smem:$0x3FB0]  }
0x2e: {  	s3 =	simm.s32 @!p0 $0x1082;
	s9 =	sld [smem:$0x3FB1]  }
0x2f: {  	lr =	sadd.s32 s0, s3;
	s0 =	sld [smem:$0x3FA8]  }
0x30: {  	s3 =	sld [smem:$0x3FAB]  }
0x31: {  	[smem:$0x3FB4] =	sst s10  }
0x32: {  	s10 =	sld [smem:$0x3FB2];
	_ =	sdelay $0x3  }
0x33: {  	p0 =	seq.s32 s10, $0x1;
	s10 =	sld [smem:$0x3FB4];
	_ =	sdelay $0x3  }
0x34: {  	[smem:$0x3FB4] =	sst s10  }
0x35: {  	s10 =	sld [smem:$0x3FB3];
	_ =	sdelay $0x3  }
0x36: {  	p1 =	seq.s32 s10, $0x1;
	s10 =	sld [smem:$0x3FB4];
	_ =	sdelay $0x3  }
0x37: {  	[smem:$0x3FB4] =	sst s10  }
0x38: {  	s10 =	sld [smem:$0x3FB5]  }
0x39: {  	_ = 	snop;
	(pc) =	sbr.ind lr, $3  }
0x3a: {  	_ = 	snop  }
0x3b: {  	_ = 	snop  }
0x3c: {  	p2 =	seq.s32 s10, $0x1;
	s10 =	sld [smem:$0x3FB4]  }
0x3d: {  	_ =	shalt  }
0x3e: {  	_ =	shalt  }
0x3f: {  	_ =	shalt  }
0x40: {  	_ =	shalt  }
0x41: {  	_ =	shalt  }
0x42: {  	_ =	shalt  }
0x43: {  	_ =	shalt  }
0x44: {  	_ =	shalt  }
0x45: {  	_ =	shalt  }
0x46: {  	_ =	shalt  }
0x47: {  	_ =	shalt  }
0x48: {  	_ =	shalt  }
0x49: {  	_ =	shalt  }
0x4a: {  	_ =	shalt  }
0x4b: {  	_ =	shalt  }
0x4c: {  	_ =	shalt  }
0x4d: {  	_ =	shalt  }
0x4e: {  	_ =	shalt  }
0x4f: {  	_ =	shalt  }
0x50: {  	_ =	shalt  }
0x51: {  	_ =	shalt  }
0x52: {  	_ =	shalt  }
0x53: {  	_ =	shalt  }
0x54: {  	_ =	shalt  }
0x55: {  	_ =	shalt  }
0x56: {  	_ =	shalt  }
0x57: {  	_ =	shalt  }
0x58: {  	_ =	shalt  }
0x59: {  	_ =	shalt  }
0x5a: {  	_ =	shalt  }
0x5b: {  	_ =	shalt  }
0x5c: {  	_ =	shalt  }
0x5d: {  	_ =	shalt  }
0x5e: {  	_ =	shalt  }
0x5f: {  	_ =	shalt  }
0x60: {  	_ =	shalt  }
0x61: {  	_ =	shalt  }
0x62: {  	_ =	shalt  }
0x63: {  	_ =	shalt  }
0x64: {  	_ =	shalt  }
0x65: {  	_ =	shalt  }
0x66: {  	_ =	shalt  }
0x67: {  	_ =	shalt  }
0x68: {  	_ =	shalt  }
0x69: {  	_ =	shalt  }
0x6a: {  	_ =	shalt  }
0x6b: {  	_ =	shalt  }
0x6c: {  	_ =	shalt  }
0x6d: {  	_ =	shalt  }
0x6e: {  	_ =	shalt  }
0x6f: {  	_ =	shalt  }
0x70: {  	_ =	shalt  }
0x71: {  	_ =	shalt  }
0x72: {  	_ =	shalt  }
0x73: {  	_ =	shalt  }
0x74: {  	_ =	shalt  }
0x75: {  	_ =	shalt  }
0x76: {  	_ =	shalt  }
0x77: {  	_ =	shalt  }
0x78: {  	_ =	shalt  }
0x79: {  	_ =	shalt  }
0x7a: {  	_ =	shalt  }
0x7b: {  	_ =	shalt  }
0x7c: {  	_ =	shalt  }
0x7d: {  	_ =	shalt  }
0x7e: {  	_ =	shalt  }
0x7f: {  	_ =	shalt  }
0x80: {  	_ =	shalt  }
0x81: {  	_ =	shalt  }
0x82: {  	_ =	shalt  }
0x83: {  	_ =	shalt  }
0x84: {  	_ =	shalt  }
0x85: {  	_ =	shalt  }
0x86: {  	_ =	shalt  }
0x87: {  	_ =	shalt  }
.Lfunc_end0:
.L_simem_size_0:
called_computation.2_lowered:
.L_overlay_start_0:
0x88: {  	s2 =	sld [smem:$0x3FD9]  }
0x89: {  	s3 =	sld [smem:$0x3FFE];
	_ =	sdelay $0x1  }
0x8a: {  	s1 =	srdreg.scid  }
0x8b: {  	s0 =	sand.u32 $0x1, s1  }
0x8c: {  	s16 =	sshll.u32 s0, $0xA;
	s2 =	sadd.s32 s3, s2  }
0x8d: {  	s2 =	sadd.s32 s2, s16  }
0x8e: {  	[smem:$0x3FC0] =	sst s2  }
0x8f: {  	_ = 	snop  }
0x90: {  	(tm) =	ssettm $0x1  }
0x91: {  	s17 =	sld [smem:$0x3FFB];
	_ =	sdelay $0x3  }
0x92: {  	_ =	strace s17  }
0x93: {  	s2 =	sld [smem:$0x3FFC];
	_ =	sdelay $0x3  }
0x94: {  	_ =	strace s2  }
0x95: {  	s2 =	sld [smem:$0x3FFD];
	_ =	sdelay $0x3  }
0x96: {  	_ =	strace s2  }
0x97: {  	_ =	strace $0x8FFFFFFF  }
0x98: {  	s18 =	sld [smem:$0x3FDB];
	_ =	sdelay $0x1  }
0x99: {  	s19 =	simm.s32 $_scs_section_size  }
0x9a: {  	s4 =	simm.s32 $_size__tile_overlayer_lowered;
	s5 =	simm.s32 $_tile_overlayer_lowered  }
0x9b: {  	s22 =	simm.s32 $0x1BFF;
	s21 =	sshll.u32 s5, $0x1;
	s2 =	sadd.s32 s19, s18  }
0x9c: {  	s6 =	simm.s32 $0x0;
	s20 =	sshll.u32 s4, $0x1;
	s4 =	sadd.s32 s21, s2  }
0x9d: {  	[timem:s6], [sflag:s22] =	dma.local [hbm:s4], s20  }
0x9e: {  	_ =	swait.ge [sflag:s22], s20  }
0x9f: {  	s3 =	ssub.s32 $0x0, s20;
	[sflag:s22] =	ssyncset.done $0x0  }
0xa0: {  	[sflag:s22] =	ssyncadd.s32 s3;
	_ =	sdelay $0x1  }
0xa1: {  	s23 =	simm.s32 $0x1B8B  }
0xa2: {  	_ =	swait.ge [sflag:s23], $0x1  }
0xa3: {  	[sflag:s23] =	ssyncset.done $0x0  }
0xa4: {  	s25 =	simm.s32 $0x1B8E;
	s24 =	sld [smem:$0x3FFE];
	[sflag:s23] =	ssyncadd.s32 $0xFFFFFFFF  }
0xa5: {  	s26 =	simm.s32 $execute0_lowered;
	[smem:$0x3FD2] =	sst s25  }
0xa6: {  	s4 =	sshll.u32 s26, $0x1;
	_ =	strace $0x8000004C;
	[dreg:$0x1] =	wrdreg $0xFFFFFFFF  }
0xa7: {  	s28 =	simm.s32 $_size_execute0_lowered;
	s2 =	sadd.s32 s2, s4;
	[dreg:$0x0] =	wrdreg $0x0  }
0xa8: {  	s4 =	sshll.u32 s28, $0x1;
	[dreg:$0x2] =	wrdreg s2  }
0xa9: {  	[dreg:$0x3] =	wrdreg s4  }
0xaa: {  	[dreg:$0x4] =	wrdreg $0xC0  }
0xab: {  	_ =	task [dreg:s6], $0x5FFFF  }
0xac: {  	[dreg:$0x1] =	wrdreg $0xFFFFFFFF  }
0xad: {  	[dreg:$0x0] =	wrdreg $0x60  }
0xae: {  	[dreg:$0x2] =	wrdreg s24  }
0xaf: {  	[dreg:$0x3] =	wrdreg $0x82000  }
0xb0: {  	[dreg:$0x4] =	wrdreg $0x9  }
0xb1: {  	_ =	task.clear_ibuf [dreg:s6], $0x5FFFF;
	_ =	strace $0x9000004C  }
0xb2: {  	s29 =	simm.s32 $0x9;
	_ =	strace $0x8000004E  }
0xb3: {  	_ =	swait.ge [sflag:s29], $0x1  }
0xb4: {  	[sflag:s29] =	ssyncadd.s32 $0xFFFFFFFF  }
0xb5: {  	_ =	strace $0x9000004E  }
0xb6: {  	_ =	sfence  }
0xb7: {  	s30 =	sld [smem:$0x0];
	_ =	sdelay $0x2  }
0xb8: {  	s31 =	sshll.u32 s1, $0xD;
	s1 =	sshrl.u32 s1, $0x2  }
0xb9: {  	s3 =	sand.u32 $0x4000, s31;
	s1 =	sadd.s32 s1, s30  }
0xba: {  	s0 =	sor.u32 s3, s0;
	s1 =	sshll.u32 s1, $0x11  }
0xbb: {  	s0 =	sor.u32 s1, s0  }
0xbc: {  	s0 =	sadd.s32 $0x8F2B, s0  }
0xbd: {  	[sflag:s0] =	ssyncadd.remote.s32 $0x1  }
0xbe: {  	_ =	sfence.sel $0xFFFF  }
0xbf: {  	[dreg:$0x0] =	wrdreg $0xFFFFFFFF;
	(pc) =	sbr.abs _section_cstart, $3  }
0xc0: {  	[dreg:$0x1] =	wrdreg $0xFFFFFFFF  }
0xc1: {  	_ =	task.clear_ibuf [dreg:s6], $0x2FFFF;
	_ =	strace $0x9FFFFFFF  }
0xc2: {  	(tm) =	ssettm $0x7FFFFFFF  }
0xc3: {  	_ =	shalt  }
tec
execute0_lowered:
.L_overlay_start_1:
0x0: {  	(tag) =	ssettag $0x1  }
0x1: {  	s0 =	rddreg [dreg:$0x0]  }
0x2: {  	s2 =	rddreg [dreg:$0x1];
	s3 =	simm.s32 $0x0;
	s1 =	srdreg.scid  }
0x3: {  	s14 =	stileid.u32;
	s28 =	simm.s32 $0x3;
	s29 =	simm.s32 $0x4200  }
0x4: {  	s30 =	simm.s32 $0x5;
	s31 =	simm.s32 $0x2;
	[smem:$0x7FF] =	sst s3  }
0x5: {  	s1 =	sand.u32 $0x1, s1;
	s5 =	smul.u32 $0x280, s14;
	s4 =	sadd.s32 $0x16200, s0  }
0x6: {  	s11 =	sadd.s32 $0xBC00, s0;
	s7 =	sshll.u32 s14, $0x1;
	s12 =	sadd.s32 $0x1E00, s0  }
0x7: {  	s18 =	smul.u32 $0x50000, s14;
	s8 =	sadd.s32 $0x15A00, s0;
	s24 =	sshll.u32 s14, $0x5  }
0x8: {  	_ =	strace $0x8000004D;
	s6 =	smul.u32 $0x2800, s1;
	s17 =	sor.u32 s1, s7  }
0x9: {  	[dreg:$0x3] =	wrdreg s8;
	s20 =	ssub.s32 $0x2, s1;
	s25 =	sadd.s32 s24, s11  }
0xa: {  	s1 =	sshll.u32 s1, $0x4;
	s26 =	sadd.s32 s24, s12;
	s24 =	simm.s32 $0x100  }
0xb: {  	s13 =	ssub.s32 $0x9E3, s17;
	s7 =	sshrl.u32 s18, $0x2;
	s9 =	sshrl.u32 s20, $0x1  }
0xc: {  	s5 =	sadd.s32 s5, s6;
	s19 =	sand.u32 $0x9E0, s13;
	s6 =	sadd.s32 s7, s2  }
0xd: {  	s18 =	ssub.s32 s20, s9;
	s13 =	sand.u32 $0x20, s13;
	s20 =	sadd.s32 s1, s26  }
0xe: {  	s26 =	simm.s32 $0x1;
	s5 =	sshll.u32 s5, $0x4;
	s7 =	sadd.s32 $0x4000, s6  }
0xf: {  	s8 =	sadd.s32 $0x8000, s6;
	s9 =	sadd.s32 $0xC000, s6;
	s10 =	sadd.s32 $0x10000, s6  }
0x10: {  	s18 =	smax.u32 s18, $0x1;
	p0 =	seq.s32 s13, $0x0;
	s0 =	sadd.s32 s5, s0  }
0x11: {  	s5 =	sor.u32 s17, s19;
	s19 =	sadd.s32 s1, s25;
	s25 =	simm.s32 $0x180  }
0x12: {  	s1 =	simm.s32 $0x4;
	s5 =	sshll.u32 s5, $0x4;
	s21 =	sadd.s32 $0x3D400, s0  }
0x13: {  	s22 =	sadd.s32 $0x3DC00, s0;
	s23 =	sadd.s32 $0x3E400, s0;
	s16 =	sadd.s32 $0x3EC00, s0  }
0x14: {  	s17 =	sadd.s32 $0x3F400, s0;
	s5 =	sadd.s32 $0x1FFFFE00, s5;
	[dreg:$0x6] =	wrdreg s21  }
0x15: {  	s0 =	simm.s32 $0x6;
	[dreg:$0x7] =	wrdreg s22;
	s5 =	sand.u32 $0x9DF0, s5  }
0x16: {  	[dreg:$0x8] =	wrdreg s23;
	s21 =	simm.s32 $0x200;
	s15 =	sadd.s32 s11, s5  }
0x17: {  	s22 =	simm.s32 $0x7;
	s5 =	sadd.s32 s12, s5;
	[dreg:$0x4] =	wrdreg s15  }
0x18: {  	s23 =	simm.s32 $0x80;
	[dreg:$0x5] =	wrdreg s5;
	s5 =	simm.s32 $0x0  }
.LBB2_1:
0x19: {  	s11 =	rddreg [dreg:$0x3]  }
0x1a: {  	[tilespmem:s21], [sflag:$0x7] =	stream.linear.gather [hbm4b:s11+s3], $0x4000, $0x38;
	[tilespmem:$0x1C200] =	vst v63  }
0x1b: {  	_ =	swait.ge [sflag:s22], $0x4000  }
0x1c: {  	[sflag:s22] =	ssyncset.done $0x0  }
0x1d: {  	[sflag:s22] =	ssyncadd.s32 $0xFFFFC000  }
0x1e: {  	[spmem:s6] =	stream.linear.scatter [tilespmem:s21], [sflag:$0x7], $0x4000, $0x38;
	[tilespmem:$0x1C200] =	vst v63  }
0x1f: {  	_ =	swait.ge [sflag:s22], $0x4000  }
0x20: {  	[sflag:s22] =	ssyncset.done $0x0  }
0x21: {  	[sflag:s22] =	ssyncadd.s32 $0xFFFFC000  }
0x22: {  	[spmem:s7] =	stream.linear.scatter [tilespmem:s21], [sflag:$0x7], $0x4000, $0x38;
	[tilespmem:$0x1C200] =	vst v63  }
0x23: {  	_ =	swait.ge [sflag:s22], $0x4000  }
0x24: {  	[sflag:s22] =	ssyncset.done $0x0  }
0x25: {  	[sflag:s22] =	ssyncadd.s32 $0xFFFFC000  }
0x26: {  	[spmem:s8] =	stream.linear.scatter [tilespmem:s21], [sflag:$0x7], $0x4000, $0x38;
	[tilespmem:$0x1C200] =	vst v63  }
0x27: {  	_ =	swait.ge [sflag:s22], $0x4000  }
0x28: {  	[sflag:s22] =	ssyncset.done $0x0  }
0x29: {  	[sflag:s22] =	ssyncadd.s32 $0xFFFFC000  }
0x2a: {  	[spmem:s9] =	stream.linear.scatter [tilespmem:s21], [sflag:$0x7], $0x4000, $0x38;
	[tilespmem:$0x1C200] =	vst v63  }
0x2b: {  	_ =	swait.ge [sflag:s22], $0x4000  }
0x2c: {  	[sflag:s22] =	ssyncset.done $0x0  }
0x2d: {  	[sflag:s22] =	ssyncadd.s32 $0xFFFFC000  }
0x2e: {  	[spmem:s10] =	stream.linear.scatter [tilespmem:s21], [sflag:$0x7], $0x4000, $0x38;
	[tilespmem:$0x1C200] =	vst v63  }
0x2f: {  	_ =	swait.ge [sflag:s22], $0x4000  }
0x30: {  	[sflag:s22] =	ssyncset.done $0x0  }
0x31: {  	[sflag:s22] =	ssyncadd.s32 $0xFFFFC000  }
0x32: {  	s14 =	sadd.s32 $0x0, s19;
	[bflag:$0x0] =	sbarrier.arrive $0xFFFF  }
0x33: {  	[tilespmem:s3], [sflag:$0x1] =	stream.linear.gather [hbm4b:s14+s3], $0x80, $0x38;
	[tilespmem:$0x1C200] =	vst v63  }
0x34: {  	s12 =	sadd.s32 $0x0, s20  }
0x35: {  	[tilespmem:s23], [sflag:$0x2] =	stream.linear.gather [hbm4b:s12+s3], $0x80, $0x38;
	[tilespmem:$0x1C200] =	vst v63  }
0x36: {  	s11 =	sadd.s32 $0x200, s14  }
0x37: {  	[tilespmem:s24], [sflag:$0x3] =	stream.linear.gather [hbm4b:s11+s3], $0x80, $0x38;
	[tilespmem:$0x1C200] =	vst v63  }
0x38: {  	s15 =	sadd.s32 $0x200, s12  }
0x39: {  	[tilespmem:s25], [sflag:$0x4] =	stream.linear.gather [hbm4b:s15+s3], $0x80, $0x38;
	[tilespmem:$0x1C200] =	vst v63  }
0x3a: {  	_ =	swait.ge [sflag:s26], $0x80  }
0x3b: {  	[sflag:s26] =	ssyncset.done $0x0  }
0x3c: {  	[sflag:s26] =	ssyncadd.s32 $0xFFFFFF80  }
0x3d: {  	[tilespmem:s21], [sflag:$0x5] =	stream.indirect.gather [hbm4b:s4+s23], $0x80, s3, s23, $0xb8;
	[tilespmem:$0x1C200] =	vst v63  }
0x3e: {  	_ =	swait.ge [sflag:s28], $0x80  }
0x3f: {  	[sflag:s28] =	ssyncset.done $0x0  }
0x40: {  	[sflag:s28] =	ssyncadd.s32 $0xFFFFFF80  }
0x41: {  	[tilespmem:s29], [sflag:$0x6] =	stream.indirect.gather [hbm4b:s4+s23], $0x80, s24, s23, $0xb8;
	[tilespmem:$0x1C200] =	vst v63  }
0x42: {  	_ =	swait.ge [sflag:s30], $0x4000  }
0x43: {  	[sflag:s30] =	ssyncset.done $0x0  }
0x44: {  	[sflag:s30] =	ssyncadd.s32 $0xFFFFC000  }
0x45: {  	_ =	swait.ge [sflag:s31], $0x80  }
0x46: {  	[sflag:s31] =	ssyncset.done $0x0  }
0x47: {  	[sflag:s31] =	ssyncadd.s32 $0xFFFFFF80  }
0x48: {  	[spmem:s2] =	stream.indirect.scatter.add.f32 [tilespmem:s21], [sflag:$0x7], $0x80, s23, s23, $0xb8;
	[tilespmem:$0x1C200] =	vst v63  }
0x49: {  	_ =	swait.ge [sflag:s22], $0x4000  }
0x4a: {  	[sflag:s22] =	ssyncset.done $0x0  }
0x4b: {  	[sflag:s22] =	ssyncadd.s32 $0xFFFFC000  }
0x4c: {  	_ =	swait.ge [sflag:s0], $0x4000  }
0x4d: {  	[sflag:s0] =	ssyncset.done $0x0  }
0x4e: {  	[sflag:s0] =	ssyncadd.s32 $0xFFFFC000  }
0x4f: {  	_ =	swait.ge [sflag:s1], $0x80  }
0x50: {  	[sflag:s1] =	ssyncset.done $0x0  }
0x51: {  	[sflag:s1] =	ssyncadd.s32 $0xFFFFFF80  }
0x52: {  	[spmem:s2] =	stream.indirect.scatter.add.f32 [tilespmem:s29], [sflag:$0x7], $0x80, s25, s23, $0xb8;
	[tilespmem:$0x1C200] =	vst v63  }
0x53: {  	_ =	swait.ge [sflag:s22], $0x4000  }
0x54: {  	s12 =	simm.s32 $0x800;
	s11 =	simm.s32 $0x400;
	[sflag:s22] =	ssyncset.done $0x0  }
.LBB2_2:
0x55: {  	s14 =	sadd.s32 s11, s19  }
0x56: {  	[sflag:s22] =	ssyncadd.s32 $0xFFFFC000;
	s15 =	smov.u32 s12;
	s13 =	sadd.s32 $0x400, s12  }
0x57: {  	[tilespmem:s3], [sflag:$0x1] =	stream.linear.gather [hbm4b:s14+s3], $0x80, $0x38;
	[tilespmem:$0x1C200] =	vst v63  }
0x58: {  	p1 =	sne.s32 s12, $0x9800;
	s12 =	sadd.s32 s11, s20;
	s11 =	smov.u32 s15  }
0x59: {  	[tilespmem:s23], [sflag:$0x2] =	stream.linear.gather [hbm4b:s12+s3], $0x80, $0x38;
	[tilespmem:$0x1C200] =	vst v63  }
0x5a: {  	s14 =	sadd.s32 $0x200, s14  }
0x5b: {  	[tilespmem:s24], [sflag:$0x3] =	stream.linear.gather [hbm4b:s14+s3], $0x80, $0x38;
	[tilespmem:$0x1C200] =	vst v63  }
0x5c: {  	s12 =	sadd.s32 $0x200, s12  }
0x5d: {  	[tilespmem:s25], [sflag:$0x4] =	stream.linear.gather [hbm4b:s12+s3], $0x80, $0x38;
	[tilespmem:$0x1C200] =	vst v63  }
0x5e: {  	_ =	swait.ge [sflag:s26], $0x80  }
0x5f: {  	[sflag:s26] =	ssyncset.done $0x0  }
0x60: {  	[sflag:s26] =	ssyncadd.s32 $0xFFFFFF80  }
0x61: {  	[tilespmem:s21], [sflag:$0x5] =	stream.indirect.gather [hbm4b:s4+s23], $0x80, s3, s23, $0xb8;
	[tilespmem:$0x1C200] =	vst v63  }
0x62: {  	_ =	swait.ge [sflag:s28], $0x80  }
0x63: {  	[sflag:s28] =	ssyncset.done $0x0  }
0x64: {  	[sflag:s28] =	ssyncadd.s32 $0xFFFFFF80  }
0x65: {  	[tilespmem:s29], [sflag:$0x6] =	stream.indirect.gather [hbm4b:s4+s23], $0x80, s24, s23, $0xb8;
	[tilespmem:$0x1C200] =	vst v63  }
0x66: {  	_ =	swait.ge [sflag:s30], $0x4000  }
0x67: {  	[sflag:s30] =	ssyncset.done $0x0  }
0x68: {  	[sflag:s30] =	ssyncadd.s32 $0xFFFFC000  }
0x69: {  	_ =	swait.ge [sflag:s31], $0x80  }
0x6a: {  	[sflag:s31] =	ssyncset.done $0x0  }
0x6b: {  	[sflag:s31] =	ssyncadd.s32 $0xFFFFFF80  }
0x6c: {  	[spmem:s2] =	stream.indirect.scatter.add.f32 [tilespmem:s21], [sflag:$0x7], $0x80, s23, s23, $0xb8;
	[tilespmem:$0x1C200] =	vst v63  }
0x6d: {  	_ =	swait.ge [sflag:s22], $0x4000  }
0x6e: {  	[sflag:s22] =	ssyncset.done $0x0  }
0x6f: {  	[sflag:s22] =	ssyncadd.s32 $0xFFFFC000  }
0x70: {  	_ =	swait.ge [sflag:s0], $0x4000  }
0x71: {  	[sflag:s0] =	ssyncset.done $0x0  }
0x72: {  	[sflag:s0] =	ssyncadd.s32 $0xFFFFC000  }
0x73: {  	_ =	swait.ge [sflag:s1], $0x80  }
.Ltmp0:
0x74: {  	[sflag:s1] =	ssyncset.done $0x0;
	(pc) =	sbr.rel @p1 .LBB2_2-.Ltmp0, $4  }
0x75: {  	[sflag:s1] =	ssyncadd.s32 $0xFFFFFF80  }
0x76: {  	[spmem:s2] =	stream.indirect.scatter.add.f32 [tilespmem:s29], [sflag:$0x7], $0x80, s25, s23, $0xb8;
	[tilespmem:$0x1C200] =	vst v63  }
0x77: {  	_ =	swait.ge [sflag:s22], $0x4000  }
0x78: {  	s12 =	smov.u32 s13;
	[sflag:s22] =	ssyncset.done $0x0  }
0x79: {  	s12 =	sadd.s32 s11, s19;
	[sflag:s22] =	ssyncadd.s32 $0xFFFFC000  }
0x7a: {  	[tilespmem:s3], [sflag:$0x1] =	stream.linear.gather [hbm4b:s12+s3], $0x80, $0x38;
	[tilespmem:$0x1C200] =	vst v63  }
0x7b: {  	s15 =	sadd.s32 s11, s20  }
0x7c: {  	[tilespmem:s23], [sflag:$0x2] =	stream.linear.gather [hbm4b:s15+s3], $0x80, $0x38;
	[tilespmem:$0x1C200] =	vst v63  }
0x7d: {  	s12 =	sadd.s32 $0x200, s12  }
0x7e: {  	[tilespmem:s24], [sflag:$0x3] =	stream.linear.gather [hbm4b:s12+s3], $0x80, $0x38;
	[tilespmem:$0x1C200] =	vst v63  }
0x7f: {  	s11 =	sadd.s32 $0x200, s15  }
0x80: {  	[tilespmem:s25], [sflag:$0x4] =	stream.linear.gather [hbm4b:s11+s3], $0x80, $0x38;
	[tilespmem:$0x1C200] =	vst v63  }
0x81: {  	_ =	swait.ge [sflag:s26], $0x80  }
0x82: {  	[sflag:s26] =	ssyncset.done $0x0  }
0x83: {  	[sflag:s26] =	ssyncadd.s32 $0xFFFFFF80  }
0x84: {  	[tilespmem:s21], [sflag:$0x5] =	stream.indirect.gather [hbm4b:s4+s23], $0x80, s3, s23, $0xb8;
	[tilespmem:$0x1C200] =	vst v63  }
0x85: {  	_ =	swait.ge [sflag:s28], $0x80  }
0x86: {  	[sflag:s28] =	ssyncset.done $0x0  }
0x87: {  	[sflag:s28] =	ssyncadd.s32 $0xFFFFFF80  }
0x88: {  	[tilespmem:s29], [sflag:$0x6] =	stream.indirect.gather [hbm4b:s4+s23], $0x80, s24, s23, $0xb8;
	[tilespmem:$0x1C200] =	vst v63  }
0x89: {  	_ =	swait.ge [sflag:s30], $0x4000  }
0x8a: {  	[sflag:s30] =	ssyncset.done $0x0  }
0x8b: {  	[sflag:s30] =	ssyncadd.s32 $0xFFFFC000  }
0x8c: {  	_ =	swait.ge [sflag:s31], $0x80  }
0x8d: {  	[sflag:s31] =	ssyncset.done $0x0  }
0x8e: {  	[sflag:s31] =	ssyncadd.s32 $0xFFFFFF80  }
0x8f: {  	[spmem:s2] =	stream.indirect.scatter.add.f32 [tilespmem:s21], [sflag:$0x7], $0x80, s23, s23, $0xb8;
	[tilespmem:$0x1C200] =	vst v63  }
0x90: {  	_ =	swait.ge [sflag:s22], $0x4000  }
0x91: {  	[sflag:s22] =	ssyncset.done $0x0  }
0x92: {  	[sflag:s22] =	ssyncadd.s32 $0xFFFFC000  }
0x93: {  	_ =	swait.ge [sflag:s0], $0x4000  }
0x94: {  	[sflag:s0] =	ssyncset.done $0x0  }
0x95: {  	[sflag:s0] =	ssyncadd.s32 $0xFFFFC000  }
0x96: {  	_ =	swait.ge [sflag:s1], $0x80  }
0x97: {  	[sflag:s1] =	ssyncset.done $0x0  }
0x98: {  	[sflag:s1] =	ssyncadd.s32 $0xFFFFFF80  }
0x99: {  	[spmem:s2] =	stream.indirect.scatter.add.f32 [tilespmem:s29], [sflag:$0x7], $0x80, s25, s23, $0xb8;
	[tilespmem:$0x1C200] =	vst v63  }
0x9a: {  	_ =	swait.ge [sflag:s22], $0x4000  }
0x9b: {  	[sflag:s22] =	ssyncset.done $0x0  }
0x9c: {  	s11 =	simm.s32 @!p0 $0x0;
	s12 =	rddreg [dreg:$0x4];
	[sflag:s22] =	ssyncadd.s32 $0xFFFFC000  }
0x9d: {  	[tilespmem:s11], [sflag:$0x7] =	stream.linear.gather @!p0 [hbm4b:s12+s11], $0x80, $0x38;
	[tilespmem:$0x1C200] =	vst v63  }
0x9e: {  	s12 =	simm.s32 @!p0 $0x7  }
0x9f: {  	_ =	swait.ge @!p0 [sflag:s12], $0x80  }
0xa0: {  	[sflag:s12] =	ssyncset.done @!p0 $0x0  }
0xa1: {  	s13 =	simm.s32 @!p0 $0x80;
	s14 =	rddreg [dreg:$0x5];
	[sflag:s12] =	ssyncadd.s32 @!p0 $0xFFFFFF80  }
0xa2: {  	[tilespmem:s13], [sflag:$0x7] =	stream.linear.gather @!p0 [hbm4b:s14+s11], $0x80, $0x38;
	[tilespmem:$0x1C200] =	vst v63  }
0xa3: {  	_ =	swait.ge @!p0 [sflag:s12], $0x80  }
0xa4: {  	[sflag:s12] =	ssyncset.done @!p0 $0x0  }
0xa5: {  	s14 =	simm.s32 @!p0 $0x200;
	[sflag:s12] =	ssyncadd.s32 @!p0 $0xFFFFFF80  }
0xa6: {  	[tilespmem:s14], [sflag:$0x5] =	stream.indirect.gather @!p0 [hbm4b:s4+s13], $0x80, s11, s13, $0xb8;
	[tilespmem:$0x1C200] =	vst v63  }
0xa7: {  	s11 =	simm.s32 @!p0 $0x5  }
0xa8: {  	_ =	swait.ge @!p0 [sflag:s11], $0x4000  }
0xa9: {  	[sflag:s11] =	ssyncset.done @!p0 $0x0  }
0xaa: {  	[sflag:s11] =	ssyncadd.s32 @!p0 $0xFFFFC000  }
0xab: {  	[spmem:s2] =	stream.indirect.scatter.add.f32 @!p0 [tilespmem:s14], [sflag:$0x7], $0x80, s13, s13, $0xb8;
	[tilespmem:$0x1C200] =	vst v63  }
0xac: {  	_ =	swait.ge @!p0 [sflag:s12], $0x4000  }
0xad: {  	[sflag:s12] =	ssyncset.done @!p0 $0x0  }
0xae: {  	[sflag:s12] =	ssyncadd.s32 @!p0 $0xFFFFC000  }
0xaf: {  	[bflag:$0x0] =	sbarrier.arrive $0xFFFF  }
0xb0: {  	[tilespmem:s21], [sflag:$0x7] =	stream.linear.gather [spmem:s6], $0x4000, $0x38;
	[tilespmem:$0x1C200] =	vst v63  }
0xb1: {  	_ =	swait.ge [sflag:s22], $0x4000  }
0xb2: {  	[sflag:s22] =	ssyncset.done $0x0  }
0xb3: {  	s13 =	rddreg [dreg:$0x6];
	[sflag:s22] =	ssyncadd.s32 $0xFFFFC000  }
0xb4: {  	[hbm4b:s13+s3] =	stream.linear.scatter [tilespmem:s21], [sflag:$0x7], $0x4000, $0x38;
	[tilespmem:$0x1C200] =	vst v63  }
0xb5: {  	_ =	swait.ge [sflag:s22], $0x4000  }
0xb6: {  	[sflag:s22] =	ssyncset.done $0x0  }
0xb7: {  	[sflag:s22] =	ssyncadd.s32 $0xFFFFC000  }
0xb8: {  	[tilespmem:s21], [sflag:$0x7] =	stream.linear.gather [spmem:s7], $0x4000, $0x38;
	[tilespmem:$0x1C200] =	vst v63  }
0xb9: {  	_ =	swait.ge [sflag:s22], $0x4000  }
0xba: {  	[sflag:s22] =	ssyncset.done $0x0  }
0xbb: {  	s14 =	rddreg [dreg:$0x7];
	[sflag:s22] =	ssyncadd.s32 $0xFFFFC000  }
0xbc: {  	[hbm4b:s14+s3] =	stream.linear.scatter [tilespmem:s21], [sflag:$0x7], $0x4000, $0x38;
	[tilespmem:$0x1C200] =	vst v63  }
0xbd: {  	_ =	swait.ge [sflag:s22], $0x4000  }
0xbe: {  	[sflag:s22] =	ssyncset.done $0x0  }
0xbf: {  	[sflag:s22] =	ssyncadd.s32 $0xFFFFC000  }
0xc0: {  	[tilespmem:s21], [sflag:$0x7] =	stream.linear.gather [spmem:s8], $0x4000, $0x38;
	[tilespmem:$0x1C200] =	vst v63  }
0xc1: {  	_ =	swait.ge [sflag:s22], $0x4000  }
0xc2: {  	[sflag:s22] =	ssyncset.done $0x0  }
0xc3: {  	s15 =	rddreg [dreg:$0x8];
	[sflag:s22] =	ssyncadd.s32 $0xFFFFC000  }
0xc4: {  	[hbm4b:s15+s3] =	stream.linear.scatter [tilespmem:s21], [sflag:$0x7], $0x4000, $0x38;
	[tilespmem:$0x1C200] =	vst v63  }
0xc5: {  	_ =	swait.ge [sflag:s22], $0x4000  }
0xc6: {  	[sflag:s22] =	ssyncset.done $0x0  }
0xc7: {  	[sflag:s22] =	ssyncadd.s32 $0xFFFFC000  }
0xc8: {  	[tilespmem:s21], [sflag:$0x7] =	stream.linear.gather [spmem:s9], $0x4000, $0x38;
	[tilespmem:$0x1C200] =	vst v63  }
0xc9: {  	_ =	swait.ge [sflag:s22], $0x4000  }
0xca: {  	[sflag:s22] =	ssyncset.done $0x0  }
0xcb: {  	[sflag:s22] =	ssyncadd.s32 $0xFFFFC000  }
0xcc: {  	[hbm4b:s16+s3] =	stream.linear.scatter [tilespmem:s21], [sflag:$0x7], $0x4000, $0x38;
	[tilespmem:$0x1C200] =	vst v63  }
0xcd: {  	_ =	swait.ge [sflag:s22], $0x4000  }
0xce: {  	[sflag:s22] =	ssyncset.done $0x0  }
0xcf: {  	[sflag:s22] =	ssyncadd.s32 $0xFFFFC000  }
0xd0: {  	[tilespmem:s21], [sflag:$0x7] =	stream.linear.gather [spmem:s10], $0x4000, $0x38;
	[tilespmem:$0x1C200] =	vst v63  }
0xd1: {  	s5 =	sadd.s32 $0x1, s5;
	_ =	swait.ge [sflag:s22], $0x4000  }
0xd2: {  	p1 =	sne.s32 s5, s18;
	[sflag:s22] =	ssyncset.done $0x0  }
.Ltmp1:
0xd3: {  	[sflag:s22] =	ssyncadd.s32 $0xFFFFC000;
	(pc) =	sbr.rel @p1 .LBB2_1-.Ltmp1, $4  }
0xd4: {  	[hbm4b:s17+s3] =	stream.linear.scatter [tilespmem:s21], [sflag:$0x7], $0x4000, $0x38;
	[tilespmem:$0x1C200] =	vst v63  }
0xd5: {  	_ =	swait.ge [sflag:s22], $0x4000  }
0xd6: {  	[sflag:s22] =	ssyncset.done $0x0  }
0xd7: {  	[sflag:s22] =	ssyncadd.s32 $0xFFFFC000  }
0xd8: {  	_ =	sfence.sel $0x180000  }
0xd9: {  	[bflag:$0x0] =	sbarrier.arrive $0xFFFF  }
0xda: {  	_ =	strace $0x9000004D  }
0xdb: {  	s0 =	stileid.u32;
	[bflag:$0x2] =	sbarrier.arrive $0xFFFF  }
0xdc: {  	p0 =	sne.s32 s0, $0x0;
	s0 =	rddreg [dreg:$0x2]  }
0xdd: {  	s0 =	sadd.s32 @!p0 $0x100000, s0  }
0xde: {  	[sflag:s0] =	ssyncadd.tile.s32 @!p0 $0x1;
	_ =	shalt  }
.Lfunc_end2:
_tile_overlayer_lowered:
.L_overlay_start_2:
0xdf: {  	(tag) =	ssettag $0x2  }
0xe0: {  	s0 =	rddreg [dreg:$0x0];
	s2 =	stileid.u32  }
0xe1: {  	s1 =	rddreg [dreg:$0x1];
	p0 =	sne.s32 s2, $0x0  }
0xe2: {  	s3 =	rddreg [dreg:$0x2];
	[bflag:$0x3] =	sbarrier.arrive $0xFFFF;
	s2 =	simm.s32 @!p0 $0x1C07  }
0xe3: {  	[timem:s3], [sflag:s2] =	dma.local @!p0 [hbm:s0], s1  }
0xe4: {  	s0 =	simm.s32 @!p0 $0x7  }
0xe5: {  	_ =	swait.ge @!p0 [sflag:s0], s1  }
0xe6: {  	s1 =	ssub.s32 @!p0 $0x0, s1;
	[sflag:s0] =	ssyncset.done @!p0 $0x0  }
0xe7: {  	[sflag:s0] =	ssyncadd.s32 @!p0 s1  }
0xe8: {  	[bflag:$0x3] =	sbarrier.arrive $0xFFFF  }
0xe9: {  	_ =	shalt  }

// kernel: kernel.7.cloned.1.call-start
scs
__scs_entry_jumppad:
0x0: {  	(pc) =	sbr.rel $0x88, $3  }
0x1: {  	(tag) =	ssettag $0x0;
	lr =	simm.s32 $0x1  }
0x2: {  	[smem:$0x3F99] =	sst lr;
	_ =	strace $0xD0000000  }
0x3: {  	_ = 	snop  }
0x4: {  	_ = 	snop  }
0x5: {  	_ = 	snop  }
0x6: {  	_ = 	snop  }
0x7: {  	_ = 	snop  }
__scs_overlays_trampoline_lowered:
0x8: {  	[smem:$0x3FA8] =	sst s0  }
0x9: {  	[smem:$0x3FA9] =	sst s1  }
0xa: {  	[smem:$0x3FAA] =	sst s2  }
0xb: {  	[smem:$0x3FAB] =	sst s3  }
0xc: {  	[smem:$0x3FAC] =	sst s4  }
0xd: {  	[smem:$0x3FAD] =	sst s5  }
0xe: {  	[smem:$0x3FAE] =	sst s6  }
0xf: {  	[smem:$0x3FAF] =	sst s7  }
0x10: {  	[smem:$0x3FB0] =	sst s8  }
0x11: {  	[smem:$0x3FB1] =	sst s9;
	s0 =	simm.s32 @!p0 $0x0  }
0x12: {  	s1 =	sld [smem:$0x3F97];
	s0 =	simm.s32 @p0 $0x1  }
0x13: {  	[smem:$0x3FB2] =	sst s0;
	s0 =	simm.s32 @!p1 $0x0  }
0x14: {  	s2 =	sld [smem:$0x3F96];
	s0 =	simm.s32 @p1 $0x1  }
0x15: {  	[smem:$0x3FB3] =	sst s0;
	s0 =	simm.s32 @!p2 $0x0  }
0x16: {  	s3 =	sld [smem:$0x3FDB];
	s0 =	simm.s32 @p2 $0x1  }
0x17: {  	s4 =	simm.s32 $0x1BF5;
	[smem:$0x3FB5] =	sst s0  }
0x18: {  	s0 =	sld [smem:$0x3F98];
	_ =	swait.ge [sflag:s4], $0x0  }
0x19: {  	s7 =	sld [smem:$0x3F99]  }
0x1a: {  	s8 =	sadd.s32 $0xFFFFE003, lr  }
0x1b: {  	s9 =	sadd.s32 $0xFFFFFEF7, lr;
	s5 =	simm.s32 $0xFFFFFFFF;
	p2 =	slt.u32 s8, $0xFFFFF086  }
0x1c: {  	p1 =	slt.u32 s9, $0xF7A;
	s5 =	simm.s32 @!p2 $0x0  }
0x1d: {  	s5 =	simm.s32 @p1 $0x1;
	p0 =	seq.s32 s7, s2  }
0x1e: {  	s7 =	smul.u32 @!p0 $0xF7A, s2;
	p2 =	seq.s32 @!p0 s5, $0x0  }
0x1f: {  	s9 =	smul.u32 $0xF7A, s1;
	s8 =	simm.s32 @!p0 $0x1BF5;
	p2 =	por !p2, p0  }
0x20: {  	[sflag:s8] =	ssyncset.s32 @!p0 $0xFFFFF086;
	s6 =	sadd.s32 @!p0 s3, s7;
	s7 =	simm.s32 @!p0 $0x108  }
0x21: {  	s3 =	sadd.s32 s3, s9;
	s6 =	sadd.s32 @!p0 $0x88, s6;
	s7 =	simm.s32 @p2 $0x1082  }
0x22: {  	[simem:s7], [sflag:s8] =	dma.local @!p0 [hbm:s6], $0xF7A  }
0x23: {  	s9 =	sor.u32 $0xD0000000, s2;
	s6 =	simm.s32 $0x108;
	_ =	swait.ge @!p0 [sflag:s8], $0x0  }
0x24: {  	s3 =	sadd.s32 $0x88, s3;
	s6 =	simm.s32 @!p1 $0x1082;
	[sflag:s4] =	ssyncset.s32 $0xFFFFF086  }
0x25: {  	[simem:s6], [sflag:s4] =	dma.local [hbm:s3], $0xF7A  }
0x26: {  	[smem:$0x3F99] =	sst s1;
	(tag) =	ssettag s2;
	_ =	strace s9  }
0x27: {  	s1 =	sld [smem:$0x3FA9]  }
0x28: {  	s2 =	sld [smem:$0x3FAA]  }
0x29: {  	s4 =	sld [smem:$0x3FAC]  }
0x2a: {  	p0 =	seq.s32 s5, $0x0;
	s5 =	sld [smem:$0x3FAD]  }
0x2b: {  	s6 =	sld [smem:$0x3FAE]  }
0x2c: {  	s7 =	sld [smem:$0x3FAF]  }
0x2d: {  	s3 =	simm.s32 $0x108;
	s8 =	sld [smem:$0x3FB0]  }
0x2e: {  	s3 =	simm.s32 @!p0 $0x1082;
	s9 =	sld [smem:$0x3FB1]  }
0x2f: {  	lr =	sadd.s32 s0, s3;
	s0 =	sld [smem:$0x3FA8]  }
0x30: {  	s3 =	sld [smem:$0x3FAB]  }
0x31: {  	[smem:$0x3FB4] =	sst s10  }
0x32: {  	s10 =	sld [smem:$0x3FB2];
	_ =	sdelay $0x3  }
0x33: {  	p0 =	seq.s32 s10, $0x1;
	s10 =	sld [smem:$0x3FB4];
	_ =	sdelay $0x3  }
0x34: {  	[smem:$0x3FB4] =	sst s10  }
0x35: {  	s10 =	sld [smem:$0x3FB3];
	_ =	sdelay $0x3  }
0x36: {  	p1 =	seq.s32 s10, $0x1;
	s10 =	sld [smem:$0x3FB4];
	_ =	sdelay $0x3  }
0x37: {  	[smem:$0x3FB4] =	sst s10  }
0x38: {  	s10 =	sld [smem:$0x3FB5]  }
0x39: {  	_ = 	snop;
	(pc) =	sbr.ind lr, $3  }
0x3a: {  	_ = 	snop  }
0x3b: {  	_ = 	snop  }
0x3c: {  	p2 =	seq.s32 s10, $0x1;
	s10 =	sld [smem:$0x3FB4]  }
0x3d: {  	_ =	shalt  }
0x3e: {  	_ =	shalt  }
0x3f: {  	_ =	shalt  }
0x40: {  	_ =	shalt  }
0x41: {  	_ =	shalt  }
0x42: {  	_ =	shalt  }
0x43: {  	_ =	shalt  }
0x44: {  	_ =	shalt  }
0x45: {  	_ =	shalt  }
0x46: {  	_ =	shalt  }
0x47: {  	_ =	shalt  }
0x48: {  	_ =	shalt  }
0x49: {  	_ =	shalt  }
0x4a: {  	_ =	shalt  }
0x4b: {  	_ =	shalt  }
0x4c: {  	_ =	shalt  }
0x4d: {  	_ =	shalt  }
0x4e: {  	_ =	shalt  }
0x4f: {  	_ =	shalt  }
0x50: {  	_ =	shalt  }
0x51: {  	_ =	shalt  }
0x52: {  	_ =	shalt  }
0x53: {  	_ =	shalt  }
0x54: {  	_ =	shalt  }
0x55: {  	_ =	shalt  }
0x56: {  	_ =	shalt  }
0x57: {  	_ =	shalt  }
0x58: {  	_ =	shalt  }
0x59: {  	_ =	shalt  }
0x5a: {  	_ =	shalt  }
0x5b: {  	_ =	shalt  }
0x5c: {  	_ =	shalt  }
0x5d: {  	_ =	shalt  }
0x5e: {  	_ =	shalt  }
0x5f: {  	_ =	shalt  }
0x60: {  	_ =	shalt  }
0x61: {  	_ =	shalt  }
0x62: {  	_ =	shalt  }
0x63: {  	_ =	shalt  }
0x64: {  	_ =	shalt  }
0x65: {  	_ =	shalt  }
0x66: {  	_ =	shalt  }
0x67: {  	_ =	shalt  }
0x68: {  	_ =	shalt  }
0x69: {  	_ =	shalt  }
0x6a: {  	_ =	shalt  }
0x6b: {  	_ =	shalt  }
0x6c: {  	_ =	shalt  }
0x6d: {  	_ =	shalt  }
0x6e: {  	_ =	shalt  }
0x6f: {  	_ =	shalt  }
0x70: {  	_ =	shalt  }
0x71: {  	_ =	shalt  }
0x72: {  	_ =	shalt  }
0x73: {  	_ =	shalt  }
0x74: {  	_ =	shalt  }
0x75: {  	_ =	shalt  }
0x76: {  	_ =	shalt  }
0x77: {  	_ =	shalt  }
0x78: {  	_ =	shalt  }
0x79: {  	_ =	shalt  }
0x7a: {  	_ =	shalt  }
0x7b: {  	_ =	shalt  }
0x7c: {  	_ =	shalt  }
0x7d: {  	_ =	shalt  }
0x7e: {  	_ =	shalt  }
0x7f: {  	_ =	shalt  }
0x80: {  	_ =	shalt  }
0x81: {  	_ =	shalt  }
0x82: {  	_ =	shalt  }
0x83: {  	_ =	shalt  }
0x84: {  	_ =	shalt  }
0x85: {  	_ =	shalt  }
0x86: {  	_ =	shalt  }
0x87: {  	_ =	shalt  }
.Lfunc_end0:
.L_simem_size_0:
called_computation_lowered:
.L_overlay_start_0:
0x88: {  	s2 =	sld [smem:$0x3FD9]  }
0x89: {  	s3 =	sld [smem:$0x3FFE];
	_ =	sdelay $0x1  }
0x8a: {  	s1 =	srdreg.scid  }
0x8b: {  	s0 =	sand.u32 $0x1, s1  }
0x8c: {  	s17 =	sshll.u32 s0, $0xA;
	s2 =	sadd.s32 s3, s2  }
0x8d: {  	s2 =	sadd.s32 s2, s17  }
0x8e: {  	[smem:$0x3FC0] =	sst s2  }
0x8f: {  	_ = 	snop  }
0x90: {  	s18 =	sld [smem:$0x3FD0];
	(tm) =	ssettm $0x1  }
0x91: {  	s19 =	sld [smem:$0x3FFB];
	_ =	sdelay $0x3  }
0x92: {  	_ =	strace s19  }
0x93: {  	s2 =	sld [smem:$0x3FFC];
	_ =	sdelay $0x3  }
0x94: {  	_ =	strace s2  }
0x95: {  	s2 =	sld [smem:$0x3FFD];
	_ =	sdelay $0x3  }
0x96: {  	_ =	strace s2  }
0x97: {  	_ =	strace $0x8FFFFFFF  }
0x98: {  	s20 =	sld [smem:$0x3FDB];
	_ =	sdelay $0x1  }
0x99: {  	s4 =	simm.s32 $_scs_section_size  }
0x9a: {  	s5 =	simm.s32 $_size__tile_overlayer_lowered;
	s6 =	simm.s32 $_tile_overlayer_lowered  }
0x9b: {  	s7 =	simm.s32 $0x1BFF;
	s21 =	sshll.u32 s6, $0x1;
	s4 =	sadd.s32 s4, s20  }
0x9c: {  	s22 =	simm.s32 $0x0;
	s5 =	sshll.u32 s5, $0x1;
	s6 =	sadd.s32 s21, s4  }
0x9d: {  	[timem:s22], [sflag:s7] =	dma.local [hbm:s6], s5  }
0x9e: {  	_ =	swait.ge [sflag:s7], s5  }
0x9f: {  	s5 =	ssub.s32 $0x0, s5;
	[sflag:s7] =	ssyncset.done $0x0  }
0xa0: {  	[sflag:s7] =	ssyncadd.s32 s5;
	_ =	sdelay $0x1  }
0xa1: {  	s23 =	simm.s32 $0x1B8B  }
0xa2: {  	_ =	swait.ge [sflag:s23], $0x1  }
0xa3: {  	[sflag:s23] =	ssyncset.done $0x0  }
0xa4: {  	[sflag:s23] =	ssyncadd.s32 $0xFFFFFFFF  }
0xa5: {  	s5 =	sld [smem:$0x0]  }
0xa6: {  	s6 =	sand.u32 $0xFFFFFFFE, s1  }
0xa7: {  	p0 =	sne.s32 s1, s6  }
0xa8: {  	s6 =	sshll.u32 @p0 s6, $0xE  }
0xa9: {  	s6 =	sadd.s32 @p0 $0x11B8D, s6;
	s7 =	sshll.u32 @p0 s5, $0x11  }
0xaa: {  	s6 =	sor.u32 @p0 s7, s6  }
0xab: {  	[sflag:s6] =	ssyncadd.remote.s32 @p0 $0x1;
	_ =	sdelay $0x1  }
0xac: {  	s6 =	simm.s32 @p0 $0x1B8D  }
0xad: {  	_ =	swait.eq @p0 [sflag:s6], $0x1  }
0xae: {  	[sflag:s6] =	ssyncadd.s32 @p0 $0xFFFFFFFF  }
0xaf: {  	s7 =	sshll.u32 @!p0 s1, $0xE  }
0xb0: {  	s7 =	sor.u32 @!p0 $0x4000, s7;
	s6 =	simm.s32 @!p0 $0x1B8D  }
0xb1: {  	s5 =	sshll.u32 @!p0 s5, $0x11;
	s7 =	sadd.s32 @!p0 $0x11B8D, s7;
	_ =	swait.eq @!p0 [sflag:s6], $0x1  }
0xb2: {  	s5 =	sor.u32 @!p0 s5, s7;
	[sflag:s6] =	ssyncadd.s32 @!p0 $0xFFFFFFFF  }
0xb3: {  	s25 =	simm.s32 $0x1B8E;
	s24 =	sld [smem:$0x3FFE];
	[sflag:s5] =	ssyncadd.remote.s32 @!p0 $0x1  }
0xb4: {  	s26 =	simm.s32 $execute0_lowered;
	[smem:$0x3FD2] =	sst s25  }
0xb5: {  	s6 =	sshll.u32 s26, $0x1;
	_ =	strace $0x80000049;
	[dreg:$0x1] =	wrdreg $0xFFFFFFFF  }
0xb6: {  	s28 =	simm.s32 $_size_execute0_lowered;
	s4 =	sadd.s32 s4, s6;
	[dreg:$0x0] =	wrdreg $0x0  }
0xb7: {  	s6 =	sshll.u32 s28, $0x1;
	[dreg:$0x2] =	wrdreg s4  }
0xb8: {  	[dreg:$0x3] =	wrdreg s6  }
0xb9: {  	[dreg:$0x4] =	wrdreg $0xC0  }
0xba: {  	_ =	task [dreg:s22], $0x5FFFF  }
0xbb: {  	[dreg:$0x1] =	wrdreg $0xFFFFFFFF  }
0xbc: {  	[dreg:$0x0] =	wrdreg $0x60  }
0xbd: {  	[dreg:$0x2] =	wrdreg s24  }
0xbe: {  	[dreg:$0x3] =	wrdreg s18  }
0xbf: {  	[dreg:$0x4] =	wrdreg $0x81000  }
0xc0: {  	[dreg:$0x5] =	wrdreg $0x9  }
0xc1: {  	_ =	task.clear_ibuf [dreg:s22], $0x6FFFF;
	_ =	strace $0x90000049  }
0xc2: {  	s29 =	simm.s32 $0x9;
	_ =	strace $0x8000004B  }
0xc3: {  	_ =	swait.ge [sflag:s29], $0x1  }
0xc4: {  	[sflag:s29] =	ssyncadd.s32 $0xFFFFFFFF  }
0xc5: {  	_ =	strace $0x9000004B  }
0xc6: {  	_ =	sfence  }
0xc7: {  	s30 =	sld [smem:$0x0];
	_ =	sdelay $0x2  }
0xc8: {  	s31 =	sshll.u32 s1, $0xD;
	s1 =	sshrl.u32 s1, $0x2  }
0xc9: {  	s4 =	sand.u32 $0x4000, s31;
	s1 =	sadd.s32 s1, s30  }
0xca: {  	s0 =	sor.u32 s4, s0;
	s1 =	sshll.u32 s1, $0x11  }
0xcb: {  	s0 =	sor.u32 s1, s0  }
0xcc: {  	s0 =	sadd.s32 $0x8F2B, s0  }
0xcd: {  	[sflag:s0] =	ssyncadd.remote.s32 $0x1  }
0xce: {  	_ =	sfence.sel $0xFFFF  }
0xcf: {  	[dreg:$0x0] =	wrdreg $0xFFFFFFFF;
	(pc) =	sbr.abs _section_cstart, $3  }
0xd0: {  	[dreg:$0x1] =	wrdreg $0xFFFFFFFF  }
0xd1: {  	_ =	task.clear_ibuf [dreg:s22], $0x2FFFF;
	_ =	strace $0x9FFFFFFF  }
0xd2: {  	(tm) =	ssettm $0x7FFFFFFF  }
0xd3: {  	_ =	shalt  }
tec
execute0_lowered:
.L_overlay_start_1:
0x0: {  	(tag) =	ssettag $0x1  }
0x1: {  	s6 =	rddreg [dreg:$0x0]  }
0x2: {  	s2 =	rddreg [dreg:$0x1]  }
0x3: {  	s3 =	rddreg [dreg:$0x2]  }
0x4: {  	s0 =	rddreg [dreg:$0x3]  }
0x5: {  	s5 =	srdreg.scid;
	s1 =	stileid.u32;
	s4 =	simm.s32 $0x0  }
0x6: {  	s21 =	simm.s32 $0x100;
	s22 =	simm.s32 $0x80;
	s23 =	simm.s32 $0x1  }
0x7: {  	s18 =	sand.u32 $0x1, s5;
	s24 =	smul.u32 $0x280, s1;
	[smem:$0x7FF] =	sst s4  }
0x8: {  	s8 =	sshll.u32 s1, $0x1;
	s19 =	sadd.s32 $0x1E00, s6;
	s9 =	smul.u32 $0x50000, s1  }
0x9: {  	s20 =	sshll.u32 s1, $0x5;
	s7 =	smul.u32 $0x2800, s18;
	_ =	strace $0x8000004A  }
0xa: {  	s25 =	sor.u32 s18, s8;
	s29 =	ssub.s32 $0x2, s18;
	s18 =	sshll.u32 s18, $0x4  }
0xb: {  	s11 =	ssub.s32 $0x9E3, s25;
	s9 =	sshrl.u32 s9, $0x2;
	s10 =	sshrl.u32 s29, $0x1  }
0xc: {  	s5 =	sadd.s32 s24, s7;
	s28 =	sand.u32 $0x9E0, s11;
	s17 =	ssub.s32 s29, s10  }
0xd: {  	s24 =	simm.s32 $0x2;
	s26 =	sshll.u32 s5, $0x4;
	s5 =	sadd.s32 $0x15A00, s6  }
0xe: {  	s7 =	sor.u32 s25, s28;
	s25 =	sand.u32 $0x20, s11;
	s17 =	smax.u32 s17, $0x1  }
0xf: {  	s16 =	sadd.s32 s26, s6;
	s6 =	sadd.s32 s9, s3;
	s30 =	sshll.u32 s7, $0x4  }
0x10: {  	p0 =	seq.s32 s25, $0x0;
	s25 =	simm.s32 $0x0;
	s7 =	sadd.s32 $0x4000, s6  }
0x11: {  	s31 =	sadd.s32 $0x1FFFFE00, s30;
	s8 =	sadd.s32 $0x8000, s6;
	s9 =	sadd.s32 $0xC000, s6  }
0x12: {  	s10 =	sadd.s32 $0x10000, s6;
	s13 =	sadd.s32 $0x66A00, s16;
	s12 =	sand.u32 $0x9DF0, s31  }
0x13: {  	s14 =	sadd.s32 $0x67200, s16;
	s15 =	sadd.s32 $0x67A00, s16;
	s11 =	sadd.s32 s19, s12  }
0x14: {  	s12 =	sadd.s32 $0x66200, s16;
	s16 =	sadd.s32 $0x68200, s16;
	s19 =	sadd.s32 s20, s19  }
0x15: {  	s20 =	simm.s32 $0x3;
	s18 =	sadd.s32 s18, s19;
	s19 =	simm.s32 $0x4100  }
.LBB2_1:
0x16: {  	[tilespmem:s19], [sflag:$0x3] =	stream.linear.gather [hbm4b:s5+s4], $0x4000, $0x38;
	[tilespmem:$0x1C100] =	vst v63  }
0x17: {  	_ =	swait.ge [sflag:s20], $0x4000  }
0x18: {  	[sflag:s20] =	ssyncset.done $0x0  }
0x19: {  	[sflag:s20] =	ssyncadd.s32 $0xFFFFC000  }
0x1a: {  	[spmem:s6] =	stream.linear.scatter [tilespmem:s19], [sflag:$0x3], $0x4000, $0x38;
	[tilespmem:$0x1C100] =	vst v63  }
0x1b: {  	_ =	swait.ge [sflag:s20], $0x4000  }
0x1c: {  	[sflag:s20] =	ssyncset.done $0x0  }
0x1d: {  	[sflag:s20] =	ssyncadd.s32 $0xFFFFC000  }
0x1e: {  	[spmem:s7] =	stream.linear.scatter [tilespmem:s19], [sflag:$0x3], $0x4000, $0x38;
	[tilespmem:$0x1C100] =	vst v63  }
0x1f: {  	_ =	swait.ge [sflag:s20], $0x4000  }
0x20: {  	[sflag:s20] =	ssyncset.done $0x0  }
0x21: {  	[sflag:s20] =	ssyncadd.s32 $0xFFFFC000  }
0x22: {  	[spmem:s8] =	stream.linear.scatter [tilespmem:s19], [sflag:$0x3], $0x4000, $0x38;
	[tilespmem:$0x1C100] =	vst v63  }
0x23: {  	_ =	swait.ge [sflag:s20], $0x4000  }
0x24: {  	[sflag:s20] =	ssyncset.done $0x0  }
0x25: {  	[sflag:s20] =	ssyncadd.s32 $0xFFFFC000  }
0x26: {  	[spmem:s9] =	stream.linear.scatter [tilespmem:s19], [sflag:$0x3], $0x4000, $0x38;
	[tilespmem:$0x1C100] =	vst v63  }
0x27: {  	_ =	swait.ge [sflag:s20], $0x4000  }
0x28: {  	[sflag:s20] =	ssyncset.done $0x0  }
0x29: {  	[sflag:s20] =	ssyncadd.s32 $0xFFFFC000  }
0x2a: {  	[spmem:s10] =	stream.linear.scatter [tilespmem:s19], [sflag:$0x3], $0x4000, $0x38;
	[tilespmem:$0x1C100] =	vst v63  }
0x2b: {  	_ =	swait.ge [sflag:s20], $0x4000  }
0x2c: {  	[sflag:s20] =	ssyncset.done $0x0  }
0x2d: {  	[sflag:s20] =	ssyncadd.s32 $0xFFFFC000  }
0x2e: {  	[tilespmem:s21], [sflag:$0x3] =	stream.linear.gather [hbm4b:s2+s4], $0x4000, $0x38;
	[tilespmem:$0x1C100] =	vst v63  }
0x2f: {  	_ =	swait.ge [sflag:s20], $0x4000  }
0x30: {  	[sflag:s20] =	ssyncset.done $0x0  }
0x31: {  	[sflag:s20] =	ssyncadd.s32 $0xFFFFC000  }
0x32: {  	s26 =	sadd.s32 $0x0, s18;
	[bflag:$0x0] =	sbarrier.arrive $0xFFFF  }
0x33: {  	[tilespmem:s4], [sflag:$0x1] =	stream.linear.gather [hbm4b:s26+s4], $0x80, $0x38;
	[tilespmem:$0x1C100] =	vst v63  }
0x34: {  	s26 =	sadd.s32 $0x200, s26  }
0x35: {  	[tilespmem:s22], [sflag:$0x2] =	stream.linear.gather [hbm4b:s26+s4], $0x80, $0x38;
	[tilespmem:$0x1C100] =	vst v63  }
0x36: {  	_ =	swait.ge [sflag:s23], $0x80  }
0x37: {  	[sflag:s23] =	ssyncset.done $0x0  }
0x38: {  	[sflag:s23] =	ssyncadd.s32 $0xFFFFFF80  }
0x39: {  	[spmem:s3] =	stream.indirect.scatter.add.f32 [tilespmem:s21], [sflag:$0x3], $0x80, s4, s22, $0xb8;
	[tilespmem:$0x1C100] =	vst v63  }
0x3a: {  	_ =	swait.ge [sflag:s20], $0x4000  }
0x3b: {  	[sflag:s20] =	ssyncset.done $0x0  }
0x3c: {  	[sflag:s20] =	ssyncadd.s32 $0xFFFFC000  }
0x3d: {  	_ =	swait.ge [sflag:s24], $0x80  }
0x3e: {  	[sflag:s24] =	ssyncset.done $0x0  }
0x3f: {  	[sflag:s24] =	ssyncadd.s32 $0xFFFFFF80  }
0x40: {  	[spmem:s3] =	stream.indirect.scatter.add.f32 [tilespmem:s21], [sflag:$0x3], $0x80, s22, s22, $0xb8;
	[tilespmem:$0x1C100] =	vst v63  }
0x41: {  	_ =	swait.ge [sflag:s20], $0x4000  }
0x42: {  	s28 =	simm.s32 $0x800;
	s26 =	simm.s32 $0x400;
	[sflag:s20] =	ssyncset.done $0x0  }
.LBB2_2:
0x43: {  	s29 =	sadd.s32 s26, s18  }
0x44: {  	[sflag:s20] =	ssyncadd.s32 $0xFFFFC000;
	s26 =	smov.u32 s28;
	s30 =	sadd.s32 $0x400, s28  }
0x45: {  	[tilespmem:s4], [sflag:$0x1] =	stream.linear.gather [hbm4b:s29+s4], $0x80, $0x38;
	[tilespmem:$0x1C100] =	vst v63  }
0x46: {  	p1 =	sne.s32 s28, $0x9800;
	s28 =	sadd.s32 $0x200, s29  }
0x47: {  	[tilespmem:s22], [sflag:$0x2] =	stream.linear.gather [hbm4b:s28+s4], $0x80, $0x38;
	[tilespmem:$0x1C100] =	vst v63  }
0x48: {  	_ =	swait.ge [sflag:s23], $0x80  }
0x49: {  	[sflag:s23] =	ssyncset.done $0x0  }
0x4a: {  	[sflag:s23] =	ssyncadd.s32 $0xFFFFFF80  }
0x4b: {  	[spmem:s3] =	stream.indirect.scatter.add.f32 [tilespmem:s21], [sflag:$0x3], $0x80, s4, s22, $0xb8;
	[tilespmem:$0x1C100] =	vst v63  }
0x4c: {  	_ =	swait.ge [sflag:s20], $0x4000  }
0x4d: {  	[sflag:s20] =	ssyncset.done $0x0  }
0x4e: {  	[sflag:s20] =	ssyncadd.s32 $0xFFFFC000  }
0x4f: {  	_ =	swait.ge [sflag:s24], $0x80  }
.Ltmp0:
0x50: {  	[sflag:s24] =	ssyncset.done $0x0;
	(pc) =	sbr.rel @p1 .LBB2_2-.Ltmp0, $4  }
0x51: {  	[sflag:s24] =	ssyncadd.s32 $0xFFFFFF80  }
0x52: {  	[spmem:s3] =	stream.indirect.scatter.add.f32 [tilespmem:s21], [sflag:$0x3], $0x80, s22, s22, $0xb8;
	[tilespmem:$0x1C100] =	vst v63  }
0x53: {  	_ =	swait.ge [sflag:s20], $0x4000  }
0x54: {  	s28 =	smov.u32 s30;
	[sflag:s20] =	ssyncset.done $0x0  }
0x55: {  	s26 =	sadd.s32 s26, s18;
	[sflag:s20] =	ssyncadd.s32 $0xFFFFC000  }
0x56: {  	[tilespmem:s4], [sflag:$0x1] =	stream.linear.gather [hbm4b:s26+s4], $0x80, $0x38;
	[tilespmem:$0x1C100] =	vst v63  }
0x57: {  	s26 =	sadd.s32 $0x200, s26  }
0x58: {  	[tilespmem:s22], [sflag:$0x2] =	stream.linear.gather [hbm4b:s26+s4], $0x80, $0x38;
	[tilespmem:$0x1C100] =	vst v63  }
0x59: {  	_ =	swait.ge [sflag:s23], $0x80  }
0x5a: {  	[sflag:s23] =	ssyncset.done $0x0  }
0x5b: {  	[sflag:s23] =	ssyncadd.s32 $0xFFFFFF80  }
0x5c: {  	[spmem:s3] =	stream.indirect.scatter.add.f32 [tilespmem:s21], [sflag:$0x3], $0x80, s4, s22, $0xb8;
	[tilespmem:$0x1C100] =	vst v63  }
0x5d: {  	_ =	swait.ge [sflag:s20], $0x4000  }
0x5e: {  	[sflag:s20] =	ssyncset.done $0x0  }
0x5f: {  	[sflag:s20] =	ssyncadd.s32 $0xFFFFC000  }
0x60: {  	_ =	swait.ge [sflag:s24], $0x80  }
0x61: {  	[sflag:s24] =	ssyncset.done $0x0  }
0x62: {  	[sflag:s24] =	ssyncadd.s32 $0xFFFFFF80  }
0x63: {  	[spmem:s3] =	stream.indirect.scatter.add.f32 [tilespmem:s21], [sflag:$0x3], $0x80, s22, s22, $0xb8;
	[tilespmem:$0x1C100] =	vst v63  }
0x64: {  	_ =	swait.ge [sflag:s20], $0x4000  }
0x65: {  	[sflag:s20] =	ssyncset.done $0x0  }
0x66: {  	s28 =	simm.s32 @!p0 $0x3;
	s26 =	simm.s32 @!p0 $0x0;
	[sflag:s20] =	ssyncadd.s32 $0xFFFFC000  }
0x67: {  	[tilespmem:s26], [sflag:$0x3] =	stream.linear.gather @!p0 [hbm4b:s11+s26], $0x80, $0x38;
	[tilespmem:$0x1C100] =	vst v63  }
0x68: {  	_ =	swait.ge @!p0 [sflag:s28], $0x80  }
0x69: {  	[sflag:s28] =	ssyncset.done @!p0 $0x0  }
0x6a: {  	s29 =	simm.s32 @!p0 $0x80;
	s30 =	simm.s32 @!p0 $0x100;
	[sflag:s28] =	ssyncadd.s32 @!p0 $0xFFFFFF80  }
0x6b: {  	[spmem:s3] =	stream.indirect.scatter.add.f32 @!p0 [tilespmem:s30], [sflag:$0x3], $0x80, s26, s29, $0xb8;
	[tilespmem:$0x1C100] =	vst v63  }
0x6c: {  	_ =	swait.ge @!p0 [sflag:s28], $0x4000  }
0x6d: {  	[sflag:s28] =	ssyncset.done @!p0 $0x0  }
0x6e: {  	[sflag:s28] =	ssyncadd.s32 @!p0 $0xFFFFC000  }
0x6f: {  	[bflag:$0x0] =	sbarrier.arrive $0xFFFF  }
0x70: {  	[tilespmem:s19], [sflag:$0x3] =	stream.linear.gather [spmem:s6], $0x4000, $0x38;
	[tilespmem:$0x1C100] =	vst v63  }
0x71: {  	_ =	swait.ge [sflag:s20], $0x4000  }
0x72: {  	[sflag:s20] =	ssyncset.done $0x0  }
0x73: {  	[sflag:s20] =	ssyncadd.s32 $0xFFFFC000  }
0x74: {  	[hbm4b:s12+s4] =	stream.linear.scatter [tilespmem:s19], [sflag:$0x3], $0x4000, $0x38;
	[tilespmem:$0x1C100] =	vst v63  }
0x75: {  	_ =	swait.ge [sflag:s20], $0x4000  }
0x76: {  	[sflag:s20] =	ssyncset.done $0x0  }
0x77: {  	[sflag:s20] =	ssyncadd.s32 $0xFFFFC000  }
0x78: {  	[tilespmem:s19], [sflag:$0x3] =	stream.linear.gather [spmem:s7], $0x4000, $0x38;
	[tilespmem:$0x1C100] =	vst v63  }
0x79: {  	_ =	swait.ge [sflag:s20], $0x4000  }
0x7a: {  	[sflag:s20] =	ssyncset.done $0x0  }
0x7b: {  	[sflag:s20] =	ssyncadd.s32 $0xFFFFC000  }
0x7c: {  	[hbm4b:s13+s4] =	stream.linear.scatter [tilespmem:s19], [sflag:$0x3], $0x4000, $0x38;
	[tilespmem:$0x1C100] =	vst v63  }
0x7d: {  	_ =	swait.ge [sflag:s20], $0x4000  }
0x7e: {  	[sflag:s20] =	ssyncset.done $0x0  }
0x7f: {  	[sflag:s20] =	ssyncadd.s32 $0xFFFFC000  }
0x80: {  	[tilespmem:s19], [sflag:$0x3] =	stream.linear.gather [spmem:s8], $0x4000, $0x38;
	[tilespmem:$0x1C100] =	vst v63  }
0x81: {  	_ =	swait.ge [sflag:s20], $0x4000  }
0x82: {  	[sflag:s20] =	ssyncset.done $0x0  }
0x83: {  	[sflag:s20] =	ssyncadd.s32 $0xFFFFC000  }
0x84: {  	[hbm4b:s14+s4] =	stream.linear.scatter [tilespmem:s19], [sflag:$0x3], $0x4000, $0x38;
	[tilespmem:$0x1C100] =	vst v63  }
0x85: {  	_ =	swait.ge [sflag:s20], $0x4000  }
0x86: {  	[sflag:s20] =	ssyncset.done $0x0  }
0x87: {  	[sflag:s20] =	ssyncadd.s32 $0xFFFFC000  }
0x88: {  	[tilespmem:s19], [sflag:$0x3] =	stream.linear.gather [spmem:s9], $0x4000, $0x38;
	[tilespmem:$0x1C100] =	vst v63  }
0x89: {  	_ =	swait.ge [sflag:s20], $0x4000  }
0x8a: {  	[sflag:s20] =	ssyncset.done $0x0  }
0x8b: {  	[sflag:s20] =	ssyncadd.s32 $0xFFFFC000  }
0x8c: {  	[hbm4b:s15+s4] =	stream.linear.scatter [tilespmem:s19], [sflag:$0x3], $0x4000, $0x38;
	[tilespmem:$0x1C100] =	vst v63  }
0x8d: {  	_ =	swait.ge [sflag:s20], $0x4000  }
0x8e: {  	[sflag:s20] =	ssyncset.done $0x0  }
0x8f: {  	[sflag:s20] =	ssyncadd.s32 $0xFFFFC000  }
0x90: {  	[tilespmem:s19], [sflag:$0x3] =	stream.linear.gather [spmem:s10], $0x4000, $0x38;
	[tilespmem:$0x1C100] =	vst v63  }
0x91: {  	s25 =	sadd.s32 $0x1, s25;
	_ =	swait.ge [sflag:s20], $0x4000  }
0x92: {  	p1 =	sne.s32 s25, s17;
	[sflag:s20] =	ssyncset.done $0x0  }
.Ltmp1:
0x93: {  	[sflag:s20] =	ssyncadd.s32 $0xFFFFC000;
	(pc) =	sbr.rel @p1 .LBB2_1-.Ltmp1, $4  }
0x94: {  	[hbm4b:s16+s4] =	stream.linear.scatter [tilespmem:s19], [sflag:$0x3], $0x4000, $0x38;
	[tilespmem:$0x1C100] =	vst v63  }
0x95: {  	_ =	swait.ge [sflag:s20], $0x4000  }
0x96: {  	[sflag:s20] =	ssyncset.done $0x0  }
0x97: {  	[sflag:s20] =	ssyncadd.s32 $0xFFFFC000  }
0x98: {  	_ =	sfence.sel $0x180000  }
0x99: {  	[bflag:$0x0] =	sbarrier.arrive $0xFFFF  }
0x9a: {  	p0 =	sne.s32 s1, $0x0;
	_ =	strace $0x9000004A  }
0x9b: {  	s0 =	sadd.s32 @!p0 $0x100000, s0;
	[bflag:$0x2] =	sbarrier.arrive $0xFFFF  }
0x9c: {  	[sflag:s0] =	ssyncadd.tile.s32 @!p0 $0x1;
	_ =	shalt  }
.Lfunc_end2:
_tile_overlayer_lowered:
.L_overlay_start_2:
0x9d: {  	(tag) =	ssettag $0x2  }
0x9e: {  	s0 =	rddreg [dreg:$0x0];
	s2 =	stileid.u32  }
0x9f: {  	s1 =	rddreg [dreg:$0x1];
	p0 =	sne.s32 s2, $0x0  }
0xa0: {  	s3 =	rddreg [dreg:$0x2];
	[bflag:$0x3] =	sbarrier.arrive $0xFFFF;
	s2 =	simm.s32 @!p0 $0x1C03  }
0xa1: {  	[timem:s3], [sflag:s2] =	dma.local @!p0 [hbm:s0], s1  }
0xa2: {  	s0 =	simm.s32 @!p0 $0x3  }
0xa3: {  	_ =	swait.ge @!p0 [sflag:s0], s1  }
0xa4: {  	s1 =	ssub.s32 @!p0 $0x0, s1;
	[sflag:s0] =	ssyncset.done @!p0 $0x0  }
0xa5: {  	[sflag:s0] =	ssyncadd.s32 @!p0 s1  }
0xa6: {  	[bflag:$0x3] =	sbarrier.arrive $0xFFFF  }
0xa7: {  	_ =	shalt  }

</sc_bundles>
